<compile_context>
chip_gen: v7x
topology: tpu7x:2x2x1
jax: 0.10.2.dev20260603
libtpu: 0.0.44.dev20260713+nightly
codegen_flags: <defaults>
</compile_context>

<pallas_src>
import functools

import jax
import jax.numpy as jnp
from jax import lax
from jax.experimental import pallas as pl
from jax.experimental.pallas import tpu as pltpu
from jax.experimental.pallas import tpu_sc as plsc

N = 10000
E = 320000
L = 16
NCORES = 2
NSUB = 16
NWORK = NCORES * NSUB
EPW = E // NWORK
EC = 8000

NB = 2000


def _mesh():
    return plsc.VectorSubcoreMesh(
        core_axis_name="c", subcore_axis_name="s",
        num_cores=NCORES, num_subcores=NSUB)


def _wid():
    return lax.axis_index("s") * NCORES + lax.axis_index("c")



def _deg_body(ew_hbm, src_hbm, degp_out, acc_v, src_v, ew_v, sems):
    wid = _wid()
    base = wid * EPW
    cps = (pltpu.make_async_copy(src_hbm.at[pl.ds(base, EPW)], src_v,
                                 sems.at[0]),
           pltpu.make_async_copy(ew_hbm.at[pl.ds(base, EPW)], ew_v,
                                 sems.at[1]))
    for cp in cps:
        cp.start()

    @plsc.parallel_loop(0, N // L, unroll=8)
    def zero(i):
        acc_v[pl.ds(i * L, L)] = jnp.zeros((L,), jnp.float32)
    for cp in cps:
        cp.wait()

    @plsc.parallel_loop(0, EPW // L, unroll=8)
    def body(g):
        s = src_v[pl.ds(g * L, L)]
        w = ew_v[pl.ds(g * L, L)]
        plsc.addupdate_scatter(acc_v, [s], w)
    pltpu.sync_copy(acc_v, degp_out.at[wid])


def _nw_body(dinv_hbm, src_hbm, dst_hbm, ew_hbm, nw_out, pk_out,
             dinv_v, src_v, dst_v, ew_v, nw_v, pk_v, sems):
    wid = _wid()
    base = wid * EPW
    cps = (pltpu.make_async_copy(dinv_hbm, dinv_v, sems.at[0]),
           pltpu.make_async_copy(src_hbm.at[pl.ds(base, EPW)], src_v,
                                 sems.at[1]),
           pltpu.make_async_copy(dst_hbm.at[pl.ds(base, EPW)], dst_v,
                                 sems.at[2]),
           pltpu.make_async_copy(ew_hbm.at[pl.ds(base, EPW)], ew_v,
                                 sems.at[3]))
    for cp in cps:
        cp.start()
    for cp in cps:
        cp.wait()

    @plsc.parallel_loop(0, EPW // L, unroll=8)
    def body(g):
        s = src_v[pl.ds(g * L, L)]
        d = dst_v[pl.ds(g * L, L)]
        w = ew_v[pl.ds(g * L, L)]
        a = plsc.load_gather(dinv_v, [s])
        b = plsc.load_gather(dinv_v, [d])
        nw_v[pl.ds(g * L, L)] = a * w * b
        pk_v[pl.ds(g * L, L)] = s | (d << 16)
    pltpu.sync_copy(nw_v, nw_out.at[pl.ds(base, EPW)])
    pltpu.sync_copy(pk_v, pk_out.at[pl.ds(base, EPW)])


def _make_prop(F, fpw):
    assert F == fpw * NSUB
    epw = E // 2
    ec = EC
    nchunks = epw // ec
    assert nchunks % 2 == 0 and epw % ec == 0

    def body(pt_hbm, pk_hbm, nw_hbm, gt_out, *scratch):
        pf = scratch[:fpw]
        gf = scratch[fpw:2 * fpw]
        pk_b = scratch[2 * fpw:2 * fpw + 2]
        nw_b = scratch[2 * fpw + 2:2 * fpw + 4]
        sems = scratch[2 * fpw + 4]
        psems = scratch[2 * fpw + 5]
        ehalf = lax.axis_index("c")
        f0 = lax.axis_index("s") * fpw
        pf_cps = [pltpu.make_async_copy(pt_hbm.at[f0 + j], pf[j],
                                        psems.at[j])
                  for j in range(fpw)]
        for cp in pf_cps:
            cp.start()

        def edge_copies(c, b):
            base = ehalf * epw + c * ec
            return (
                pltpu.make_async_copy(
                    pk_hbm.at[pl.ds(base, ec)], pk_b[b], sems.at[2 * b]),
                pltpu.make_async_copy(
                    nw_hbm.at[pl.ds(base, ec)], nw_b[b], sems.at[2 * b + 1]),
            )

        def issue(c, b):
            for cp in edge_copies(c, b):
                cp.start()

        issue(0, 0)
        issue(1, 1)

        @plsc.parallel_loop(0, N // L, unroll=8)
        def zero(i):
            z = jnp.zeros((L,), jnp.float32)
            for j in range(fpw):
                gf[j][pl.ds(i * L, L)] = z

        for cp in pf_cps:
            cp.wait()

        def process(c, b):
            for cp in edge_copies(c, b):
                cp.wait()

            @plsc.parallel_loop(0, ec // L, unroll=8)
            def grp(g):
                pk = pk_b[b][pl.ds(g * L, L)]
                w = nw_b[b][pl.ds(g * L, L)]
                s = pk & 0xFFFF
                d = lax.shift_right_logical(pk, 16)
                for j in range(fpw):
                    v = plsc.load_gather(pf[j], [s])
                    plsc.addupdate_scatter(gf[j], [d], v * w)

        def chunk2(k, carry):
            c0 = 2 * k
            process(c0, 0)

            @pl.when(c0 + 2 < nchunks)
            def _():
                issue(c0 + 2, 0)
            process(c0 + 1, 1)

            @pl.when(c0 + 3 < nchunks)
            def _():
                issue(c0 + 3, 1)
            return carry
        lax.fori_loop(0, nchunks // 2, chunk2, 0)

        gf_cps = [pltpu.make_async_copy(gf[j], gt_out.at[ehalf, f0 + j],
                                        psems.at[j])
                  for j in range(fpw)]
        for cp in gf_cps:
            cp.start()
        for cp in gf_cps:
            cp.wait()

    scratch = ([pltpu.VMEM((N,), jnp.float32)] * (2 * fpw)
               + [pltpu.VMEM((ec,), jnp.int32)] * 2
               + [pltpu.VMEM((ec,), jnp.float32)] * 2
               + [pltpu.SemaphoreType.DMA((4,)),
                  pltpu.SemaphoreType.DMA((fpw,))])
    return pl.kernel(
        body,
        out_type=jax.ShapeDtypeStruct((2, F, N), jnp.float32),
        mesh=_mesh(),
        scratch_types=scratch,
        compiler_params=pltpu.CompilerParams(needs_layout_passes=False),
    )


def _deg_kernel():
    return pl.kernel(
        _deg_body,
        out_type=jax.ShapeDtypeStruct((NWORK, N), jnp.float32),
        mesh=_mesh(),
        scratch_types=[pltpu.VMEM((N,), jnp.float32),
                       pltpu.VMEM((EPW,), jnp.int32),
                       pltpu.VMEM((EPW,), jnp.float32),
                       pltpu.SemaphoreType.DMA((2,))],
        compiler_params=pltpu.CompilerParams(needs_layout_passes=False),
    )


def _nw_kernel():
    return pl.kernel(
        _nw_body,
        out_type=[jax.ShapeDtypeStruct((E,), jnp.float32),
                  jax.ShapeDtypeStruct((E,), jnp.int32)],
        mesh=_mesh(),
        scratch_types=[pltpu.VMEM((N,), jnp.float32),
                       pltpu.VMEM((EPW,), jnp.int32),
                       pltpu.VMEM((EPW,), jnp.int32),
                       pltpu.VMEM((EPW,), jnp.float32),
                       pltpu.VMEM((EPW,), jnp.float32),
                       pltpu.VMEM((EPW,), jnp.int32),
                       pltpu.SemaphoreType.DMA((4,))],
        compiler_params=pltpu.CompilerParams(needs_layout_passes=False),
    )



def _tc1_body(x_ref, degp_ref, wd_ref, wp_ref, d1_ref, p1_ref, dinv_ref):
    deg = jnp.sum(degp_ref[...], axis=0, keepdims=True)
    deg_safe = jnp.where(deg > 0, deg, 1.0)
    dinv_ref[...] = jnp.where(deg > 0, lax.rsqrt(deg_safe), 0.0)
    xb = x_ref[...]
    dn = (((1,), (1,)), ((), ()))
    d1_ref[...] = lax.dot_general(wd_ref[...], xb, dimension_numbers=dn,
                                  preferred_element_type=jnp.float32)
    p1_ref[...] = lax.dot_general(wp_ref[...], xb, dimension_numbers=dn,
                                  preferred_element_type=jnp.float32)


def _tc1_call(x, degp, wdt, wpt):
    return pl.pallas_call(
        _tc1_body,
        out_shape=[
            jax.ShapeDtypeStruct((64, N), jnp.float32),
            jax.ShapeDtypeStruct((64, N), jnp.float32),
            jax.ShapeDtypeStruct((1, N), jnp.float32),
        ],
    )(x, degp, wdt, wpt)


def _tc2_body(d1_ref, g1_ref, bc_ref, wd_ref, wp_ref, d2_ref, p2_ref):
    pre = d1_ref[...] - (g1_ref[0] + g1_ref[1]) + bc_ref[...]
    z = jax.nn.sigmoid(pre[:32, :])
    ht = jnp.tanh(pre[32:, :])
    h = jax.nn.relu((1.0 - z) * ht)
    d2_ref[...] = jnp.dot(wd_ref[...], h, preferred_element_type=jnp.float32)
    p2_ref[...] = jnp.dot(wp_ref[...], h, preferred_element_type=jnp.float32)


def _tc2_call(d1t, g1t, bct, wdt, wpt):
    return pl.pallas_call(
        _tc2_body,
        out_shape=[
            jax.ShapeDtypeStruct((32, N), jnp.float32),
            jax.ShapeDtypeStruct((32, N), jnp.float32),
        ],
    )(d1t, g1t, bct, wdt, wpt)


def _tc3_body(d2_ref, g2_ref, bc_ref, lw_ref, lb_ref, out_ref):
    pre = d2_ref[...] - (g2_ref[0] + g2_ref[1]) + bc_ref[...]
    z = jax.nn.sigmoid(pre[:16, :])
    ht = jnp.tanh(pre[16:, :])
    h = jax.nn.relu((1.0 - z) * ht)
    logits = jnp.dot(lw_ref[...], h, preferred_element_type=jnp.float32)
    logits = logits + lb_ref[...]
    m = jnp.max(logits, axis=0, keepdims=True)
    shifted = logits - m
    ssum = jnp.sum(jnp.exp(shifted), axis=0, keepdims=True)
    out_ref[...] = shifted - jnp.log(ssum)


def _tc3_call(d2t, g2t, bct, lwt, lbt):
    return pl.pallas_call(
        _tc3_body,
        out_shape=jax.ShapeDtypeStruct((10, N), jnp.float32),
    )(d2t, g2t, bct, lwt, lbt)



def kernel(x, edge_index, edge_weight, params):
    src = edge_index[0]
    dst = edge_index[1]
    g1, g2 = params["gru1"], params["gru2"]
    wd1t = jnp.concatenate([g1["xz"]["W"][0], g1["xh"]["W"][0]], axis=1).T
    wp1t = jnp.concatenate([g1["xz"]["W"][1], g1["xh"]["W"][1]], axis=1).T
    bc1t = jnp.concatenate([g1["xz"]["b"] + g1["hz"]["b"],
                            g1["xh"]["b"] + g1["hh"]["b"]])[:, None]
    wd2t = jnp.concatenate([g2["xz"]["W"][0], g2["xh"]["W"][0]], axis=1).T
    wp2t = jnp.concatenate([g2["xz"]["W"][1], g2["xh"]["W"][1]], axis=1).T
    bc2t = jnp.concatenate([g2["xz"]["b"] + g2["hz"]["b"],
                            g2["xh"]["b"] + g2["hh"]["b"]])[:, None]
    lwt = params["lin_W"].T
    lbt = params["lin_b"][:, None]

    degp = _deg_kernel()(edge_weight, src)
    d1t, p1t, dinv2d = _tc1_call(x, degp, wd1t, wp1t)
    dinv = dinv2d.reshape(N)
    nw, pk = _nw_kernel()(dinv, src, dst, edge_weight)
    g1t = _make_prop(64, 4)(p1t, pk, nw)
    d2t, p2t = _tc2_call(d1t, g1t, bc1t, wd2t, wp2t)
    g2t = _make_prop(32, 2)(p2t, pk, nw)
    return _tc3_call(d2t, g2t, bc2t, lwt, lbt).T

# --- scband reference (transcript-rebuilt; emitter-appended) ---
"""Pipeline reference for scband-net-4260607557944 (READ-ONLY COPY).

The authoritative reference and input builder live on the scoring server;
editing this copy changes nothing except your own understanding.
"""

import jax, jax.numpy as jnp
import numpy as np

N = 10000
E = 320000
F_IN = 128
H1 = 32
H2 = 16
C = 10

def _mk(key, shape, scale=0.1):
    return jax.random.normal(key, shape, dtype=jnp.float32) * scale

def _cheb_params(key, fin, fout):
    k1, k2, k3 = jax.random.split(key, 3)
    return {"W": jnp.stack([_mk(k1, (fin, fout)), _mk(k2, (fin, fout))]), "b": _mk(k3, (fout,))}

def _gru_params(key, fin, fout):
    names = ["xz", "hz", "xr", "hr", "xh", "hh"]
    keys = jax.random.split(key, 6)
    return {n: _cheb_params(k, fin if n[0] == "x" else fout, fout) for n, k in zip(names, keys)}

def setup_inputs(seed: int = 0):
    key = jax.random.key(seed)
    kx, ke, kw, k1, k2, k3 = jax.random.split(key, 6)
    x = jax.random.normal(kx, (N, F_IN), dtype=jnp.float32)
    edge_index = jax.random.randint(ke, (2, E), 0, N, dtype=jnp.int32)
    edge_weight = jax.random.uniform(kw, (E,), dtype=jnp.float32)
    params = {
        "gru1": _gru_params(k1, F_IN, H1),
        "gru2": _gru_params(k2, H1, H2),
        "lin_W": _mk(k3, (H2, C)),
        "lin_b": jnp.zeros((C,), jnp.float32),
    }
    return {"x": x, "edge_index": edge_index, "edge_weight": edge_weight, "params": params}

def _cheb(x, p, src, dst, nw, n):
    # ChebConv, K=2, sym normalization, lambda_max=2.0 => T0 x = x, T1 x = L_hat x = -A_norm x
    out = x @ p["W"][0]
    tx1 = -jax.ops.segment_sum(nw[:, None] * x[src], dst, num_segments=n)
    return out + tx1 @ p["W"][1] + p["b"]

def _gconv_gru(x, p, src, dst, nw, n, fout):
    H = jnp.zeros((n, fout), x.dtype)
    Z = jax.nn.sigmoid(_cheb(x, p["xz"], src, dst, nw, n) + _cheb(H, p["hz"], src, dst, nw, n))
    R = jax.nn.sigmoid(_cheb(x, p["xr"], src, dst, nw, n) + _cheb(H, p["hr"], src, dst, nw, n))
    H_tilde = jnp.tanh(_cheb(x, p["xh"], src, dst, nw, n) + _cheb(H * R, p["hh"], src, dst, nw, n))
    return Z * H + (1.0 - Z) * H_tilde

def reference(x, edge_index, edge_weight, params):
    n = x.shape[0]
    src = edge_index[0]
    dst = edge_index[1]
    deg = jax.ops.segment_sum(edge_weight, src, num_segments=n)
    deg_safe = jnp.where(deg > 0, deg, 1.0)
    dinv = jnp.where(deg > 0, jax.lax.rsqrt(deg_safe), 0.0)
    nw = dinv[src] * edge_weight * dinv[dst]
    h = _gconv_gru(x, params["gru1"], src, dst, nw, n, H1)
    h = jax.nn.relu(h)
    # F.dropout(training=False) -> identity at inference
    h = _gconv_gru(h, params["gru2"], src, dst, nw, n, H2)
    h = jax.nn.relu(h)
    out = h @ params["lin_W"] + params["lin_b"]
    return jax.nn.log_softmax(out, axis=1)

if __name__ == "__main__":
    import jax
    _d = setup_inputs()
    print(jax.jit(kernel)(*tuple(_d.values())))

</pallas_src>

<mosaic_0001>
#map = affine_map<(d0, d1) -> (0)>
#map1 = affine_map<(d0, d1) -> (0, 0)>
module attributes {stable_mosaic.version = 14 : i64} {
  func.func @_deg_body(%arg0: i32, %arg1: i32, %arg2: memref<320000xf32, #tpu.memory_space<hbm>>, %arg3: memref<320000xi32, #tpu.memory_space<hbm>>, %arg4: memref<32x10000xf32, #tpu.memory_space<hbm>>, %arg5: memref<10000xf32, #tpu.memory_space<vmem>>, %arg6: memref<10000xi32, #tpu.memory_space<vmem>>, %arg7: memref<10000xf32, #tpu.memory_space<vmem>>, %arg8: memref<2x!tpu.dma_semaphore, #tpu.memory_space<semaphore_mem>>) attributes {dimension_semantics = [#tpu.dimension_semantics<core_parallel>, #tpu.dimension_semantics<subcore_parallel>], iteration_bounds = array<i64: 2, 16>, scalar_prefetch = 0 : i64, scratch_operands = 4 : i64, tpu.core_type = #tpu.core_type<sc_vector_subcore>, window_params = [{transform_indices = #map}, {transform_indices = #map}, {transform_indices = #map1}]} {
    %mul3A = arith.constant 2 : i32
    %mul3A_0 = arith.muli %arg1, %mul3A : i32
    %add3A = arith.addi %mul3A_0, %arg0 : i32
    %mul3A_1 = arith.constant 10000 : i32
    %mul3A_2 = arith.muli %add3A, %mul3A_1 : i32
    %dma_start3A = arith.constant 0 : i32
    %dma_start3A_3 = tpu.memref_slice %arg3[%mul3A_2] : memref<320000xi32, #tpu.memory_space<hbm>> -> memref<10000xi32, #tpu.memory_space<hbm>>
    %dma_start3A_4 = tpu.memref_slice %arg8[%dma_start3A] : memref<2x!tpu.dma_semaphore, #tpu.memory_space<semaphore_mem>> -> memref<1x!tpu.dma_semaphore, #tpu.memory_space<semaphore_mem>>
    %dma_start3A_5 = tpu.memref_squeeze %dma_start3A_4 : memref<1x!tpu.dma_semaphore, #tpu.memory_space<semaphore_mem>> -> memref<!tpu.dma_semaphore, #tpu.memory_space<semaphore_mem>>
    %dma_start3A_6 = tpu.memref_slice %arg3[%mul3A_2] : memref<320000xi32, #tpu.memory_space<hbm>> -> memref<10000xi32, #tpu.memory_space<hbm>>
    tpu.enqueue_dma source(%dma_start3A_6 : memref<10000xi32, #tpu.memory_space<hbm>>) target(%arg6 : memref<10000xi32, #tpu.memory_space<vmem>>) target_semaphore(%dma_start3A_5 : memref<!tpu.dma_semaphore, #tpu.memory_space<semaphore_mem>>)
    %dma_start3A_7 = arith.constant 1 : i32
    %dma_start3A_8 = tpu.memref_slice %arg2[%mul3A_2] : memref<320000xf32, #tpu.memory_space<hbm>> -> memref<10000xf32, #tpu.memory_space<hbm>>
    %dma_start3A_9 = tpu.memref_slice %arg8[%dma_start3A_7] : memref<2x!tpu.dma_semaphore, #tpu.memory_space<semaphore_mem>> -> memref<1x!tpu.dma_semaphore, #tpu.memory_space<semaphore_mem>>
    %dma_start3A_10 = tpu.memref_squeeze %dma_start3A_9 : memref<1x!tpu.dma_semaphore, #tpu.memory_space<semaphore_mem>> -> memref<!tpu.dma_semaphore, #tpu.memory_space<semaphore_mem>>
    %dma_start3A_11 = tpu.memref_slice %arg2[%mul3A_2] : memref<320000xf32, #tpu.memory_space<hbm>> -> memref<10000xf32, #tpu.memory_space<hbm>>
    tpu.enqueue_dma source(%dma_start3A_11 : memref<10000xf32, #tpu.memory_space<hbm>>) target(%arg7 : memref<10000xf32, #tpu.memory_space<vmem>>) target_semaphore(%dma_start3A_10 : memref<!tpu.dma_semaphore, #tpu.memory_space<semaphore_mem>>)
    %parallel_loop3A = arith.constant 0 : i32
    %parallel_loop3A_12 = arith.constant 625 : i32
    %parallel_loop3A_13 = arith.constant 1 : i32
    scf.for %parallel_loop3A_26 = %parallel_loop3A to %parallel_loop3A_12 step %parallel_loop3A_13  : i32 {
      %parallel_loop3A_27 = arith.constant 0.000000e+00 : f32
      %parallel_loop3A_28 = vector.broadcast %parallel_loop3A_27 : f32 to vector<16xf32>
      %parallel_loop3A_29 = arith.constant 16 : i32
      %parallel_loop3A_30 = arith.muli %parallel_loop3A_26, %parallel_loop3A_29 : i32
      %parallel_loop3A_31 = arith.index_cast %parallel_loop3A_30 : i32 to index
      %parallel_loop3A_32 = tpu.vector_load %arg5[%parallel_loop3A_31] {strides = array<i32>} : memref<10000xf32, #tpu.memory_space<vmem>>, vector<16xf32>,
      tpu.vector_store %arg5[%parallel_loop3A_31], %parallel_loop3A_28 {strides = array<i32>} : memref<10000xf32, #tpu.memory_space<vmem>>, vector<16xf32>,
    } {sc.loop_unroll_factor = 8 : i64, sc.parallel_access}
    %dma_wait3A = arith.constant 0 : i32
    %dma_wait3A_14 = tpu.memref_slice %arg3[%mul3A_2] : memref<320000xi32, #tpu.memory_space<hbm>> -> memref<10000xi32, #tpu.memory_space<hbm>>
    %dma_wait3A_15 = tpu.memref_slice %arg8[%dma_wait3A] : memref<2x!tpu.dma_semaphore, #tpu.memory_space<semaphore_mem>> -> memref<1x!tpu.dma_semaphore, #tpu.memory_space<semaphore_mem>>
    %dma_wait3A_16 = tpu.memref_squeeze %dma_wait3A_15 : memref<1x!tpu.dma_semaphore, #tpu.memory_space<semaphore_mem>> -> memref<!tpu.dma_semaphore, #tpu.memory_space<semaphore_mem>>
    %dma_wait3A_17 = tpu.memref_slice %arg3[%mul3A_2] : memref<320000xi32, #tpu.memory_space<hbm>> -> memref<10000xi32, #tpu.memory_space<hbm>>
    tpu.wait_dma2 semaphore(%dma_wait3A_16 : memref<!tpu.dma_semaphore, #tpu.memory_space<semaphore_mem>>) src(%dma_wait3A_17 : memref<10000xi32, #tpu.memory_space<hbm>>) dst(%arg6 : memref<10000xi32, #tpu.memory_space<vmem>>)
    %dma_wait3A_18 = arith.constant 1 : i32
    %dma_wait3A_19 = tpu.memref_slice %arg2[%mul3A_2] : memref<320000xf32, #tpu.memory_space<hbm>> -> memref<10000xf32, #tpu.memory_space<hbm>>
    %dma_wait3A_20 = tpu.memref_slice %arg8[%dma_wait3A_18] : memref<2x!tpu.dma_semaphore, #tpu.memory_space<semaphore_mem>> -> memref<1x!tpu.dma_semaphore, #tpu.memory_space<semaphore_mem>>
    %dma_wait3A_21 = tpu.memref_squeeze %dma_wait3A_20 : memref<1x!tpu.dma_semaphore, #tpu.memory_space<semaphore_mem>> -> memref<!tpu.dma_semaphore, #tpu.memory_space<semaphore_mem>>
    %dma_wait3A_22 = tpu.memref_slice %arg2[%mul3A_2] : memref<320000xf32, #tpu.memory_space<hbm>> -> memref<10000xf32, #tpu.memory_space<hbm>>
    tpu.wait_dma2 semaphore(%dma_wait3A_21 : memref<!tpu.dma_semaphore, #tpu.memory_space<semaphore_mem>>) src(%dma_wait3A_22 : memref<10000xf32, #tpu.memory_space<hbm>>) dst(%arg7 : memref<10000xf32, #tpu.memory_space<vmem>>)
    %parallel_loop3A_23 = arith.constant 0 : i32
    %parallel_loop3A_24 = arith.constant 625 : i32
    %parallel_loop3A_25 = arith.constant 1 : i32
    scf.for %parallel_loop3A_26 = %parallel_loop3A_23 to %parallel_loop3A_24 step %parallel_loop3A_25  : i32 {
      %parallel_loop3A_27 = arith.constant 16 : i32
      %parallel_loop3A_28 = arith.muli %parallel_loop3A_26, %parallel_loop3A_27 : i32
      %parallel_loop3A_29 = arith.index_cast %parallel_loop3A_28 : i32 to index
      %parallel_loop3A_30 = tpu.vector_load %arg6[%parallel_loop3A_29] {strides = array<i32>} : memref<10000xi32, #tpu.memory_space<vmem>>, vector<16xi32>,
      %parallel_loop3A_31 = arith.constant 16 : i32
      %parallel_loop3A_32 = arith.muli %parallel_loop3A_26, %parallel_loop3A_31 : i32
      %parallel_loop3A_33 = arith.index_cast %parallel_loop3A_32 : i32 to index
      %parallel_loop3A_34 = tpu.vector_load %arg7[%parallel_loop3A_33] {strides = array<i32>} : memref<10000xf32, #tpu.memory_space<vmem>>, vector<16xf32>,
      tpu.vector_store_idx %arg5[%parallel_loop3A_30], %parallel_loop3A_34 {add = true} : memref<10000xf32, #tpu.memory_space<vmem>>[vector<16xi32>], vector<16xf32>,
    } {sc.loop_unroll_factor = 8 : i64, sc.parallel_access}
    "tpu.region"() ({
      %run_scoped3A = tpu.sem_alloc : memref<!tpu.dma_semaphore, #tpu.memory_space<semaphore_mem>>
      %dma_start3A_26 = arith.constant 0 : i32
      %dma_start3A_27 = tpu.memref_slice %arg4[%add3A, %dma_start3A_26] : memref<32x10000xf32, #tpu.memory_space<hbm>> -> memref<1x10000xf32, #tpu.memory_space<hbm>>
      %dma_start3A_28 = tpu.memref_squeeze %dma_start3A_27 : memref<1x10000xf32, #tpu.memory_space<hbm>> -> memref<10000xf32, #tpu.memory_space<hbm>>
      %dma_start3A_29 = arith.constant 0 : i32
      %dma_start3A_30 = tpu.memref_slice %arg4[%add3A, %dma_start3A_29] : memref<32x10000xf32, #tpu.memory_space<hbm>> -> memref<1x10000xf32, #tpu.memory_space<hbm>>
      %dma_start3A_31 = tpu.memref_squeeze %dma_start3A_30 : memref<1x10000xf32, #tpu.memory_space<hbm>> -> memref<10000xf32, #tpu.memory_space<hbm>>
      tpu.enqueue_dma source(%arg5 : memref<10000xf32, #tpu.memory_space<vmem>>) target(%dma_start3A_31 : memref<10000xf32, #tpu.memory_space<hbm>>) target_semaphore(%run_scoped3A : memref<!tpu.dma_semaphore, #tpu.memory_space<semaphore_mem>>)
      %dma_wait3A_32 = arith.constant 0 : i32
      %dma_wait3A_33 = tpu.memref_slice %arg4[%add3A, %dma_wait3A_32] : memref<32x10000xf32, #tpu.memory_space<hbm>> -> memref<1x10000xf32, #tpu.memory_space<hbm>>
      %dma_wait3A_34 = tpu.memref_squeeze %dma_wait3A_33 : memref<1x10000xf32, #tpu.memory_space<hbm>> -> memref<10000xf32, #tpu.memory_space<hbm>>
      %dma_wait3A_35 = arith.constant 0 : i32
      %dma_wait3A_36 = tpu.memref_slice %arg4[%add3A, %dma_wait3A_35] : memref<32x10000xf32, #tpu.memory_space<hbm>> -> memref<1x10000xf32, #tpu.memory_space<hbm>>
      %dma_wait3A_37 = tpu.memref_squeeze %dma_wait3A_36 : memref<1x10000xf32, #tpu.memory_space<hbm>> -> memref<10000xf32, #tpu.memory_space<hbm>>
      tpu.wait_dma2 semaphore(%run_scoped3A : memref<!tpu.dma_semaphore, #tpu.memory_space<semaphore_mem>>) src(%arg5 : memref<10000xf32, #tpu.memory_space<vmem>>) dst(%dma_wait3A_37 : memref<10000xf32, #tpu.memory_space<hbm>>)
      tpu.yield
    }) : () -> ()
    return
  }
}

#map = affine_map<(d0, d1) -> (0, 0)>
#map1 = affine_map<(d0, d1) -> (0)>
#map2 = affine_map<(d0, d1) -> (0, 0, 0)>
module attributes {stable_mosaic.version = 14 : i64} {
  func.func @body(%arg0: i32, %arg1: i32, %arg2: memref<32x10000xf32, #tpu.memory_space<hbm>>, %arg3: memref<320000xi32, #tpu.memory_space<hbm>>, %arg4: memref<320000xf32, #tpu.memory_space<hbm>>, %arg5: memref<2x32x10000xf32, #tpu.memory_space<hbm>>, %arg6: memref<10000xf32, #tpu.memory_space<vmem>>, %arg7: memref<10000xf32, #tpu.memory_space<vmem>>, %arg8: memref<10000xf32, #tpu.memory_space<vmem>>, %arg9: memref<10000xf32, #tpu.memory_space<vmem>>, %arg10: memref<8000xi32, #tpu.memory_space<vmem>>, %arg11: memref<8000xi32, #tpu.memory_space<vmem>>, %arg12: memref<8000xf32, #tpu.memory_space<vmem>>, %arg13: memref<8000xf32, #tpu.memory_space<vmem>>, %arg14: memref<4x!tpu.dma_semaphore, #tpu.memory_space<semaphore_mem>>, %arg15: memref<2x!tpu.dma_semaphore, #tpu.memory_space<semaphore_mem>>) attributes {dimension_semantics = [#tpu.dimension_semantics<core_parallel>, #tpu.dimension_semantics<subcore_parallel>], iteration_bounds = array<i64: 2, 16>, scalar_prefetch = 0 : i64, scratch_operands = 10 : i64, tpu.core_type = #tpu.core_type<sc_vector_subcore>, window_params = [{transform_indices = #map}, {transform_indices = #map1}, {transform_indices = #map1}, {transform_indices = #map2}]} {
    %mul3A = arith.constant 2 : i32
    %mul3A_0 = arith.muli %arg1, %mul3A : i32
    %add3A = arith.constant 0 : i32
    %add3A_1 = arith.addi %mul3A_0, %add3A : i32
    %add3A_2 = arith.constant 1 : i32
    %add3A_3 = arith.addi %mul3A_0, %add3A_2 : i32
    %dma_start3A = arith.constant 0 : i32
    %dma_start3A_4 = arith.constant 0 : i32
    %dma_start3A_5 = tpu.memref_slice %arg2[%add3A_1, %dma_start3A_4] : memref<32x10000xf32, #tpu.memory_space<hbm>> -> memref<1x10000xf32, #tpu.memory_space<hbm>>
    %dma_start3A_6 = tpu.memref_squeeze %dma_start3A_5 : memref<1x10000xf32, #tpu.memory_space<hbm>> -> memref<10000xf32, #tpu.memory_space<hbm>>
    %dma_start3A_7 = tpu.memref_slice %arg15[%dma_start3A] : memref<2x!tpu.dma_semaphore, #tpu.memory_space<semaphore_mem>> -> memref<1x!tpu.dma_semaphore, #tpu.memory_space<semaphore_mem>>
    %dma_start3A_8 = tpu.memref_squeeze %dma_start3A_7 : memref<1x!tpu.dma_semaphore, #tpu.memory_space<semaphore_mem>> -> memref<!tpu.dma_semaphore, #tpu.memory_space<semaphore_mem>>
    %dma_start3A_9 = arith.constant 0 : i32
    %dma_start3A_10 = tpu.memref_slice %arg2[%add3A_1, %dma_start3A_9] : memref<32x10000xf32, #tpu.memory_space<hbm>> -> memref<1x10000xf32, #tpu.memory_space<hbm>>
    %dma_start3A_11 = tpu.memref_squeeze %dma_start3A_10 : memref<1x10000xf32, #tpu.memory_space<hbm>> -> memref<10000xf32, #tpu.memory_space<hbm>>
    tpu.enqueue_dma source(%dma_start3A_11 : memref<10000xf32, #tpu.memory_space<hbm>>) target(%arg6 : memref<10000xf32, #tpu.memory_space<vmem>>) target_semaphore(%dma_start3A_8 : memref<!tpu.dma_semaphore, #tpu.memory_space<semaphore_mem>>)
    %dma_start3A_12 = arith.constant 1 : i32
    %dma_start3A_13 = arith.constant 0 : i32
    %dma_start3A_14 = tpu.memref_slice %arg2[%add3A_3, %dma_start3A_13] : memref<32x10000xf32, #tpu.memory_space<hbm>> -> memref<1x10000xf32, #tpu.memory_space<hbm>>
    %dma_start3A_15 = tpu.memref_squeeze %dma_start3A_14 : memref<1x10000xf32, #tpu.memory_space<hbm>> -> memref<10000xf32, #tpu.memory_space<hbm>>
    %dma_start3A_16 = tpu.memref_slice %arg15[%dma_start3A_12] : memref<2x!tpu.dma_semaphore, #tpu.memory_space<semaphore_mem>> -> memref<1x!tpu.dma_semaphore, #tpu.memory_space<semaphore_mem>>
    %dma_start3A_17 = tpu.memref_squeeze %dma_start3A_16 : memref<1x!tpu.dma_semaphore, #tpu.memory_space<semaphore_mem>> -> memref<!tpu.dma_semaphore, #tpu.memory_space<semaphore_mem>>
    %dma_start3A_18 = arith.constant 0 : i32
    %dma_start3A_19 = tpu.memref_slice %arg2[%add3A_3, %dma_start3A_18] : memref<32x10000xf32, #tpu.memory_space<hbm>> -> memref<1x10000xf32, #tpu.memory_space<hbm>>
    %dma_start3A_20 = tpu.memref_squeeze %dma_start3A_19 : memref<1x10000xf32, #tpu.memory_space<hbm>> -> memref<10000xf32, #tpu.memory_space<hbm>>
    tpu.enqueue_dma source(%dma_start3A_20 : memref<10000xf32, #tpu.memory_space<hbm>>) target(%arg7 : memref<10000xf32, #tpu.memory_space<vmem>>) target_semaphore(%dma_start3A_17 : memref<!tpu.dma_semaphore, #tpu.memory_space<semaphore_mem>>)
    %mul3A_21 = arith.constant 160000 : i32
    %mul3A_22 = arith.muli %arg0, %mul3A_21 : i32
    %add3A_23 = arith.constant 0 : i32
    %add3A_24 = arith.addi %mul3A_22, %add3A_23 : i32
    %dma_start3A_25 = arith.constant 0 : i32
    %dma_start3A_26 = tpu.memref_slice %arg3[%add3A_24] : memref<320000xi32, #tpu.memory_space<hbm>> -> memref<8000xi32, #tpu.memory_space<hbm>>
    %dma_start3A_27 = tpu.memref_slice %arg14[%dma_start3A_25] : memref<4x!tpu.dma_semaphore, #tpu.memory_space<semaphore_mem>> -> memref<1x!tpu.dma_semaphore, #tpu.memory_space<semaphore_mem>>
    %dma_start3A_28 = tpu.memref_squeeze %dma_start3A_27 : memref<1x!tpu.dma_semaphore, #tpu.memory_space<semaphore_mem>> -> memref<!tpu.dma_semaphore, #tpu.memory_space<semaphore_mem>>
    %dma_start3A_29 = tpu.memref_slice %arg3[%add3A_24] : memref<320000xi32, #tpu.memory_space<hbm>> -> memref<8000xi32, #tpu.memory_space<hbm>>
    tpu.enqueue_dma source(%dma_start3A_29 : memref<8000xi32, #tpu.memory_space<hbm>>) target(%arg10 : memref<8000xi32, #tpu.memory_space<vmem>>) target_semaphore(%dma_start3A_28 : memref<!tpu.dma_semaphore, #tpu.memory_space<semaphore_mem>>)
    %dma_start3A_30 = arith.constant 1 : i32
    %dma_start3A_31 = tpu.memref_slice %arg4[%add3A_24] : memref<320000xf32, #tpu.memory_space<hbm>> -> memref<8000xf32, #tpu.memory_space<hbm>>
    %dma_start3A_32 = tpu.memref_slice %arg14[%dma_start3A_30] : memref<4x!tpu.dma_semaphore, #tpu.memory_space<semaphore_mem>> -> memref<1x!tpu.dma_semaphore, #tpu.memory_space<semaphore_mem>>
    %dma_start3A_33 = tpu.memref_squeeze %dma_start3A_32 : memref<1x!tpu.dma_semaphore, #tpu.memory_space<semaphore_mem>> -> memref<!tpu.dma_semaphore, #tpu.memory_space<semaphore_mem>>
    %dma_start3A_34 = tpu.memref_slice %arg4[%add3A_24] : memref<320000xf32, #tpu.memory_space<hbm>> -> memref<8000xf32, #tpu.memory_space<hbm>>
    tpu.enqueue_dma source(%dma_start3A_34 : memref<8000xf32, #tpu.memory_space<hbm>>) target(%arg12 : memref<8000xf32, #tpu.memory_space<vmem>>) target_semaphore(%dma_start3A_33 : memref<!tpu.dma_semaphore, #tpu.memory_space<semaphore_mem>>)
    %mul3A_35 = arith.constant 160000 : i32
    %mul3A_36 = arith.muli %arg0, %mul3A_35 : i32
    %add3A_37 = arith.constant 8000 : i32
    %add3A_38 = arith.addi %mul3A_36, %add3A_37 : i32
    %dma_start3A_39 = arith.constant 2 : i32
    %dma_start3A_40 = tpu.memref_slice %arg3[%add3A_38] : memref<320000xi32, #tpu.memory_space<hbm>> -> memref<8000xi32, #tpu.memory_space<hbm>>
    %dma_start3A_41 = tpu.memref_slice %arg14[%dma_start3A_39] : memref<4x!tpu.dma_semaphore, #tpu.memory_space<semaphore_mem>> -> memref<1x!tpu.dma_semaphore, #tpu.memory_space<semaphore_mem>>
    %dma_start3A_42 = tpu.memref_squeeze %dma_start3A_41 : memref<1x!tpu.dma_semaphore, #tpu.memory_space<semaphore_mem>> -> memref<!tpu.dma_semaphore, #tpu.memory_space<semaphore_mem>>
    %dma_start3A_43 = tpu.memref_slice %arg3[%add3A_38] : memref<320000xi32, #tpu.memory_space<hbm>> -> memref<8000xi32, #tpu.memory_space<hbm>>
    tpu.enqueue_dma source(%dma_start3A_43 : memref<8000xi32, #tpu.memory_space<hbm>>) target(%arg11 : memref<8000xi32, #tpu.memory_space<vmem>>) target_semaphore(%dma_start3A_42 : memref<!tpu.dma_semaphore, #tpu.memory_space<semaphore_mem>>)
    %dma_start3A_44 = arith.constant 3 : i32
    %dma_start3A_45 = tpu.memref_slice %arg4[%add3A_38] : memref<320000xf32, #tpu.memory_space<hbm>> -> memref<8000xf32, #tpu.memory_space<hbm>>
    %dma_start3A_46 = tpu.memref_slice %arg14[%dma_start3A_44] : memref<4x!tpu.dma_semaphore, #tpu.memory_space<semaphore_mem>> -> memref<1x!tpu.dma_semaphore, #tpu.memory_space<semaphore_mem>>
    %dma_start3A_47 = tpu.memref_squeeze %dma_start3A_46 : memref<1x!tpu.dma_semaphore, #tpu.memory_space<semaphore_mem>> -> memref<!tpu.dma_semaphore, #tpu.memory_space<semaphore_mem>>
    %dma_start3A_48 = tpu.memref_slice %arg4[%add3A_38] : memref<320000xf32, #tpu.memory_space<hbm>> -> memref<8000xf32, #tpu.memory_space<hbm>>
    tpu.enqueue_dma source(%dma_start3A_48 : memref<8000xf32, #tpu.memory_space<hbm>>) target(%arg13 : memref<8000xf32, #tpu.memory_space<vmem>>) target_semaphore(%dma_start3A_47 : memref<!tpu.dma_semaphore, #tpu.memory_space<semaphore_mem>>)
    %parallel_loop3A = arith.constant 0 : i32
    %parallel_loop3A_49 = arith.constant 625 : i32
    %parallel_loop3A_50 = arith.constant 1 : i32
    scf.for %parallel_loop3A_113 = %parallel_loop3A to %parallel_loop3A_49 step %parallel_loop3A_50  : i32 {
      %parallel_loop3A_114 = arith.constant 0.000000e+00 : f32
      %parallel_loop3A_115 = vector.broadcast %parallel_loop3A_114 : f32 to vector<16xf32>
      %parallel_loop3A_116 = arith.constant 16 : i32
      %parallel_loop3A_117 = arith.muli %parallel_loop3A_113, %parallel_loop3A_116 : i32
      %parallel_loop3A_118 = arith.index_cast %parallel_loop3A_117 : i32 to index
      %parallel_loop3A_119 = tpu.vector_load %arg8[%parallel_loop3A_118] {strides = array<i32>} : memref<10000xf32, #tpu.memory_space<vmem>>, vector<16xf32>,
      tpu.vector_store %arg8[%parallel_loop3A_118], %parallel_loop3A_115 {strides = array<i32>} : memref<10000xf32, #tpu.memory_space<vmem>>, vector<16xf32>,
      %parallel_loop3A_120 = arith.constant 16 : i32
      %parallel_loop3A_121 = arith.muli %parallel_loop3A_113, %parallel_loop3A_120 : i32
      %parallel_loop3A_122 = arith.index_cast %parallel_loop3A_121 : i32 to index
      %parallel_loop3A_123 = tpu.vector_load %arg9[%parallel_loop3A_122] {strides = array<i32>} : memref<10000xf32, #tpu.memory_space<vmem>>, vector<16xf32>,
      tpu.vector_store %arg9[%parallel_loop3A_122], %parallel_loop3A_115 {strides = array<i32>} : memref<10000xf32, #tpu.memory_space<vmem>>, vector<16xf32>,
    } {sc.loop_unroll_factor = 8 : i64, sc.parallel_access}
    %dma_wait3A = arith.constant 0 : i32
    %dma_wait3A_51 = arith.constant 0 : i32
    %dma_wait3A_52 = tpu.memref_slice %arg2[%add3A_1, %dma_wait3A_51] : memref<32x10000xf32, #tpu.memory_space<hbm>> -> memref<1x10000xf32, #tpu.memory_space<hbm>>
    %dma_wait3A_53 = tpu.memref_squeeze %dma_wait3A_52 : memref<1x10000xf32, #tpu.memory_space<hbm>> -> memref<10000xf32, #tpu.memory_space<hbm>>
    %dma_wait3A_54 = tpu.memref_slice %arg15[%dma_wait3A] : memref<2x!tpu.dma_semaphore, #tpu.memory_space<semaphore_mem>> -> memref<1x!tpu.dma_semaphore, #tpu.memory_space<semaphore_mem>>
    %dma_wait3A_55 = tpu.memref_squeeze %dma_wait3A_54 : memref<1x!tpu.dma_semaphore, #tpu.memory_space<semaphore_mem>> -> memref<!tpu.dma_semaphore, #tpu.memory_space<semaphore_mem>>
    %dma_wait3A_56 = arith.constant 0 : i32
    %dma_wait3A_57 = tpu.memref_slice %arg2[%add3A_1, %dma_wait3A_56] : memref<32x10000xf32, #tpu.memory_space<hbm>> -> memref<1x10000xf32, #tpu.memory_space<hbm>>
    %dma_wait3A_58 = tpu.memref_squeeze %dma_wait3A_57 : memref<1x10000xf32, #tpu.memory_space<hbm>> -> memref<10000xf32, #tpu.memory_space<hbm>>
    tpu.wait_dma2 semaphore(%dma_wait3A_55 : memref<!tpu.dma_semaphore, #tpu.memory_space<semaphore_mem>>) src(%dma_wait3A_58 : memref<10000xf32, #tpu.memory_space<hbm>>) dst(%arg6 : memref<10000xf32, #tpu.memory_space<vmem>>)
    %dma_wait3A_59 = arith.constant 1 : i32
    %dma_wait3A_60 = arith.constant 0 : i32
    %dma_wait3A_61 = tpu.memref_slice %arg2[%add3A_3, %dma_wait3A_60] : memref<32x10000xf32, #tpu.memory_space<hbm>> -> memref<1x10000xf32, #tpu.memory_space<hbm>>
    %dma_wait3A_62 = tpu.memref_squeeze %dma_wait3A_61 : memref<1x10000xf32, #tpu.memory_space<hbm>> -> memref<10000xf32, #tpu.memory_space<hbm>>
    %dma_wait3A_63 = tpu.memref_slice %arg15[%dma_wait3A_59] : memref<2x!tpu.dma_semaphore, #tpu.memory_space<semaphore_mem>> -> memref<1x!tpu.dma_semaphore, #tpu.memory_space<semaphore_mem>>
    %dma_wait3A_64 = tpu.memref_squeeze %dma_wait3A_63 : memref<1x!tpu.dma_semaphore, #tpu.memory_space<semaphore_mem>> -> memref<!tpu.dma_semaphore, #tpu.memory_space<semaphore_mem>>
    %dma_wait3A_65 = arith.constant 0 : i32
    %dma_wait3A_66 = tpu.memref_slice %arg2[%add3A_3, %dma_wait3A_65] : memref<32x10000xf32, #tpu.memory_space<hbm>> -> memref<1x10000xf32, #tpu.memory_space<hbm>>
    %dma_wait3A_67 = tpu.memref_squeeze %dma_wait3A_66 : memref<1x10000xf32, #tpu.memory_space<hbm>> -> memref<10000xf32, #tpu.memory_space<hbm>>
    tpu.wait_dma2 semaphore(%dma_wait3A_64 : memref<!tpu.dma_semaphore, #tpu.memory_space<semaphore_mem>>) src(%dma_wait3A_67 : memref<10000xf32, #tpu.memory_space<hbm>>) dst(%arg7 : memref<10000xf32, #tpu.memory_space<vmem>>)
    %scan3A = arith.constant 0 : i32
    %scan3A_68 = arith.constant 0 : i32
    %scan3A_69 = arith.constant 10 : i32
    %scan3A_70 = arith.addi %scan3A_68, %scan3A_69 : i32
    %scan3A_71 = arith.constant 1 : i32
    scf.for %scan3A_113 = %scan3A_68 to %scan3A_70 step %scan3A_71  : i32 {
      %mul3A_114 = arith.constant 2 : i32
      %mul3A_115 = arith.muli %mul3A_114, %scan3A_113 : i32
      %mul3A_116 = arith.constant 160000 : i32
      %mul3A_117 = arith.muli %arg0, %mul3A_116 : i32
      %mul3A_118 = arith.constant 8000 : i32
      %mul3A_119 = arith.muli %mul3A_115, %mul3A_118 : i32
      %add3A_120 = arith.addi %mul3A_117, %mul3A_119 : i32
      %dma_wait3A_121 = arith.constant 0 : i32
      %dma_wait3A_122 = tpu.memref_slice %arg3[%add3A_120] : memref<320000xi32, #tpu.memory_space<hbm>> -> memref<8000xi32, #tpu.memory_space<hbm>>
      %dma_wait3A_123 = tpu.memref_slice %arg14[%dma_wait3A_121] : memref<4x!tpu.dma_semaphore, #tpu.memory_space<semaphore_mem>> -> memref<1x!tpu.dma_semaphore, #tpu.memory_space<semaphore_mem>>
      %dma_wait3A_124 = tpu.memref_squeeze %dma_wait3A_123 : memref<1x!tpu.dma_semaphore, #tpu.memory_space<semaphore_mem>> -> memref<!tpu.dma_semaphore, #tpu.memory_space<semaphore_mem>>
      %dma_wait3A_125 = tpu.memref_slice %arg3[%add3A_120] : memref<320000xi32, #tpu.memory_space<hbm>> -> memref<8000xi32, #tpu.memory_space<hbm>>
      tpu.wait_dma2 semaphore(%dma_wait3A_124 : memref<!tpu.dma_semaphore, #tpu.memory_space<semaphore_mem>>) src(%dma_wait3A_125 : memref<8000xi32, #tpu.memory_space<hbm>>) dst(%arg10 : memref<8000xi32, #tpu.memory_space<vmem>>)
      %dma_wait3A_126 = arith.constant 1 : i32
      %dma_wait3A_127 = tpu.memref_slice %arg4[%add3A_120] : memref<320000xf32, #tpu.memory_space<hbm>> -> memref<8000xf32, #tpu.memory_space<hbm>>
      %dma_wait3A_128 = tpu.memref_slice %arg14[%dma_wait3A_126] : memref<4x!tpu.dma_semaphore, #tpu.memory_space<semaphore_mem>> -> memref<1x!tpu.dma_semaphore, #tpu.memory_space<semaphore_mem>>
      %dma_wait3A_129 = tpu.memref_squeeze %dma_wait3A_128 : memref<1x!tpu.dma_semaphore, #tpu.memory_space<semaphore_mem>> -> memref<!tpu.dma_semaphore, #tpu.memory_space<semaphore_mem>>
      %dma_wait3A_130 = tpu.memref_slice %arg4[%add3A_120] : memref<320000xf32, #tpu.memory_space<hbm>> -> memref<8000xf32, #tpu.memory_space<hbm>>
      tpu.wait_dma2 semaphore(%dma_wait3A_129 : memref<!tpu.dma_semaphore, #tpu.memory_space<semaphore_mem>>) src(%dma_wait3A_130 : memref<8000xf32, #tpu.memory_space<hbm>>) dst(%arg12 : memref<8000xf32, #tpu.memory_space<vmem>>)
      %parallel_loop3A_131 = arith.constant 0 : i32
      %parallel_loop3A_132 = arith.constant 500 : i32
      %parallel_loop3A_133 = arith.constant 1 : i32
      scf.for %parallel_loop3A_165 = %parallel_loop3A_131 to %parallel_loop3A_132 step %parallel_loop3A_133  : i32 {
        %parallel_loop3A_166 = arith.constant 16 : i32
        %parallel_loop3A_167 = arith.muli %parallel_loop3A_165, %parallel_loop3A_166 : i32
        %parallel_loop3A_168 = arith.index_cast %parallel_loop3A_167 : i32 to index
        %parallel_loop3A_169 = tpu.vector_load %arg10[%parallel_loop3A_168] {strides = array<i32>} : memref<8000xi32, #tpu.memory_space<vmem>>, vector<16xi32>,
        %parallel_loop3A_170 = arith.constant 16 : i32
        %parallel_loop3A_171 = arith.muli %parallel_loop3A_165, %parallel_loop3A_170 : i32
        %parallel_loop3A_172 = arith.index_cast %parallel_loop3A_171 : i32 to index
        %parallel_loop3A_173 = tpu.vector_load %arg12[%parallel_loop3A_172] {strides = array<i32>} : memref<8000xf32, #tpu.memory_space<vmem>>, vector<16xf32>,
        %parallel_loop3A_174 = arith.constant 65535 : i32
        %parallel_loop3A_175 = vector.broadcast %parallel_loop3A_174 : i32 to vector<16xi32>
        %parallel_loop3A_176 = arith.andi %parallel_loop3A_169, %parallel_loop3A_175 : vector<16xi32>
        %parallel_loop3A_177 = arith.constant 16 : i32
        %parallel_loop3A_178 = vector.broadcast %parallel_loop3A_177 : i32 to vector<16xi32>
        %parallel_loop3A_179 = arith.shrui %parallel_loop3A_169, %parallel_loop3A_178 : vector<16xi32>
        %parallel_loop3A_180 = tpu.vector_load_idx %arg6[%parallel_loop3A_176] : memref<10000xf32, #tpu.memory_space<vmem>>[vector<16xi32>], vector<16xf32>,
        %parallel_loop3A_181 = arith.mulf %parallel_loop3A_180, %parallel_loop3A_173 : vector<16xf32>
        tpu.vector_store_idx %arg8[%parallel_loop3A_179], %parallel_loop3A_181 {add = true} : memref<10000xf32, #tpu.memory_space<vmem>>[vector<16xi32>], vector<16xf32>,
        %parallel_loop3A_182 = tpu.vector_load_idx %arg7[%parallel_loop3A_176] : memref<10000xf32, #tpu.memory_space<vmem>>[vector<16xi32>], vector<16xf32>,
        %parallel_loop3A_183 = arith.mulf %parallel_loop3A_182, %parallel_loop3A_173 : vector<16xf32>
        tpu.vector_store_idx %arg9[%parallel_loop3A_179], %parallel_loop3A_183 {add = true} : memref<10000xf32, #tpu.memory_space<vmem>>[vector<16xi32>], vector<16xf32>,
      } {sc.loop_unroll_factor = 8 : i64, sc.parallel_access}
      %add3A_134 = arith.constant 2 : i32
      %add3A_135 = arith.addi %mul3A_115, %add3A_134 : i32
      %lt3A = arith.constant 20 : i32
      %lt3A_136 = arith.cmpi slt, %add3A_135, %lt3A : i32
      %convert_element_type3A = arith.extui %lt3A_136 : i1 to i32
      %cond3A = arith.constant 0 : i32
      %cond3A_137 = arith.cmpi ne, %convert_element_type3A, %cond3A : i32
      scf.if %cond3A_137 {
        %add3A_165 = arith.constant 2 : i32
        %add3A_166 = arith.addi %mul3A_115, %add3A_165 : i32
        %mul3A_167 = arith.constant 160000 : i32
        %mul3A_168 = arith.muli %arg0, %mul3A_167 : i32
        %mul3A_169 = arith.constant 8000 : i32
        %mul3A_170 = arith.muli %add3A_166, %mul3A_169 : i32
        %add3A_171 = arith.addi %mul3A_168, %mul3A_170 : i32
        %dma_start3A_172 = arith.constant 0 : i32
        %dma_start3A_173 = tpu.memref_slice %arg3[%add3A_171] : memref<320000xi32, #tpu.memory_space<hbm>> -> memref<8000xi32, #tpu.memory_space<hbm>>
        %dma_start3A_174 = tpu.memref_slice %arg14[%dma_start3A_172] : memref<4x!tpu.dma_semaphore, #tpu.memory_space<semaphore_mem>> -> memref<1x!tpu.dma_semaphore, #tpu.memory_space<semaphore_mem>>
        %dma_start3A_175 = tpu.memref_squeeze %dma_start3A_174 : memref<1x!tpu.dma_semaphore, #tpu.memory_space<semaphore_mem>> -> memref<!tpu.dma_semaphore, #tpu.memory_space<semaphore_mem>>
        %dma_start3A_176 = tpu.memref_slice %arg3[%add3A_171] : memref<320000xi32, #tpu.memory_space<hbm>> -> memref<8000xi32, #tpu.memory_space<hbm>>
        tpu.enqueue_dma source(%dma_start3A_176 : memref<8000xi32, #tpu.memory_space<hbm>>) target(%arg10 : memref<8000xi32, #tpu.memory_space<vmem>>) target_semaphore(%dma_start3A_175 : memref<!tpu.dma_semaphore, #tpu.memory_space<semaphore_mem>>)
        %dma_start3A_177 = arith.constant 1 : i32
        %dma_start3A_178 = tpu.memref_slice %arg4[%add3A_171] : memref<320000xf32, #tpu.memory_space<hbm>> -> memref<8000xf32, #tpu.memory_space<hbm>>
        %dma_start3A_179 = tpu.memref_slice %arg14[%dma_start3A_177] : memref<4x!tpu.dma_semaphore, #tpu.memory_space<semaphore_mem>> -> memref<1x!tpu.dma_semaphore, #tpu.memory_space<semaphore_mem>>
        %dma_start3A_180 = tpu.memref_squeeze %dma_start3A_179 : memref<1x!tpu.dma_semaphore, #tpu.memory_space<semaphore_mem>> -> memref<!tpu.dma_semaphore, #tpu.memory_space<semaphore_mem>>
        %dma_start3A_181 = tpu.memref_slice %arg4[%add3A_171] : memref<320000xf32, #tpu.memory_space<hbm>> -> memref<8000xf32, #tpu.memory_space<hbm>>
        tpu.enqueue_dma source(%dma_start3A_181 : memref<8000xf32, #tpu.memory_space<hbm>>) target(%arg12 : memref<8000xf32, #tpu.memory_space<vmem>>) target_semaphore(%dma_start3A_180 : memref<!tpu.dma_semaphore, #tpu.memory_space<semaphore_mem>>)
      } else {
      }
      %add3A_138 = arith.constant 1 : i32
      %add3A_139 = arith.addi %mul3A_115, %add3A_138 : i32
      %mul3A_140 = arith.constant 160000 : i32
      %mul3A_141 = arith.muli %arg0, %mul3A_140 : i32
      %mul3A_142 = arith.constant 8000 : i32
      %mul3A_143 = arith.muli %add3A_139, %mul3A_142 : i32
      %add3A_144 = arith.addi %mul3A_141, %mul3A_143 : i32
      %dma_wait3A_145 = arith.constant 2 : i32
      %dma_wait3A_146 = tpu.memref_slice %arg3[%add3A_144] : memref<320000xi32, #tpu.memory_space<hbm>> -> memref<8000xi32, #tpu.memory_space<hbm>>
      %dma_wait3A_147 = tpu.memref_slice %arg14[%dma_wait3A_145] : memref<4x!tpu.dma_semaphore, #tpu.memory_space<semaphore_mem>> -> memref<1x!tpu.dma_semaphore, #tpu.memory_space<semaphore_mem>>
      %dma_wait3A_148 = tpu.memref_squeeze %dma_wait3A_147 : memref<1x!tpu.dma_semaphore, #tpu.memory_space<semaphore_mem>> -> memref<!tpu.dma_semaphore, #tpu.memory_space<semaphore_mem>>
      %dma_wait3A_149 = tpu.memref_slice %arg3[%add3A_144] : memref<320000xi32, #tpu.memory_space<hbm>> -> memref<8000xi32, #tpu.memory_space<hbm>>
      tpu.wait_dma2 semaphore(%dma_wait3A_148 : memref<!tpu.dma_semaphore, #tpu.memory_space<semaphore_mem>>) src(%dma_wait3A_149 : memref<8000xi32, #tpu.memory_space<hbm>>) dst(%arg11 : memref<8000xi32, #tpu.memory_space<vmem>>)
      %dma_wait3A_150 = arith.constant 3 : i32
      %dma_wait3A_151 = tpu.memref_slice %arg4[%add3A_144] : memref<320000xf32, #tpu.memory_space<hbm>> -> memref<8000xf32, #tpu.memory_space<hbm>>
      %dma_wait3A_152 = tpu.memref_slice %arg14[%dma_wait3A_150] : memref<4x!tpu.dma_semaphore, #tpu.memory_space<semaphore_mem>> -> memref<1x!tpu.dma_semaphore, #tpu.memory_space<semaphore_mem>>
      %dma_wait3A_153 = tpu.memref_squeeze %dma_wait3A_152 : memref<1x!tpu.dma_semaphore, #tpu.memory_space<semaphore_mem>> -> memref<!tpu.dma_semaphore, #tpu.memory_space<semaphore_mem>>
      %dma_wait3A_154 = tpu.memref_slice %arg4[%add3A_144] : memref<320000xf32, #tpu.memory_space<hbm>> -> memref<8000xf32, #tpu.memory_space<hbm>>
      tpu.wait_dma2 semaphore(%dma_wait3A_153 : memref<!tpu.dma_semaphore, #tpu.memory_space<semaphore_mem>>) src(%dma_wait3A_154 : memref<8000xf32, #tpu.memory_space<hbm>>) dst(%arg13 : memref<8000xf32, #tpu.memory_space<vmem>>)
      %parallel_loop3A_155 = arith.constant 0 : i32
      %parallel_loop3A_156 = arith.constant 500 : i32
      %parallel_loop3A_157 = arith.constant 1 : i32
      scf.for %parallel_loop3A_165 = %parallel_loop3A_155 to %parallel_loop3A_156 step %parallel_loop3A_157  : i32 {
        %parallel_loop3A_166 = arith.constant 16 : i32
        %parallel_loop3A_167 = arith.muli %parallel_loop3A_165, %parallel_loop3A_166 : i32
        %parallel_loop3A_168 = arith.index_cast %parallel_loop3A_167 : i32 to index
        %parallel_loop3A_169 = tpu.vector_load %arg11[%parallel_loop3A_168] {strides = array<i32>} : memref<8000xi32, #tpu.memory_space<vmem>>, vector<16xi32>,
        %parallel_loop3A_170 = arith.constant 16 : i32
        %parallel_loop3A_171 = arith.muli %parallel_loop3A_165, %parallel_loop3A_170 : i32
        %parallel_loop3A_172 = arith.index_cast %parallel_loop3A_171 : i32 to index
        %parallel_loop3A_173 = tpu.vector_load %arg13[%parallel_loop3A_172] {strides = array<i32>} : memref<8000xf32, #tpu.memory_space<vmem>>, vector<16xf32>,
        %parallel_loop3A_174 = arith.constant 65535 : i32
        %parallel_loop3A_175 = vector.broadcast %parallel_loop3A_174 : i32 to vector<16xi32>
        %parallel_loop3A_176 = arith.andi %parallel_loop3A_169, %parallel_loop3A_175 : vector<16xi32>
        %parallel_loop3A_177 = arith.constant 16 : i32
        %parallel_loop3A_178 = vector.broadcast %parallel_loop3A_177 : i32 to vector<16xi32>
        %parallel_loop3A_179 = arith.shrui %parallel_loop3A_169, %parallel_loop3A_178 : vector<16xi32>
        %parallel_loop3A_180 = tpu.vector_load_idx %arg6[%parallel_loop3A_176] : memref<10000xf32, #tpu.memory_space<vmem>>[vector<16xi32>], vector<16xf32>,
        %parallel_loop3A_181 = arith.mulf %parallel_loop3A_180, %parallel_loop3A_173 : vector<16xf32>
        tpu.vector_store_idx %arg8[%parallel_loop3A_179], %parallel_loop3A_181 {add = true} : memref<10000xf32, #tpu.memory_space<vmem>>[vector<16xi32>], vector<16xf32>,
        %parallel_loop3A_182 = tpu.vector_load_idx %arg7[%parallel_loop3A_176] : memref<10000xf32, #tpu.memory_space<vmem>>[vector<16xi32>], vector<16xf32>,
        %parallel_loop3A_183 = arith.mulf %parallel_loop3A_182, %parallel_loop3A_173 : vector<16xf32>
        tpu.vector_store_idx %arg9[%parallel_loop3A_179], %parallel_loop3A_183 {add = true} : memref<10000xf32, #tpu.memory_space<vmem>>[vector<16xi32>], vector<16xf32>,
      } {sc.loop_unroll_factor = 8 : i64, sc.parallel_access}
      %add3A_158 = arith.constant 3 : i32
      %add3A_159 = arith.addi %mul3A_115, %add3A_158 : i32
      %lt3A_160 = arith.constant 20 : i32
      %lt3A_161 = arith.cmpi slt, %add3A_159, %lt3A_160 : i32
      %convert_element_type3A_162 = arith.extui %lt3A_161 : i1 to i32
      %cond3A_163 = arith.constant 0 : i32
      %cond3A_164 = arith.cmpi ne, %convert_element_type3A_162, %cond3A_163 : i32
      scf.if %cond3A_164 {
        %add3A_165 = arith.constant 3 : i32
        %add3A_166 = arith.addi %mul3A_115, %add3A_165 : i32
        %mul3A_167 = arith.constant 160000 : i32
        %mul3A_168 = arith.muli %arg0, %mul3A_167 : i32
        %mul3A_169 = arith.constant 8000 : i32
        %mul3A_170 = arith.muli %add3A_166, %mul3A_169 : i32
        %add3A_171 = arith.addi %mul3A_168, %mul3A_170 : i32
        %dma_start3A_172 = arith.constant 2 : i32
        %dma_start3A_173 = tpu.memref_slice %arg3[%add3A_171] : memref<320000xi32, #tpu.memory_space<hbm>> -> memref<8000xi32, #tpu.memory_space<hbm>>
        %dma_start3A_174 = tpu.memref_slice %arg14[%dma_start3A_172] : memref<4x!tpu.dma_semaphore, #tpu.memory_space<semaphore_mem>> -> memref<1x!tpu.dma_semaphore, #tpu.memory_space<semaphore_mem>>
        %dma_start3A_175 = tpu.memref_squeeze %dma_start3A_174 : memref<1x!tpu.dma_semaphore, #tpu.memory_space<semaphore_mem>> -> memref<!tpu.dma_semaphore, #tpu.memory_space<semaphore_mem>>
        %dma_start3A_176 = tpu.memref_slice %arg3[%add3A_171] : memref<320000xi32, #tpu.memory_space<hbm>> -> memref<8000xi32, #tpu.memory_space<hbm>>
        tpu.enqueue_dma source(%dma_start3A_176 : memref<8000xi32, #tpu.memory_space<hbm>>) target(%arg11 : memref<8000xi32, #tpu.memory_space<vmem>>) target_semaphore(%dma_start3A_175 : memref<!tpu.dma_semaphore, #tpu.memory_space<semaphore_mem>>)
        %dma_start3A_177 = arith.constant 3 : i32
        %dma_start3A_178 = tpu.memref_slice %arg4[%add3A_171] : memref<320000xf32, #tpu.memory_space<hbm>> -> memref<8000xf32, #tpu.memory_space<hbm>>
        %dma_start3A_179 = tpu.memref_slice %arg14[%dma_start3A_177] : memref<4x!tpu.dma_semaphore, #tpu.memory_space<semaphore_mem>> -> memref<1x!tpu.dma_semaphore, #tpu.memory_space<semaphore_mem>>
        %dma_start3A_180 = tpu.memref_squeeze %dma_start3A_179 : memref<1x!tpu.dma_semaphore, #tpu.memory_space<semaphore_mem>> -> memref<!tpu.dma_semaphore, #tpu.memory_space<semaphore_mem>>
        %dma_start3A_181 = tpu.memref_slice %arg4[%add3A_171] : memref<320000xf32, #tpu.memory_space<hbm>> -> memref<8000xf32, #tpu.memory_space<hbm>>
        tpu.enqueue_dma source(%dma_start3A_181 : memref<8000xf32, #tpu.memory_space<hbm>>) target(%arg13 : memref<8000xf32, #tpu.memory_space<vmem>>) target_semaphore(%dma_start3A_180 : memref<!tpu.dma_semaphore, #tpu.memory_space<semaphore_mem>>)
      } else {
      }
    }
    %scan3A_72 = arith.constant 10 : i32
    %add3A_73 = arith.constant 0 : i32
    %add3A_74 = arith.addi %mul3A_0, %add3A_73 : i32
    %add3A_75 = arith.constant 1 : i32
    %add3A_76 = arith.addi %mul3A_0, %add3A_75 : i32
    %dma_start3A_77 = arith.constant 0 : i32
    %dma_start3A_78 = arith.constant 0 : i32
    %dma_start3A_79 = tpu.memref_slice %arg5[%arg0, %add3A_74, %dma_start3A_78] : memref<2x32x10000xf32, #tpu.memory_space<hbm>> -> memref<1x1x10000xf32, #tpu.memory_space<hbm>>
    %dma_start3A_80 = tpu.memref_squeeze %dma_start3A_79 : memref<1x1x10000xf32, #tpu.memory_space<hbm>> -> memref<10000xf32, #tpu.memory_space<hbm>>
    %dma_start3A_81 = tpu.memref_slice %arg15[%dma_start3A_77] : memref<2x!tpu.dma_semaphore, #tpu.memory_space<semaphore_mem>> -> memref<1x!tpu.dma_semaphore, #tpu.memory_space<semaphore_mem>>
    %dma_start3A_82 = tpu.memref_squeeze %dma_start3A_81 : memref<1x!tpu.dma_semaphore, #tpu.memory_space<semaphore_mem>> -> memref<!tpu.dma_semaphore, #tpu.memory_space<semaphore_mem>>
    %dma_start3A_83 = arith.constant 0 : i32
    %dma_start3A_84 = tpu.memref_slice %arg5[%arg0, %add3A_74, %dma_start3A_83] : memref<2x32x10000xf32, #tpu.memory_space<hbm>> -> memref<1x1x10000xf32, #tpu.memory_space<hbm>>
    %dma_start3A_85 = tpu.memref_squeeze %dma_start3A_84 : memref<1x1x10000xf32, #tpu.memory_space<hbm>> -> memref<10000xf32, #tpu.memory_space<hbm>>
    tpu.enqueue_dma source(%arg8 : memref<10000xf32, #tpu.memory_space<vmem>>) target(%dma_start3A_85 : memref<10000xf32, #tpu.memory_space<hbm>>) target_semaphore(%dma_start3A_82 : memref<!tpu.dma_semaphore, #tpu.memory_space<semaphore_mem>>)
    %dma_start3A_86 = arith.constant 1 : i32
    %dma_start3A_87 = arith.constant 0 : i32
    %dma_start3A_88 = tpu.memref_slice %arg5[%arg0, %add3A_76, %dma_start3A_87] : memref<2x32x10000xf32, #tpu.memory_space<hbm>> -> memref<1x1x10000xf32, #tpu.memory_space<hbm>>
    %dma_start3A_89 = tpu.memref_squeeze %dma_start3A_88 : memref<1x1x10000xf32, #tpu.memory_space<hbm>> -> memref<10000xf32, #tpu.memory_space<hbm>>
    %dma_start3A_90 = tpu.memref_slice %arg15[%dma_start3A_86] : memref<2x!tpu.dma_semaphore, #tpu.memory_space<semaphore_mem>> -> memref<1x!tpu.dma_semaphore, #tpu.memory_space<semaphore_mem>>
    %dma_start3A_91 = tpu.memref_squeeze %dma_start3A_90 : memref<1x!tpu.dma_semaphore, #tpu.memory_space<semaphore_mem>> -> memref<!tpu.dma_semaphore, #tpu.memory_space<semaphore_mem>>
    %dma_start3A_92 = arith.constant 0 : i32
    %dma_start3A_93 = tpu.memref_slice %arg5[%arg0, %add3A_76, %dma_start3A_92] : memref<2x32x10000xf32, #tpu.memory_space<hbm>> -> memref<1x1x10000xf32, #tpu.memory_space<hbm>>
    %dma_start3A_94 = tpu.memref_squeeze %dma_start3A_93 : memref<1x1x10000xf32, #tpu.memory_space<hbm>> -> memref<10000xf32, #tpu.memory_space<hbm>>
    tpu.enqueue_dma source(%arg9 : memref<10000xf32, #tpu.memory_space<vmem>>) target(%dma_start3A_94 : memref<10000xf32, #tpu.memory_space<hbm>>) target_semaphore(%dma_start3A_91 : memref<!tpu.dma_semaphore, #tpu.memory_space<semaphore_mem>>)
    %dma_wait3A_95 = arith.constant 0 : i32
    %dma_wait3A_96 = arith.constant 0 : i32
    %dma_wait3A_97 = tpu.memref_slice %arg5[%arg0, %add3A_74, %dma_wait3A_96] : memref<2x32x10000xf32, #tpu.memory_space<hbm>> -> memref<1x1x10000xf32, #tpu.memory_space<hbm>>
    %dma_wait3A_98 = tpu.memref_squeeze %dma_wait3A_97 : memref<1x1x10000xf32, #tpu.memory_space<hbm>> -> memref<10000xf32, #tpu.memory_space<hbm>>
    %dma_wait3A_99 = tpu.memref_slice %arg15[%dma_wait3A_95] : memref<2x!tpu.dma_semaphore, #tpu.memory_space<semaphore_mem>> -> memref<1x!tpu.dma_semaphore, #tpu.memory_space<semaphore_mem>>
    %dma_wait3A_100 = tpu.memref_squeeze %dma_wait3A_99 : memref<1x!tpu.dma_semaphore, #tpu.memory_space<semaphore_mem>> -> memref<!tpu.dma_semaphore, #tpu.memory_space<semaphore_mem>>
    %dma_wait3A_101 = arith.constant 0 : i32
    %dma_wait3A_102 = tpu.memref_slice %arg5[%arg0, %add3A_74, %dma_wait3A_101] : memref<2x32x10000xf32, #tpu.memory_space<hbm>> -> memref<1x1x10000xf32, #tpu.memory_space<hbm>>
    %dma_wait3A_103 = tpu.memref_squeeze %dma_wait3A_102 : memref<1x1x10000xf32, #tpu.memory_space<hbm>> -> memref<10000xf32, #tpu.memory_space<hbm>>
    tpu.wait_dma2 semaphore(%dma_wait3A_100 : memref<!tpu.dma_semaphore, #tpu.memory_space<semaphore_mem>>) src(%arg8 : memref<10000xf32, #tpu.memory_space<vmem>>) dst(%dma_wait3A_103 : memref<10000xf32, #tpu.memory_space<hbm>>)
    %dma_wait3A_104 = arith.constant 1 : i32
    %dma_wait3A_105 = arith.constant 0 : i32
    %dma_wait3A_106 = tpu.memref_slice %arg5[%arg0, %add3A_76, %dma_wait3A_105] : memref<2x32x10000xf32, #tpu.memory_space<hbm>> -> memref<1x1x10000xf32, #tpu.memory_space<hbm>>
    %dma_wait3A_107 = tpu.memref_squeeze %dma_wait3A_106 : memref<1x1x10000xf32, #tpu.memory_space<hbm>> -> memref<10000xf32, #tpu.memory_space<hbm>>
    %dma_wait3A_108 = tpu.memref_slice %arg15[%dma_wait3A_104] : memref<2x!tpu.dma_semaphore, #tpu.memory_space<semaphore_mem>> -> memref<1x!tpu.dma_semaphore, #tpu.memory_space<semaphore_mem>>
    %dma_wait3A_109 = tpu.memref_squeeze %dma_wait3A_108 : memref<1x!tpu.dma_semaphore, #tpu.memory_space<semaphore_mem>> -> memref<!tpu.dma_semaphore, #tpu.memory_space<semaphore_mem>>
    %dma_wait3A_110 = arith.constant 0 : i32
    %dma_wait3A_111 = tpu.memref_slice %arg5[%arg0, %add3A_76, %dma_wait3A_110] : memref<2x32x10000xf32, #tpu.memory_space<hbm>> -> memref<1x1x10000xf32, #tpu.memory_space<hbm>>
    %dma_wait3A_112 = tpu.memref_squeeze %dma_wait3A_111 : memref<1x1x10000xf32, #tpu.memory_space<hbm>> -> memref<10000xf32, #tpu.memory_space<hbm>>
    tpu.wait_dma2 semaphore(%dma_wait3A_109 : memref<!tpu.dma_semaphore, #tpu.memory_space<semaphore_mem>>) src(%arg9 : memref<10000xf32, #tpu.memory_space<vmem>>) dst(%dma_wait3A_112 : memref<10000xf32, #tpu.memory_space<hbm>>)
    return
  }
}

#map = affine_map<(d0, d1) -> (0)>
module attributes {stable_mosaic.version = 14 : i64} {
  func.func @_nw_body(%arg0: i32, %arg1: i32, %arg2: memref<10000xf32, #tpu.memory_space<hbm>>, %arg3: memref<320000xi32, #tpu.memory_space<hbm>>, %arg4: memref<320000xi32, #tpu.memory_space<hbm>>, %arg5: memref<320000xf32, #tpu.memory_space<hbm>>, %arg6: memref<320000xf32, #tpu.memory_space<hbm>>, %arg7: memref<320000xi32, #tpu.memory_space<hbm>>, %arg8: memref<10000xf32, #tpu.memory_space<vmem>>, %arg9: memref<10000xi32, #tpu.memory_space<vmem>>, %arg10: memref<10000xi32, #tpu.memory_space<vmem>>, %arg11: memref<10000xf32, #tpu.memory_space<vmem>>, %arg12: memref<10000xf32, #tpu.memory_space<vmem>>, %arg13: memref<10000xi32, #tpu.memory_space<vmem>>, %arg14: memref<4x!tpu.dma_semaphore, #tpu.memory_space<semaphore_mem>>) attributes {dimension_semantics = [#tpu.dimension_semantics<core_parallel>, #tpu.dimension_semantics<subcore_parallel>], iteration_bounds = array<i64: 2, 16>, scalar_prefetch = 0 : i64, scratch_operands = 7 : i64, tpu.core_type = #tpu.core_type<sc_vector_subcore>, window_params = [{transform_indices = #map}, {transform_indices = #map}, {transform_indices = #map}, {transform_indices = #map}, {transform_indices = #map}, {transform_indices = #map}]} {
    %mul3A = arith.constant 2 : i32
    %mul3A_0 = arith.muli %arg1, %mul3A : i32
    %add3A = arith.addi %mul3A_0, %arg0 : i32
    %mul3A_1 = arith.constant 10000 : i32
    %mul3A_2 = arith.muli %add3A, %mul3A_1 : i32
    %dma_start3A = arith.constant 0 : i32
    %dma_start3A_3 = tpu.memref_slice %arg14[%dma_start3A] : memref<4x!tpu.dma_semaphore, #tpu.memory_space<semaphore_mem>> -> memref<1x!tpu.dma_semaphore, #tpu.memory_space<semaphore_mem>>
    %dma_start3A_4 = tpu.memref_squeeze %dma_start3A_3 : memref<1x!tpu.dma_semaphore, #tpu.memory_space<semaphore_mem>> -> memref<!tpu.dma_semaphore, #tpu.memory_space<semaphore_mem>>
    tpu.enqueue_dma source(%arg2 : memref<10000xf32, #tpu.memory_space<hbm>>) target(%arg8 : memref<10000xf32, #tpu.memory_space<vmem>>) target_semaphore(%dma_start3A_4 : memref<!tpu.dma_semaphore, #tpu.memory_space<semaphore_mem>>)
    %dma_start3A_5 = arith.constant 1 : i32
    %dma_start3A_6 = tpu.memref_slice %arg3[%mul3A_2] : memref<320000xi32, #tpu.memory_space<hbm>> -> memref<10000xi32, #tpu.memory_space<hbm>>
    %dma_start3A_7 = tpu.memref_slice %arg14[%dma_start3A_5] : memref<4x!tpu.dma_semaphore, #tpu.memory_space<semaphore_mem>> -> memref<1x!tpu.dma_semaphore, #tpu.memory_space<semaphore_mem>>
    %dma_start3A_8 = tpu.memref_squeeze %dma_start3A_7 : memref<1x!tpu.dma_semaphore, #tpu.memory_space<semaphore_mem>> -> memref<!tpu.dma_semaphore, #tpu.memory_space<semaphore_mem>>
    %dma_start3A_9 = tpu.memref_slice %arg3[%mul3A_2] : memref<320000xi32, #tpu.memory_space<hbm>> -> memref<10000xi32, #tpu.memory_space<hbm>>
    tpu.enqueue_dma source(%dma_start3A_9 : memref<10000xi32, #tpu.memory_space<hbm>>) target(%arg9 : memref<10000xi32, #tpu.memory_space<vmem>>) target_semaphore(%dma_start3A_8 : memref<!tpu.dma_semaphore, #tpu.memory_space<semaphore_mem>>)
    %dma_start3A_10 = arith.constant 2 : i32
    %dma_start3A_11 = tpu.memref_slice %arg4[%mul3A_2] : memref<320000xi32, #tpu.memory_space<hbm>> -> memref<10000xi32, #tpu.memory_space<hbm>>
    %dma_start3A_12 = tpu.memref_slice %arg14[%dma_start3A_10] : memref<4x!tpu.dma_semaphore, #tpu.memory_space<semaphore_mem>> -> memref<1x!tpu.dma_semaphore, #tpu.memory_space<semaphore_mem>>
    %dma_start3A_13 = tpu.memref_squeeze %dma_start3A_12 : memref<1x!tpu.dma_semaphore, #tpu.memory_space<semaphore_mem>> -> memref<!tpu.dma_semaphore, #tpu.memory_space<semaphore_mem>>
    %dma_start3A_14 = tpu.memref_slice %arg4[%mul3A_2] : memref<320000xi32, #tpu.memory_space<hbm>> -> memref<10000xi32, #tpu.memory_space<hbm>>
    tpu.enqueue_dma source(%dma_start3A_14 : memref<10000xi32, #tpu.memory_space<hbm>>) target(%arg10 : memref<10000xi32, #tpu.memory_space<vmem>>) target_semaphore(%dma_start3A_13 : memref<!tpu.dma_semaphore, #tpu.memory_space<semaphore_mem>>)
    %dma_start3A_15 = arith.constant 3 : i32
    %dma_start3A_16 = tpu.memref_slice %arg5[%mul3A_2] : memref<320000xf32, #tpu.memory_space<hbm>> -> memref<10000xf32, #tpu.memory_space<hbm>>
    %dma_start3A_17 = tpu.memref_slice %arg14[%dma_start3A_15] : memref<4x!tpu.dma_semaphore, #tpu.memory_space<semaphore_mem>> -> memref<1x!tpu.dma_semaphore, #tpu.memory_space<semaphore_mem>>
    %dma_start3A_18 = tpu.memref_squeeze %dma_start3A_17 : memref<1x!tpu.dma_semaphore, #tpu.memory_space<semaphore_mem>> -> memref<!tpu.dma_semaphore, #tpu.memory_space<semaphore_mem>>
    %dma_start3A_19 = tpu.memref_slice %arg5[%mul3A_2] : memref<320000xf32, #tpu.memory_space<hbm>> -> memref<10000xf32, #tpu.memory_space<hbm>>
    tpu.enqueue_dma source(%dma_start3A_19 : memref<10000xf32, #tpu.memory_space<hbm>>) target(%arg11 : memref<10000xf32, #tpu.memory_space<vmem>>) target_semaphore(%dma_start3A_18 : memref<!tpu.dma_semaphore, #tpu.memory_space<semaphore_mem>>)
    %dma_wait3A = arith.constant 0 : i32
    %dma_wait3A_20 = tpu.memref_slice %arg14[%dma_wait3A] : memref<4x!tpu.dma_semaphore, #tpu.memory_space<semaphore_mem>> -> memref<1x!tpu.dma_semaphore, #tpu.memory_space<semaphore_mem>>
    %dma_wait3A_21 = tpu.memref_squeeze %dma_wait3A_20 : memref<1x!tpu.dma_semaphore, #tpu.memory_space<semaphore_mem>> -> memref<!tpu.dma_semaphore, #tpu.memory_space<semaphore_mem>>
    tpu.wait_dma2 semaphore(%dma_wait3A_21 : memref<!tpu.dma_semaphore, #tpu.memory_space<semaphore_mem>>) src(%arg2 : memref<10000xf32, #tpu.memory_space<hbm>>) dst(%arg8 : memref<10000xf32, #tpu.memory_space<vmem>>)
    %dma_wait3A_22 = arith.constant 1 : i32
    %dma_wait3A_23 = tpu.memref_slice %arg3[%mul3A_2] : memref<320000xi32, #tpu.memory_space<hbm>> -> memref<10000xi32, #tpu.memory_space<hbm>>
    %dma_wait3A_24 = tpu.memref_slice %arg14[%dma_wait3A_22] : memref<4x!tpu.dma_semaphore, #tpu.memory_space<semaphore_mem>> -> memref<1x!tpu.dma_semaphore, #tpu.memory_space<semaphore_mem>>
    %dma_wait3A_25 = tpu.memref_squeeze %dma_wait3A_24 : memref<1x!tpu.dma_semaphore, #tpu.memory_space<semaphore_mem>> -> memref<!tpu.dma_semaphore, #tpu.memory_space<semaphore_mem>>
    %dma_wait3A_26 = tpu.memref_slice %arg3[%mul3A_2] : memref<320000xi32, #tpu.memory_space<hbm>> -> memref<10000xi32, #tpu.memory_space<hbm>>
    tpu.wait_dma2 semaphore(%dma_wait3A_25 : memref<!tpu.dma_semaphore, #tpu.memory_space<semaphore_mem>>) src(%dma_wait3A_26 : memref<10000xi32, #tpu.memory_space<hbm>>) dst(%arg9 : memref<10000xi32, #tpu.memory_space<vmem>>)
    %dma_wait3A_27 = arith.constant 2 : i32
    %dma_wait3A_28 = tpu.memref_slice %arg4[%mul3A_2] : memref<320000xi32, #tpu.memory_space<hbm>> -> memref<10000xi32, #tpu.memory_space<hbm>>
    %dma_wait3A_29 = tpu.memref_slice %arg14[%dma_wait3A_27] : memref<4x!tpu.dma_semaphore, #tpu.memory_space<semaphore_mem>> -> memref<1x!tpu.dma_semaphore, #tpu.memory_space<semaphore_mem>>
    %dma_wait3A_30 = tpu.memref_squeeze %dma_wait3A_29 : memref<1x!tpu.dma_semaphore, #tpu.memory_space<semaphore_mem>> -> memref<!tpu.dma_semaphore, #tpu.memory_space<semaphore_mem>>
    %dma_wait3A_31 = tpu.memref_slice %arg4[%mul3A_2] : memref<320000xi32, #tpu.memory_space<hbm>> -> memref<10000xi32, #tpu.memory_space<hbm>>
    tpu.wait_dma2 semaphore(%dma_wait3A_30 : memref<!tpu.dma_semaphore, #tpu.memory_space<semaphore_mem>>) src(%dma_wait3A_31 : memref<10000xi32, #tpu.memory_space<hbm>>) dst(%arg10 : memref<10000xi32, #tpu.memory_space<vmem>>)
    %dma_wait3A_32 = arith.constant 3 : i32
    %dma_wait3A_33 = tpu.memref_slice %arg5[%mul3A_2] : memref<320000xf32, #tpu.memory_space<hbm>> -> memref<10000xf32, #tpu.memory_space<hbm>>
    %dma_wait3A_34 = tpu.memref_slice %arg14[%dma_wait3A_32] : memref<4x!tpu.dma_semaphore, #tpu.memory_space<semaphore_mem>> -> memref<1x!tpu.dma_semaphore, #tpu.memory_space<semaphore_mem>>
    %dma_wait3A_35 = tpu.memref_squeeze %dma_wait3A_34 : memref<1x!tpu.dma_semaphore, #tpu.memory_space<semaphore_mem>> -> memref<!tpu.dma_semaphore, #tpu.memory_space<semaphore_mem>>
    %dma_wait3A_36 = tpu.memref_slice %arg5[%mul3A_2] : memref<320000xf32, #tpu.memory_space<hbm>> -> memref<10000xf32, #tpu.memory_space<hbm>>
    tpu.wait_dma2 semaphore(%dma_wait3A_35 : memref<!tpu.dma_semaphore, #tpu.memory_space<semaphore_mem>>) src(%dma_wait3A_36 : memref<10000xf32, #tpu.memory_space<hbm>>) dst(%arg11 : memref<10000xf32, #tpu.memory_space<vmem>>)
    %parallel_loop3A = arith.constant 0 : i32
    %parallel_loop3A_37 = arith.constant 625 : i32
    %parallel_loop3A_38 = arith.constant 1 : i32
    scf.for %parallel_loop3A_39 = %parallel_loop3A to %parallel_loop3A_37 step %parallel_loop3A_38  : i32 {
      %parallel_loop3A_40 = arith.constant 16 : i32
      %parallel_loop3A_41 = arith.muli %parallel_loop3A_39, %parallel_loop3A_40 : i32
      %parallel_loop3A_42 = arith.index_cast %parallel_loop3A_41 : i32 to index
      %parallel_loop3A_43 = tpu.vector_load %arg9[%parallel_loop3A_42] {strides = array<i32>} : memref<10000xi32, #tpu.memory_space<vmem>>, vector<16xi32>,
      %parallel_loop3A_44 = arith.constant 16 : i32
      %parallel_loop3A_45 = arith.muli %parallel_loop3A_39, %parallel_loop3A_44 : i32
      %parallel_loop3A_46 = arith.index_cast %parallel_loop3A_45 : i32 to index
      %parallel_loop3A_47 = tpu.vector_load %arg10[%parallel_loop3A_46] {strides = array<i32>} : memref<10000xi32, #tpu.memory_space<vmem>>, vector<16xi32>,
      %parallel_loop3A_48 = arith.constant 16 : i32
      %parallel_loop3A_49 = arith.muli %parallel_loop3A_39, %parallel_loop3A_48 : i32
      %parallel_loop3A_50 = arith.index_cast %parallel_loop3A_49 : i32 to index
      %parallel_loop3A_51 = tpu.vector_load %arg11[%parallel_loop3A_50] {strides = array<i32>} : memref<10000xf32, #tpu.memory_space<vmem>>, vector<16xf32>,
      %parallel_loop3A_52 = tpu.vector_load_idx %arg8[%parallel_loop3A_43] : memref<10000xf32, #tpu.memory_space<vmem>>[vector<16xi32>], vector<16xf32>,
      %parallel_loop3A_53 = tpu.vector_load_idx %arg8[%parallel_loop3A_47] : memref<10000xf32, #tpu.memory_space<vmem>>[vector<16xi32>], vector<16xf32>,
      %parallel_loop3A_54 = arith.mulf %parallel_loop3A_52, %parallel_loop3A_51 : vector<16xf32>
      %parallel_loop3A_55 = arith.mulf %parallel_loop3A_54, %parallel_loop3A_53 : vector<16xf32>
      %parallel_loop3A_56 = arith.constant 16 : i32
      %parallel_loop3A_57 = arith.muli %parallel_loop3A_39, %parallel_loop3A_56 : i32
      %parallel_loop3A_58 = arith.index_cast %parallel_loop3A_57 : i32 to index
      %parallel_loop3A_59 = tpu.vector_load %arg12[%parallel_loop3A_58] {strides = array<i32>} : memref<10000xf32, #tpu.memory_space<vmem>>, vector<16xf32>,
      tpu.vector_store %arg12[%parallel_loop3A_58], %parallel_loop3A_55 {strides = array<i32>} : memref<10000xf32, #tpu.memory_space<vmem>>, vector<16xf32>,
      %parallel_loop3A_60 = arith.constant 16 : i32
      %parallel_loop3A_61 = vector.broadcast %parallel_loop3A_60 : i32 to vector<16xi32>
      %parallel_loop3A_62 = arith.shli %parallel_loop3A_47, %parallel_loop3A_61 : vector<16xi32>
      %parallel_loop3A_63 = arith.ori %parallel_loop3A_43, %parallel_loop3A_62 : vector<16xi32>
      %parallel_loop3A_64 = arith.constant 16 : i32
      %parallel_loop3A_65 = arith.muli %parallel_loop3A_39, %parallel_loop3A_64 : i32
      %parallel_loop3A_66 = arith.index_cast %parallel_loop3A_65 : i32 to index
      %parallel_loop3A_67 = tpu.vector_load %arg13[%parallel_loop3A_66] {strides = array<i32>} : memref<10000xi32, #tpu.memory_space<vmem>>, vector<16xi32>,
      tpu.vector_store %arg13[%parallel_loop3A_66], %parallel_loop3A_63 {strides = array<i32>} : memref<10000xi32, #tpu.memory_space<vmem>>, vector<16xi32>,
    } {sc.loop_unroll_factor = 8 : i64, sc.parallel_access}
    "tpu.region"() ({
      %run_scoped3A = tpu.sem_alloc : memref<!tpu.dma_semaphore, #tpu.memory_space<semaphore_mem>>
      %dma_start3A_39 = tpu.memref_slice %arg6[%mul3A_2] : memref<320000xf32, #tpu.memory_space<hbm>> -> memref<10000xf32, #tpu.memory_space<hbm>>
      %dma_start3A_40 = tpu.memref_slice %arg6[%mul3A_2] : memref<320000xf32, #tpu.memory_space<hbm>> -> memref<10000xf32, #tpu.memory_space<hbm>>
      tpu.enqueue_dma source(%arg12 : memref<10000xf32, #tpu.memory_space<vmem>>) target(%dma_start3A_40 : memref<10000xf32, #tpu.memory_space<hbm>>) target_semaphore(%run_scoped3A : memref<!tpu.dma_semaphore, #tpu.memory_space<semaphore_mem>>)
      %dma_wait3A_41 = tpu.memref_slice %arg6[%mul3A_2] : memref<320000xf32, #tpu.memory_space<hbm>> -> memref<10000xf32, #tpu.memory_space<hbm>>
      %dma_wait3A_42 = tpu.memref_slice %arg6[%mul3A_2] : memref<320000xf32, #tpu.memory_space<hbm>> -> memref<10000xf32, #tpu.memory_space<hbm>>
      tpu.wait_dma2 semaphore(%run_scoped3A : memref<!tpu.dma_semaphore, #tpu.memory_space<semaphore_mem>>) src(%arg12 : memref<10000xf32, #tpu.memory_space<vmem>>) dst(%dma_wait3A_42 : memref<10000xf32, #tpu.memory_space<hbm>>)
      tpu.yield
    }) : () -> ()
    "tpu.region"() ({
      %run_scoped3A = tpu.sem_alloc : memref<!tpu.dma_semaphore, #tpu.memory_space<semaphore_mem>>
      %dma_start3A_39 = tpu.memref_slice %arg7[%mul3A_2] : memref<320000xi32, #tpu.memory_space<hbm>> -> memref<10000xi32, #tpu.memory_space<hbm>>
      %dma_start3A_40 = tpu.memref_slice %arg7[%mul3A_2] : memref<320000xi32, #tpu.memory_space<hbm>> -> memref<10000xi32, #tpu.memory_space<hbm>>
      tpu.enqueue_dma source(%arg13 : memref<10000xi32, #tpu.memory_space<vmem>>) target(%dma_start3A_40 : memref<10000xi32, #tpu.memory_space<hbm>>) target_semaphore(%run_scoped3A : memref<!tpu.dma_semaphore, #tpu.memory_space<semaphore_mem>>)
      %dma_wait3A_41 = tpu.memref_slice %arg7[%mul3A_2] : memref<320000xi32, #tpu.memory_space<hbm>> -> memref<10000xi32, #tpu.memory_space<hbm>>
      %dma_wait3A_42 = tpu.memref_slice %arg7[%mul3A_2] : memref<320000xi32, #tpu.memory_space<hbm>> -> memref<10000xi32, #tpu.memory_space<hbm>>
      tpu.wait_dma2 semaphore(%run_scoped3A : memref<!tpu.dma_semaphore, #tpu.memory_space<semaphore_mem>>) src(%arg13 : memref<10000xi32, #tpu.memory_space<vmem>>) dst(%dma_wait3A_42 : memref<10000xi32, #tpu.memory_space<hbm>>)
      tpu.yield
    }) : () -> ()
    return
  }
}

#map = affine_map<(d0, d1) -> (0, 0)>
#map1 = affine_map<(d0, d1) -> (0)>
#map2 = affine_map<(d0, d1) -> (0, 0, 0)>
module attributes {stable_mosaic.version = 14 : i64} {
  func.func @body(%arg0: i32, %arg1: i32, %arg2: memref<64x10000xf32, #tpu.memory_space<hbm>>, %arg3: memref<320000xi32, #tpu.memory_space<hbm>>, %arg4: memref<320000xf32, #tpu.memory_space<hbm>>, %arg5: memref<2x64x10000xf32, #tpu.memory_space<hbm>>, %arg6: memref<10000xf32, #tpu.memory_space<vmem>>, %arg7: memref<10000xf32, #tpu.memory_space<vmem>>, %arg8: memref<10000xf32, #tpu.memory_space<vmem>>, %arg9: memref<10000xf32, #tpu.memory_space<vmem>>, %arg10: memref<10000xf32, #tpu.memory_space<vmem>>, %arg11: memref<10000xf32, #tpu.memory_space<vmem>>, %arg12: memref<10000xf32, #tpu.memory_space<vmem>>, %arg13: memref<10000xf32, #tpu.memory_space<vmem>>, %arg14: memref<8000xi32, #tpu.memory_space<vmem>>, %arg15: memref<8000xi32, #tpu.memory_space<vmem>>, %arg16: memref<8000xf32, #tpu.memory_space<vmem>>, %arg17: memref<8000xf32, #tpu.memory_space<vmem>>, %arg18: memref<4x!tpu.dma_semaphore, #tpu.memory_space<semaphore_mem>>, %arg19: memref<4x!tpu.dma_semaphore, #tpu.memory_space<semaphore_mem>>) attributes {dimension_semantics = [#tpu.dimension_semantics<core_parallel>, #tpu.dimension_semantics<subcore_parallel>], iteration_bounds = array<i64: 2, 16>, scalar_prefetch = 0 : i64, scratch_operands = 14 : i64, tpu.core_type = #tpu.core_type<sc_vector_subcore>, window_params = [{transform_indices = #map}, {transform_indices = #map1}, {transform_indices = #map1}, {transform_indices = #map2}]} {
    %mul3A = arith.constant 4 : i32
    %mul3A_0 = arith.muli %arg1, %mul3A : i32
    %add3A = arith.constant 0 : i32
    %add3A_1 = arith.addi %mul3A_0, %add3A : i32
    %add3A_2 = arith.constant 1 : i32
    %add3A_3 = arith.addi %mul3A_0, %add3A_2 : i32
    %add3A_4 = arith.constant 2 : i32
    %add3A_5 = arith.addi %mul3A_0, %add3A_4 : i32
    %add3A_6 = arith.constant 3 : i32
    %add3A_7 = arith.addi %mul3A_0, %add3A_6 : i32
    %dma_start3A = arith.constant 0 : i32
    %dma_start3A_8 = arith.constant 0 : i32
    %dma_start3A_9 = tpu.memref_slice %arg2[%add3A_1, %dma_start3A_8] : memref<64x10000xf32, #tpu.memory_space<hbm>> -> memref<1x10000xf32, #tpu.memory_space<hbm>>
    %dma_start3A_10 = tpu.memref_squeeze %dma_start3A_9 : memref<1x10000xf32, #tpu.memory_space<hbm>> -> memref<10000xf32, #tpu.memory_space<hbm>>
    %dma_start3A_11 = tpu.memref_slice %arg19[%dma_start3A] : memref<4x!tpu.dma_semaphore, #tpu.memory_space<semaphore_mem>> -> memref<1x!tpu.dma_semaphore, #tpu.memory_space<semaphore_mem>>
    %dma_start3A_12 = tpu.memref_squeeze %dma_start3A_11 : memref<1x!tpu.dma_semaphore, #tpu.memory_space<semaphore_mem>> -> memref<!tpu.dma_semaphore, #tpu.memory_space<semaphore_mem>>
    %dma_start3A_13 = arith.constant 0 : i32
    %dma_start3A_14 = tpu.memref_slice %arg2[%add3A_1, %dma_start3A_13] : memref<64x10000xf32, #tpu.memory_space<hbm>> -> memref<1x10000xf32, #tpu.memory_space<hbm>>
    %dma_start3A_15 = tpu.memref_squeeze %dma_start3A_14 : memref<1x10000xf32, #tpu.memory_space<hbm>> -> memref<10000xf32, #tpu.memory_space<hbm>>
    tpu.enqueue_dma source(%dma_start3A_15 : memref<10000xf32, #tpu.memory_space<hbm>>) target(%arg6 : memref<10000xf32, #tpu.memory_space<vmem>>) target_semaphore(%dma_start3A_12 : memref<!tpu.dma_semaphore, #tpu.memory_space<semaphore_mem>>)
    %dma_start3A_16 = arith.constant 1 : i32
    %dma_start3A_17 = arith.constant 0 : i32
    %dma_start3A_18 = tpu.memref_slice %arg2[%add3A_3, %dma_start3A_17] : memref<64x10000xf32, #tpu.memory_space<hbm>> -> memref<1x10000xf32, #tpu.memory_space<hbm>>
    %dma_start3A_19 = tpu.memref_squeeze %dma_start3A_18 : memref<1x10000xf32, #tpu.memory_space<hbm>> -> memref<10000xf32, #tpu.memory_space<hbm>>
    %dma_start3A_20 = tpu.memref_slice %arg19[%dma_start3A_16] : memref<4x!tpu.dma_semaphore, #tpu.memory_space<semaphore_mem>> -> memref<1x!tpu.dma_semaphore, #tpu.memory_space<semaphore_mem>>
    %dma_start3A_21 = tpu.memref_squeeze %dma_start3A_20 : memref<1x!tpu.dma_semaphore, #tpu.memory_space<semaphore_mem>> -> memref<!tpu.dma_semaphore, #tpu.memory_space<semaphore_mem>>
    %dma_start3A_22 = arith.constant 0 : i32
    %dma_start3A_23 = tpu.memref_slice %arg2[%add3A_3, %dma_start3A_22] : memref<64x10000xf32, #tpu.memory_space<hbm>> -> memref<1x10000xf32, #tpu.memory_space<hbm>>
    %dma_start3A_24 = tpu.memref_squeeze %dma_start3A_23 : memref<1x10000xf32, #tpu.memory_space<hbm>> -> memref<10000xf32, #tpu.memory_space<hbm>>
    tpu.enqueue_dma source(%dma_start3A_24 : memref<10000xf32, #tpu.memory_space<hbm>>) target(%arg7 : memref<10000xf32, #tpu.memory_space<vmem>>) target_semaphore(%dma_start3A_21 : memref<!tpu.dma_semaphore, #tpu.memory_space<semaphore_mem>>)
    %dma_start3A_25 = arith.constant 2 : i32
    %dma_start3A_26 = arith.constant 0 : i32
    %dma_start3A_27 = tpu.memref_slice %arg2[%add3A_5, %dma_start3A_26] : memref<64x10000xf32, #tpu.memory_space<hbm>> -> memref<1x10000xf32, #tpu.memory_space<hbm>>
    %dma_start3A_28 = tpu.memref_squeeze %dma_start3A_27 : memref<1x10000xf32, #tpu.memory_space<hbm>> -> memref<10000xf32, #tpu.memory_space<hbm>>
    %dma_start3A_29 = tpu.memref_slice %arg19[%dma_start3A_25] : memref<4x!tpu.dma_semaphore, #tpu.memory_space<semaphore_mem>> -> memref<1x!tpu.dma_semaphore, #tpu.memory_space<semaphore_mem>>
    %dma_start3A_30 = tpu.memref_squeeze %dma_start3A_29 : memref<1x!tpu.dma_semaphore, #tpu.memory_space<semaphore_mem>> -> memref<!tpu.dma_semaphore, #tpu.memory_space<semaphore_mem>>
    %dma_start3A_31 = arith.constant 0 : i32
    %dma_start3A_32 = tpu.memref_slice %arg2[%add3A_5, %dma_start3A_31] : memref<64x10000xf32, #tpu.memory_space<hbm>> -> memref<1x10000xf32, #tpu.memory_space<hbm>>
    %dma_start3A_33 = tpu.memref_squeeze %dma_start3A_32 : memref<1x10000xf32, #tpu.memory_space<hbm>> -> memref<10000xf32, #tpu.memory_space<hbm>>
    tpu.enqueue_dma source(%dma_start3A_33 : memref<10000xf32, #tpu.memory_space<hbm>>) target(%arg8 : memref<10000xf32, #tpu.memory_space<vmem>>) target_semaphore(%dma_start3A_30 : memref<!tpu.dma_semaphore, #tpu.memory_space<semaphore_mem>>)
    %dma_start3A_34 = arith.constant 3 : i32
    %dma_start3A_35 = arith.constant 0 : i32
    %dma_start3A_36 = tpu.memref_slice %arg2[%add3A_7, %dma_start3A_35] : memref<64x10000xf32, #tpu.memory_space<hbm>> -> memref<1x10000xf32, #tpu.memory_space<hbm>>
    %dma_start3A_37 = tpu.memref_squeeze %dma_start3A_36 : memref<1x10000xf32, #tpu.memory_space<hbm>> -> memref<10000xf32, #tpu.memory_space<hbm>>
    %dma_start3A_38 = tpu.memref_slice %arg19[%dma_start3A_34] : memref<4x!tpu.dma_semaphore, #tpu.memory_space<semaphore_mem>> -> memref<1x!tpu.dma_semaphore, #tpu.memory_space<semaphore_mem>>
    %dma_start3A_39 = tpu.memref_squeeze %dma_start3A_38 : memref<1x!tpu.dma_semaphore, #tpu.memory_space<semaphore_mem>> -> memref<!tpu.dma_semaphore, #tpu.memory_space<semaphore_mem>>
    %dma_start3A_40 = arith.constant 0 : i32
    %dma_start3A_41 = tpu.memref_slice %arg2[%add3A_7, %dma_start3A_40] : memref<64x10000xf32, #tpu.memory_space<hbm>> -> memref<1x10000xf32, #tpu.memory_space<hbm>>
    %dma_start3A_42 = tpu.memref_squeeze %dma_start3A_41 : memref<1x10000xf32, #tpu.memory_space<hbm>> -> memref<10000xf32, #tpu.memory_space<hbm>>
    tpu.enqueue_dma source(%dma_start3A_42 : memref<10000xf32, #tpu.memory_space<hbm>>) target(%arg9 : memref<10000xf32, #tpu.memory_space<vmem>>) target_semaphore(%dma_start3A_39 : memref<!tpu.dma_semaphore, #tpu.memory_space<semaphore_mem>>)
    %mul3A_43 = arith.constant 160000 : i32
    %mul3A_44 = arith.muli %arg0, %mul3A_43 : i32
    %add3A_45 = arith.constant 0 : i32
    %add3A_46 = arith.addi %mul3A_44, %add3A_45 : i32
    %dma_start3A_47 = arith.constant 0 : i32
    %dma_start3A_48 = tpu.memref_slice %arg3[%add3A_46] : memref<320000xi32, #tpu.memory_space<hbm>> -> memref<8000xi32, #tpu.memory_space<hbm>>
    %dma_start3A_49 = tpu.memref_slice %arg18[%dma_start3A_47] : memref<4x!tpu.dma_semaphore, #tpu.memory_space<semaphore_mem>> -> memref<1x!tpu.dma_semaphore, #tpu.memory_space<semaphore_mem>>
    %dma_start3A_50 = tpu.memref_squeeze %dma_start3A_49 : memref<1x!tpu.dma_semaphore, #tpu.memory_space<semaphore_mem>> -> memref<!tpu.dma_semaphore, #tpu.memory_space<semaphore_mem>>
    %dma_start3A_51 = tpu.memref_slice %arg3[%add3A_46] : memref<320000xi32, #tpu.memory_space<hbm>> -> memref<8000xi32, #tpu.memory_space<hbm>>
    tpu.enqueue_dma source(%dma_start3A_51 : memref<8000xi32, #tpu.memory_space<hbm>>) target(%arg14 : memref<8000xi32, #tpu.memory_space<vmem>>) target_semaphore(%dma_start3A_50 : memref<!tpu.dma_semaphore, #tpu.memory_space<semaphore_mem>>)
    %dma_start3A_52 = arith.constant 1 : i32
    %dma_start3A_53 = tpu.memref_slice %arg4[%add3A_46] : memref<320000xf32, #tpu.memory_space<hbm>> -> memref<8000xf32, #tpu.memory_space<hbm>>
    %dma_start3A_54 = tpu.memref_slice %arg18[%dma_start3A_52] : memref<4x!tpu.dma_semaphore, #tpu.memory_space<semaphore_mem>> -> memref<1x!tpu.dma_semaphore, #tpu.memory_space<semaphore_mem>>
    %dma_start3A_55 = tpu.memref_squeeze %dma_start3A_54 : memref<1x!tpu.dma_semaphore, #tpu.memory_space<semaphore_mem>> -> memref<!tpu.dma_semaphore, #tpu.memory_space<semaphore_mem>>
    %dma_start3A_56 = tpu.memref_slice %arg4[%add3A_46] : memref<320000xf32, #tpu.memory_space<hbm>> -> memref<8000xf32, #tpu.memory_space<hbm>>
    tpu.enqueue_dma source(%dma_start3A_56 : memref<8000xf32, #tpu.memory_space<hbm>>) target(%arg16 : memref<8000xf32, #tpu.memory_space<vmem>>) target_semaphore(%dma_start3A_55 : memref<!tpu.dma_semaphore, #tpu.memory_space<semaphore_mem>>)
    %mul3A_57 = arith.constant 160000 : i32
    %mul3A_58 = arith.muli %arg0, %mul3A_57 : i32
    %add3A_59 = arith.constant 8000 : i32
    %add3A_60 = arith.addi %mul3A_58, %add3A_59 : i32
    %dma_start3A_61 = arith.constant 2 : i32
    %dma_start3A_62 = tpu.memref_slice %arg3[%add3A_60] : memref<320000xi32, #tpu.memory_space<hbm>> -> memref<8000xi32, #tpu.memory_space<hbm>>
    %dma_start3A_63 = tpu.memref_slice %arg18[%dma_start3A_61] : memref<4x!tpu.dma_semaphore, #tpu.memory_space<semaphore_mem>> -> memref<1x!tpu.dma_semaphore, #tpu.memory_space<semaphore_mem>>
    %dma_start3A_64 = tpu.memref_squeeze %dma_start3A_63 : memref<1x!tpu.dma_semaphore, #tpu.memory_space<semaphore_mem>> -> memref<!tpu.dma_semaphore, #tpu.memory_space<semaphore_mem>>
    %dma_start3A_65 = tpu.memref_slice %arg3[%add3A_60] : memref<320000xi32, #tpu.memory_space<hbm>> -> memref<8000xi32, #tpu.memory_space<hbm>>
    tpu.enqueue_dma source(%dma_start3A_65 : memref<8000xi32, #tpu.memory_space<hbm>>) target(%arg15 : memref<8000xi32, #tpu.memory_space<vmem>>) target_semaphore(%dma_start3A_64 : memref<!tpu.dma_semaphore, #tpu.memory_space<semaphore_mem>>)
    %dma_start3A_66 = arith.constant 3 : i32
    %dma_start3A_67 = tpu.memref_slice %arg4[%add3A_60] : memref<320000xf32, #tpu.memory_space<hbm>> -> memref<8000xf32, #tpu.memory_space<hbm>>
    %dma_start3A_68 = tpu.memref_slice %arg18[%dma_start3A_66] : memref<4x!tpu.dma_semaphore, #tpu.memory_space<semaphore_mem>> -> memref<1x!tpu.dma_semaphore, #tpu.memory_space<semaphore_mem>>
    %dma_start3A_69 = tpu.memref_squeeze %dma_start3A_68 : memref<1x!tpu.dma_semaphore, #tpu.memory_space<semaphore_mem>> -> memref<!tpu.dma_semaphore, #tpu.memory_space<semaphore_mem>>
    %dma_start3A_70 = tpu.memref_slice %arg4[%add3A_60] : memref<320000xf32, #tpu.memory_space<hbm>> -> memref<8000xf32, #tpu.memory_space<hbm>>
    tpu.enqueue_dma source(%dma_start3A_70 : memref<8000xf32, #tpu.memory_space<hbm>>) target(%arg17 : memref<8000xf32, #tpu.memory_space<vmem>>) target_semaphore(%dma_start3A_69 : memref<!tpu.dma_semaphore, #tpu.memory_space<semaphore_mem>>)
    %parallel_loop3A = arith.constant 0 : i32
    %parallel_loop3A_71 = arith.constant 625 : i32
    %parallel_loop3A_72 = arith.constant 1 : i32
    scf.for %parallel_loop3A_193 = %parallel_loop3A to %parallel_loop3A_71 step %parallel_loop3A_72  : i32 {
      %parallel_loop3A_194 = arith.constant 0.000000e+00 : f32
      %parallel_loop3A_195 = vector.broadcast %parallel_loop3A_194 : f32 to vector<16xf32>
      %parallel_loop3A_196 = arith.constant 16 : i32
      %parallel_loop3A_197 = arith.muli %parallel_loop3A_193, %parallel_loop3A_196 : i32
      %parallel_loop3A_198 = arith.index_cast %parallel_loop3A_197 : i32 to index
      %parallel_loop3A_199 = tpu.vector_load %arg10[%parallel_loop3A_198] {strides = array<i32>} : memref<10000xf32, #tpu.memory_space<vmem>>, vector<16xf32>,
      tpu.vector_store %arg10[%parallel_loop3A_198], %parallel_loop3A_195 {strides = array<i32>} : memref<10000xf32, #tpu.memory_space<vmem>>, vector<16xf32>,
      %parallel_loop3A_200 = arith.constant 16 : i32
      %parallel_loop3A_201 = arith.muli %parallel_loop3A_193, %parallel_loop3A_200 : i32
      %parallel_loop3A_202 = arith.index_cast %parallel_loop3A_201 : i32 to index
      %parallel_loop3A_203 = tpu.vector_load %arg11[%parallel_loop3A_202] {strides = array<i32>} : memref<10000xf32, #tpu.memory_space<vmem>>, vector<16xf32>,
      tpu.vector_store %arg11[%parallel_loop3A_202], %parallel_loop3A_195 {strides = array<i32>} : memref<10000xf32, #tpu.memory_space<vmem>>, vector<16xf32>,
      %parallel_loop3A_204 = arith.constant 16 : i32
      %parallel_loop3A_205 = arith.muli %parallel_loop3A_193, %parallel_loop3A_204 : i32
      %parallel_loop3A_206 = arith.index_cast %parallel_loop3A_205 : i32 to index
      %parallel_loop3A_207 = tpu.vector_load %arg12[%parallel_loop3A_206] {strides = array<i32>} : memref<10000xf32, #tpu.memory_space<vmem>>, vector<16xf32>,
      tpu.vector_store %arg12[%parallel_loop3A_206], %parallel_loop3A_195 {strides = array<i32>} : memref<10000xf32, #tpu.memory_space<vmem>>, vector<16xf32>,
      %parallel_loop3A_208 = arith.constant 16 : i32
      %parallel_loop3A_209 = arith.muli %parallel_loop3A_193, %parallel_loop3A_208 : i32
      %parallel_loop3A_210 = arith.index_cast %parallel_loop3A_209 : i32 to index
      %parallel_loop3A_211 = tpu.vector_load %arg13[%parallel_loop3A_210] {strides = array<i32>} : memref<10000xf32, #tpu.memory_space<vmem>>, vector<16xf32>,
      tpu.vector_store %arg13[%parallel_loop3A_210], %parallel_loop3A_195 {strides = array<i32>} : memref<10000xf32, #tpu.memory_space<vmem>>, vector<16xf32>,
    } {sc.loop_unroll_factor = 8 : i64, sc.parallel_access}
    %dma_wait3A = arith.constant 0 : i32
    %dma_wait3A_73 = arith.constant 0 : i32
    %dma_wait3A_74 = tpu.memref_slice %arg2[%add3A_1, %dma_wait3A_73] : memref<64x10000xf32, #tpu.memory_space<hbm>> -> memref<1x10000xf32, #tpu.memory_space<hbm>>
    %dma_wait3A_75 = tpu.memref_squeeze %dma_wait3A_74 : memref<1x10000xf32, #tpu.memory_space<hbm>> -> memref<10000xf32, #tpu.memory_space<hbm>>
    %dma_wait3A_76 = tpu.memref_slice %arg19[%dma_wait3A] : memref<4x!tpu.dma_semaphore, #tpu.memory_space<semaphore_mem>> -> memref<1x!tpu.dma_semaphore, #tpu.memory_space<semaphore_mem>>
    %dma_wait3A_77 = tpu.memref_squeeze %dma_wait3A_76 : memref<1x!tpu.dma_semaphore, #tpu.memory_space<semaphore_mem>> -> memref<!tpu.dma_semaphore, #tpu.memory_space<semaphore_mem>>
    %dma_wait3A_78 = arith.constant 0 : i32
    %dma_wait3A_79 = tpu.memref_slice %arg2[%add3A_1, %dma_wait3A_78] : memref<64x10000xf32, #tpu.memory_space<hbm>> -> memref<1x10000xf32, #tpu.memory_space<hbm>>
    %dma_wait3A_80 = tpu.memref_squeeze %dma_wait3A_79 : memref<1x10000xf32, #tpu.memory_space<hbm>> -> memref<10000xf32, #tpu.memory_space<hbm>>
    tpu.wait_dma2 semaphore(%dma_wait3A_77 : memref<!tpu.dma_semaphore, #tpu.memory_space<semaphore_mem>>) src(%dma_wait3A_80 : memref<10000xf32, #tpu.memory_space<hbm>>) dst(%arg6 : memref<10000xf32, #tpu.memory_space<vmem>>)
    %dma_wait3A_81 = arith.constant 1 : i32
    %dma_wait3A_82 = arith.constant 0 : i32
    %dma_wait3A_83 = tpu.memref_slice %arg2[%add3A_3, %dma_wait3A_82] : memref<64x10000xf32, #tpu.memory_space<hbm>> -> memref<1x10000xf32, #tpu.memory_space<hbm>>
    %dma_wait3A_84 = tpu.memref_squeeze %dma_wait3A_83 : memref<1x10000xf32, #tpu.memory_space<hbm>> -> memref<10000xf32, #tpu.memory_space<hbm>>
    %dma_wait3A_85 = tpu.memref_slice %arg19[%dma_wait3A_81] : memref<4x!tpu.dma_semaphore, #tpu.memory_space<semaphore_mem>> -> memref<1x!tpu.dma_semaphore, #tpu.memory_space<semaphore_mem>>
    %dma_wait3A_86 = tpu.memref_squeeze %dma_wait3A_85 : memref<1x!tpu.dma_semaphore, #tpu.memory_space<semaphore_mem>> -> memref<!tpu.dma_semaphore, #tpu.memory_space<semaphore_mem>>
    %dma_wait3A_87 = arith.constant 0 : i32
    %dma_wait3A_88 = tpu.memref_slice %arg2[%add3A_3, %dma_wait3A_87] : memref<64x10000xf32, #tpu.memory_space<hbm>> -> memref<1x10000xf32, #tpu.memory_space<hbm>>
    %dma_wait3A_89 = tpu.memref_squeeze %dma_wait3A_88 : memref<1x10000xf32, #tpu.memory_space<hbm>> -> memref<10000xf32, #tpu.memory_space<hbm>>
    tpu.wait_dma2 semaphore(%dma_wait3A_86 : memref<!tpu.dma_semaphore, #tpu.memory_space<semaphore_mem>>) src(%dma_wait3A_89 : memref<10000xf32, #tpu.memory_space<hbm>>) dst(%arg7 : memref<10000xf32, #tpu.memory_space<vmem>>)
    %dma_wait3A_90 = arith.constant 2 : i32
    %dma_wait3A_91 = arith.constant 0 : i32
    %dma_wait3A_92 = tpu.memref_slice %arg2[%add3A_5, %dma_wait3A_91] : memref<64x10000xf32, #tpu.memory_space<hbm>> -> memref<1x10000xf32, #tpu.memory_space<hbm>>
    %dma_wait3A_93 = tpu.memref_squeeze %dma_wait3A_92 : memref<1x10000xf32, #tpu.memory_space<hbm>> -> memref<10000xf32, #tpu.memory_space<hbm>>
    %dma_wait3A_94 = tpu.memref_slice %arg19[%dma_wait3A_90] : memref<4x!tpu.dma_semaphore, #tpu.memory_space<semaphore_mem>> -> memref<1x!tpu.dma_semaphore, #tpu.memory_space<semaphore_mem>>
    %dma_wait3A_95 = tpu.memref_squeeze %dma_wait3A_94 : memref<1x!tpu.dma_semaphore, #tpu.memory_space<semaphore_mem>> -> memref<!tpu.dma_semaphore, #tpu.memory_space<semaphore_mem>>
    %dma_wait3A_96 = arith.constant 0 : i32
    %dma_wait3A_97 = tpu.memref_slice %arg2[%add3A_5, %dma_wait3A_96] : memref<64x10000xf32, #tpu.memory_space<hbm>> -> memref<1x10000xf32, #tpu.memory_space<hbm>>
    %dma_wait3A_98 = tpu.memref_squeeze %dma_wait3A_97 : memref<1x10000xf32, #tpu.memory_space<hbm>> -> memref<10000xf32, #tpu.memory_space<hbm>>
    tpu.wait_dma2 semaphore(%dma_wait3A_95 : memref<!tpu.dma_semaphore, #tpu.memory_space<semaphore_mem>>) src(%dma_wait3A_98 : memref<10000xf32, #tpu.memory_space<hbm>>) dst(%arg8 : memref<10000xf32, #tpu.memory_space<vmem>>)
    %dma_wait3A_99 = arith.constant 3 : i32
    %dma_wait3A_100 = arith.constant 0 : i32
    %dma_wait3A_101 = tpu.memref_slice %arg2[%add3A_7, %dma_wait3A_100] : memref<64x10000xf32, #tpu.memory_space<hbm>> -> memref<1x10000xf32, #tpu.memory_space<hbm>>
    %dma_wait3A_102 = tpu.memref_squeeze %dma_wait3A_101 : memref<1x10000xf32, #tpu.memory_space<hbm>> -> memref<10000xf32, #tpu.memory_space<hbm>>
    %dma_wait3A_103 = tpu.memref_slice %arg19[%dma_wait3A_99] : memref<4x!tpu.dma_semaphore, #tpu.memory_space<semaphore_mem>> -> memref<1x!tpu.dma_semaphore, #tpu.memory_space<semaphore_mem>>
    %dma_wait3A_104 = tpu.memref_squeeze %dma_wait3A_103 : memref<1x!tpu.dma_semaphore, #tpu.memory_space<semaphore_mem>> -> memref<!tpu.dma_semaphore, #tpu.memory_space<semaphore_mem>>
    %dma_wait3A_105 = arith.constant 0 : i32
    %dma_wait3A_106 = tpu.memref_slice %arg2[%add3A_7, %dma_wait3A_105] : memref<64x10000xf32, #tpu.memory_space<hbm>> -> memref<1x10000xf32, #tpu.memory_space<hbm>>
    %dma_wait3A_107 = tpu.memref_squeeze %dma_wait3A_106 : memref<1x10000xf32, #tpu.memory_space<hbm>> -> memref<10000xf32, #tpu.memory_space<hbm>>
    tpu.wait_dma2 semaphore(%dma_wait3A_104 : memref<!tpu.dma_semaphore, #tpu.memory_space<semaphore_mem>>) src(%dma_wait3A_107 : memref<10000xf32, #tpu.memory_space<hbm>>) dst(%arg9 : memref<10000xf32, #tpu.memory_space<vmem>>)
    %scan3A = arith.constant 0 : i32
    %scan3A_108 = arith.constant 0 : i32
    %scan3A_109 = arith.constant 10 : i32
    %scan3A_110 = arith.addi %scan3A_108, %scan3A_109 : i32
    %scan3A_111 = arith.constant 1 : i32
    scf.for %scan3A_193 = %scan3A_108 to %scan3A_110 step %scan3A_111  : i32 {
      %mul3A_194 = arith.constant 2 : i32
      %mul3A_195 = arith.muli %mul3A_194, %scan3A_193 : i32
      %mul3A_196 = arith.constant 160000 : i32
      %mul3A_197 = arith.muli %arg0, %mul3A_196 : i32
      %mul3A_198 = arith.constant 8000 : i32
      %mul3A_199 = arith.muli %mul3A_195, %mul3A_198 : i32
      %add3A_200 = arith.addi %mul3A_197, %mul3A_199 : i32
      %dma_wait3A_201 = arith.constant 0 : i32
      %dma_wait3A_202 = tpu.memref_slice %arg3[%add3A_200] : memref<320000xi32, #tpu.memory_space<hbm>> -> memref<8000xi32, #tpu.memory_space<hbm>>
      %dma_wait3A_203 = tpu.memref_slice %arg18[%dma_wait3A_201] : memref<4x!tpu.dma_semaphore, #tpu.memory_space<semaphore_mem>> -> memref<1x!tpu.dma_semaphore, #tpu.memory_space<semaphore_mem>>
      %dma_wait3A_204 = tpu.memref_squeeze %dma_wait3A_203 : memref<1x!tpu.dma_semaphore, #tpu.memory_space<semaphore_mem>> -> memref<!tpu.dma_semaphore, #tpu.memory_space<semaphore_mem>>
      %dma_wait3A_205 = tpu.memref_slice %arg3[%add3A_200] : memref<320000xi32, #tpu.memory_space<hbm>> -> memref<8000xi32, #tpu.memory_space<hbm>>
      tpu.wait_dma2 semaphore(%dma_wait3A_204 : memref<!tpu.dma_semaphore, #tpu.memory_space<semaphore_mem>>) src(%dma_wait3A_205 : memref<8000xi32, #tpu.memory_space<hbm>>) dst(%arg14 : memref<8000xi32, #tpu.memory_space<vmem>>)
      %dma_wait3A_206 = arith.constant 1 : i32
      %dma_wait3A_207 = tpu.memref_slice %arg4[%add3A_200] : memref<320000xf32, #tpu.memory_space<hbm>> -> memref<8000xf32, #tpu.memory_space<hbm>>
      %dma_wait3A_208 = tpu.memref_slice %arg18[%dma_wait3A_206] : memref<4x!tpu.dma_semaphore, #tpu.memory_space<semaphore_mem>> -> memref<1x!tpu.dma_semaphore, #tpu.memory_space<semaphore_mem>>
      %dma_wait3A_209 = tpu.memref_squeeze %dma_wait3A_208 : memref<1x!tpu.dma_semaphore, #tpu.memory_space<semaphore_mem>> -> memref<!tpu.dma_semaphore, #tpu.memory_space<semaphore_mem>>
      %dma_wait3A_210 = tpu.memref_slice %arg4[%add3A_200] : memref<320000xf32, #tpu.memory_space<hbm>> -> memref<8000xf32, #tpu.memory_space<hbm>>
      tpu.wait_dma2 semaphore(%dma_wait3A_209 : memref<!tpu.dma_semaphore, #tpu.memory_space<semaphore_mem>>) src(%dma_wait3A_210 : memref<8000xf32, #tpu.memory_space<hbm>>) dst(%arg16 : memref<8000xf32, #tpu.memory_space<vmem>>)
      %parallel_loop3A_211 = arith.constant 0 : i32
      %parallel_loop3A_212 = arith.constant 500 : i32
      %parallel_loop3A_213 = arith.constant 1 : i32
      scf.for %parallel_loop3A_245 = %parallel_loop3A_211 to %parallel_loop3A_212 step %parallel_loop3A_213  : i32 {
        %parallel_loop3A_246 = arith.constant 16 : i32
        %parallel_loop3A_247 = arith.muli %parallel_loop3A_245, %parallel_loop3A_246 : i32
        %parallel_loop3A_248 = arith.index_cast %parallel_loop3A_247 : i32 to index
        %parallel_loop3A_249 = tpu.vector_load %arg14[%parallel_loop3A_248] {strides = array<i32>} : memref<8000xi32, #tpu.memory_space<vmem>>, vector<16xi32>,
        %parallel_loop3A_250 = arith.constant 16 : i32
        %parallel_loop3A_251 = arith.muli %parallel_loop3A_245, %parallel_loop3A_250 : i32
        %parallel_loop3A_252 = arith.index_cast %parallel_loop3A_251 : i32 to index
        %parallel_loop3A_253 = tpu.vector_load %arg16[%parallel_loop3A_252] {strides = array<i32>} : memref<8000xf32, #tpu.memory_space<vmem>>, vector<16xf32>,
        %parallel_loop3A_254 = arith.constant 65535 : i32
        %parallel_loop3A_255 = vector.broadcast %parallel_loop3A_254 : i32 to vector<16xi32>
        %parallel_loop3A_256 = arith.andi %parallel_loop3A_249, %parallel_loop3A_255 : vector<16xi32>
        %parallel_loop3A_257 = arith.constant 16 : i32
        %parallel_loop3A_258 = vector.broadcast %parallel_loop3A_257 : i32 to vector<16xi32>
        %parallel_loop3A_259 = arith.shrui %parallel_loop3A_249, %parallel_loop3A_258 : vector<16xi32>
        %parallel_loop3A_260 = tpu.vector_load_idx %arg6[%parallel_loop3A_256] : memref<10000xf32, #tpu.memory_space<vmem>>[vector<16xi32>], vector<16xf32>,
        %parallel_loop3A_261 = arith.mulf %parallel_loop3A_260, %parallel_loop3A_253 : vector<16xf32>
        tpu.vector_store_idx %arg10[%parallel_loop3A_259], %parallel_loop3A_261 {add = true} : memref<10000xf32, #tpu.memory_space<vmem>>[vector<16xi32>], vector<16xf32>,
        %parallel_loop3A_262 = tpu.vector_load_idx %arg7[%parallel_loop3A_256] : memref<10000xf32, #tpu.memory_space<vmem>>[vector<16xi32>], vector<16xf32>,
        %parallel_loop3A_263 = arith.mulf %parallel_loop3A_262, %parallel_loop3A_253 : vector<16xf32>
        tpu.vector_store_idx %arg11[%parallel_loop3A_259], %parallel_loop3A_263 {add = true} : memref<10000xf32, #tpu.memory_space<vmem>>[vector<16xi32>], vector<16xf32>,
        %parallel_loop3A_264 = tpu.vector_load_idx %arg8[%parallel_loop3A_256] : memref<10000xf32, #tpu.memory_space<vmem>>[vector<16xi32>], vector<16xf32>,
        %parallel_loop3A_265 = arith.mulf %parallel_loop3A_264, %parallel_loop3A_253 : vector<16xf32>
        tpu.vector_store_idx %arg12[%parallel_loop3A_259], %parallel_loop3A_265 {add = true} : memref<10000xf32, #tpu.memory_space<vmem>>[vector<16xi32>], vector<16xf32>,
        %parallel_loop3A_266 = tpu.vector_load_idx %arg9[%parallel_loop3A_256] : memref<10000xf32, #tpu.memory_space<vmem>>[vector<16xi32>], vector<16xf32>,
        %parallel_loop3A_267 = arith.mulf %parallel_loop3A_266, %parallel_loop3A_253 : vector<16xf32>
        tpu.vector_store_idx %arg13[%parallel_loop3A_259], %parallel_loop3A_267 {add = true} : memref<10000xf32, #tpu.memory_space<vmem>>[vector<16xi32>], vector<16xf32>,
      } {sc.loop_unroll_factor = 8 : i64, sc.parallel_access}
      %add3A_214 = arith.constant 2 : i32
      %add3A_215 = arith.addi %mul3A_195, %add3A_214 : i32
      %lt3A = arith.constant 20 : i32
      %lt3A_216 = arith.cmpi slt, %add3A_215, %lt3A : i32
      %convert_element_type3A = arith.extui %lt3A_216 : i1 to i32
      %cond3A = arith.constant 0 : i32
      %cond3A_217 = arith.cmpi ne, %convert_element_type3A, %cond3A : i32
      scf.if %cond3A_217 {
        %add3A_245 = arith.constant 2 : i32
        %add3A_246 = arith.addi %mul3A_195, %add3A_245 : i32
        %mul3A_247 = arith.constant 160000 : i32
        %mul3A_248 = arith.muli %arg0, %mul3A_247 : i32
        %mul3A_249 = arith.constant 8000 : i32
        %mul3A_250 = arith.muli %add3A_246, %mul3A_249 : i32
        %add3A_251 = arith.addi %mul3A_248, %mul3A_250 : i32
        %dma_start3A_252 = arith.constant 0 : i32
        %dma_start3A_253 = tpu.memref_slice %arg3[%add3A_251] : memref<320000xi32, #tpu.memory_space<hbm>> -> memref<8000xi32, #tpu.memory_space<hbm>>
        %dma_start3A_254 = tpu.memref_slice %arg18[%dma_start3A_252] : memref<4x!tpu.dma_semaphore, #tpu.memory_space<semaphore_mem>> -> memref<1x!tpu.dma_semaphore, #tpu.memory_space<semaphore_mem>>
        %dma_start3A_255 = tpu.memref_squeeze %dma_start3A_254 : memref<1x!tpu.dma_semaphore, #tpu.memory_space<semaphore_mem>> -> memref<!tpu.dma_semaphore, #tpu.memory_space<semaphore_mem>>
        %dma_start3A_256 = tpu.memref_slice %arg3[%add3A_251] : memref<320000xi32, #tpu.memory_space<hbm>> -> memref<8000xi32, #tpu.memory_space<hbm>>
        tpu.enqueue_dma source(%dma_start3A_256 : memref<8000xi32, #tpu.memory_space<hbm>>) target(%arg14 : memref<8000xi32, #tpu.memory_space<vmem>>) target_semaphore(%dma_start3A_255 : memref<!tpu.dma_semaphore, #tpu.memory_space<semaphore_mem>>)
        %dma_start3A_257 = arith.constant 1 : i32
        %dma_start3A_258 = tpu.memref_slice %arg4[%add3A_251] : memref<320000xf32, #tpu.memory_space<hbm>> -> memref<8000xf32, #tpu.memory_space<hbm>>
        %dma_start3A_259 = tpu.memref_slice %arg18[%dma_start3A_257] : memref<4x!tpu.dma_semaphore, #tpu.memory_space<semaphore_mem>> -> memref<1x!tpu.dma_semaphore, #tpu.memory_space<semaphore_mem>>
        %dma_start3A_260 = tpu.memref_squeeze %dma_start3A_259 : memref<1x!tpu.dma_semaphore, #tpu.memory_space<semaphore_mem>> -> memref<!tpu.dma_semaphore, #tpu.memory_space<semaphore_mem>>
        %dma_start3A_261 = tpu.memref_slice %arg4[%add3A_251] : memref<320000xf32, #tpu.memory_space<hbm>> -> memref<8000xf32, #tpu.memory_space<hbm>>
        tpu.enqueue_dma source(%dma_start3A_261 : memref<8000xf32, #tpu.memory_space<hbm>>) target(%arg16 : memref<8000xf32, #tpu.memory_space<vmem>>) target_semaphore(%dma_start3A_260 : memref<!tpu.dma_semaphore, #tpu.memory_space<semaphore_mem>>)
      } else {
      }
      %add3A_218 = arith.constant 1 : i32
      %add3A_219 = arith.addi %mul3A_195, %add3A_218 : i32
      %mul3A_220 = arith.constant 160000 : i32
      %mul3A_221 = arith.muli %arg0, %mul3A_220 : i32
      %mul3A_222 = arith.constant 8000 : i32
      %mul3A_223 = arith.muli %add3A_219, %mul3A_222 : i32
      %add3A_224 = arith.addi %mul3A_221, %mul3A_223 : i32
      %dma_wait3A_225 = arith.constant 2 : i32
      %dma_wait3A_226 = tpu.memref_slice %arg3[%add3A_224] : memref<320000xi32, #tpu.memory_space<hbm>> -> memref<8000xi32, #tpu.memory_space<hbm>>
      %dma_wait3A_227 = tpu.memref_slice %arg18[%dma_wait3A_225] : memref<4x!tpu.dma_semaphore, #tpu.memory_space<semaphore_mem>> -> memref<1x!tpu.dma_semaphore, #tpu.memory_space<semaphore_mem>>
      %dma_wait3A_228 = tpu.memref_squeeze %dma_wait3A_227 : memref<1x!tpu.dma_semaphore, #tpu.memory_space<semaphore_mem>> -> memref<!tpu.dma_semaphore, #tpu.memory_space<semaphore_mem>>
      %dma_wait3A_229 = tpu.memref_slice %arg3[%add3A_224] : memref<320000xi32, #tpu.memory_space<hbm>> -> memref<8000xi32, #tpu.memory_space<hbm>>
      tpu.wait_dma2 semaphore(%dma_wait3A_228 : memref<!tpu.dma_semaphore, #tpu.memory_space<semaphore_mem>>) src(%dma_wait3A_229 : memref<8000xi32, #tpu.memory_space<hbm>>) dst(%arg15 : memref<8000xi32, #tpu.memory_space<vmem>>)
      %dma_wait3A_230 = arith.constant 3 : i32
      %dma_wait3A_231 = tpu.memref_slice %arg4[%add3A_224] : memref<320000xf32, #tpu.memory_space<hbm>> -> memref<8000xf32, #tpu.memory_space<hbm>>
      %dma_wait3A_232 = tpu.memref_slice %arg18[%dma_wait3A_230] : memref<4x!tpu.dma_semaphore, #tpu.memory_space<semaphore_mem>> -> memref<1x!tpu.dma_semaphore, #tpu.memory_space<semaphore_mem>>
      %dma_wait3A_233 = tpu.memref_squeeze %dma_wait3A_232 : memref<1x!tpu.dma_semaphore, #tpu.memory_space<semaphore_mem>> -> memref<!tpu.dma_semaphore, #tpu.memory_space<semaphore_mem>>
      %dma_wait3A_234 = tpu.memref_slice %arg4[%add3A_224] : memref<320000xf32, #tpu.memory_space<hbm>> -> memref<8000xf32, #tpu.memory_space<hbm>>
      tpu.wait_dma2 semaphore(%dma_wait3A_233 : memref<!tpu.dma_semaphore, #tpu.memory_space<semaphore_mem>>) src(%dma_wait3A_234 : memref<8000xf32, #tpu.memory_space<hbm>>) dst(%arg17 : memref<8000xf32, #tpu.memory_space<vmem>>)
      %parallel_loop3A_235 = arith.constant 0 : i32
      %parallel_loop3A_236 = arith.constant 500 : i32
      %parallel_loop3A_237 = arith.constant 1 : i32
      scf.for %parallel_loop3A_245 = %parallel_loop3A_235 to %parallel_loop3A_236 step %parallel_loop3A_237  : i32 {
        %parallel_loop3A_246 = arith.constant 16 : i32
        %parallel_loop3A_247 = arith.muli %parallel_loop3A_245, %parallel_loop3A_246 : i32
        %parallel_loop3A_248 = arith.index_cast %parallel_loop3A_247 : i32 to index
        %parallel_loop3A_249 = tpu.vector_load %arg15[%parallel_loop3A_248] {strides = array<i32>} : memref<8000xi32, #tpu.memory_space<vmem>>, vector<16xi32>,
        %parallel_loop3A_250 = arith.constant 16 : i32
        %parallel_loop3A_251 = arith.muli %parallel_loop3A_245, %parallel_loop3A_250 : i32
        %parallel_loop3A_252 = arith.index_cast %parallel_loop3A_251 : i32 to index
        %parallel_loop3A_253 = tpu.vector_load %arg17[%parallel_loop3A_252] {strides = array<i32>} : memref<8000xf32, #tpu.memory_space<vmem>>, vector<16xf32>,
        %parallel_loop3A_254 = arith.constant 65535 : i32
        %parallel_loop3A_255 = vector.broadcast %parallel_loop3A_254 : i32 to vector<16xi32>
        %parallel_loop3A_256 = arith.andi %parallel_loop3A_249, %parallel_loop3A_255 : vector<16xi32>
        %parallel_loop3A_257 = arith.constant 16 : i32
        %parallel_loop3A_258 = vector.broadcast %parallel_loop3A_257 : i32 to vector<16xi32>
        %parallel_loop3A_259 = arith.shrui %parallel_loop3A_249, %parallel_loop3A_258 : vector<16xi32>
        %parallel_loop3A_260 = tpu.vector_load_idx %arg6[%parallel_loop3A_256] : memref<10000xf32, #tpu.memory_space<vmem>>[vector<16xi32>], vector<16xf32>,
        %parallel_loop3A_261 = arith.mulf %parallel_loop3A_260, %parallel_loop3A_253 : vector<16xf32>
        tpu.vector_store_idx %arg10[%parallel_loop3A_259], %parallel_loop3A_261 {add = true} : memref<10000xf32, #tpu.memory_space<vmem>>[vector<16xi32>], vector<16xf32>,
        %parallel_loop3A_262 = tpu.vector_load_idx %arg7[%parallel_loop3A_256] : memref<10000xf32, #tpu.memory_space<vmem>>[vector<16xi32>], vector<16xf32>,
        %parallel_loop3A_263 = arith.mulf %parallel_loop3A_262, %parallel_loop3A_253 : vector<16xf32>
        tpu.vector_store_idx %arg11[%parallel_loop3A_259], %parallel_loop3A_263 {add = true} : memref<10000xf32, #tpu.memory_space<vmem>>[vector<16xi32>], vector<16xf32>,
        %parallel_loop3A_264 = tpu.vector_load_idx %arg8[%parallel_loop3A_256] : memref<10000xf32, #tpu.memory_space<vmem>>[vector<16xi32>], vector<16xf32>,
        %parallel_loop3A_265 = arith.mulf %parallel_loop3A_264, %parallel_loop3A_253 : vector<16xf32>
        tpu.vector_store_idx %arg12[%parallel_loop3A_259], %parallel_loop3A_265 {add = true} : memref<10000xf32, #tpu.memory_space<vmem>>[vector<16xi32>], vector<16xf32>,
        %parallel_loop3A_266 = tpu.vector_load_idx %arg9[%parallel_loop3A_256] : memref<10000xf32, #tpu.memory_space<vmem>>[vector<16xi32>], vector<16xf32>,
        %parallel_loop3A_267 = arith.mulf %parallel_loop3A_266, %parallel_loop3A_253 : vector<16xf32>
        tpu.vector_store_idx %arg13[%parallel_loop3A_259], %parallel_loop3A_267 {add = true} : memref<10000xf32, #tpu.memory_space<vmem>>[vector<16xi32>], vector<16xf32>,
      } {sc.loop_unroll_factor = 8 : i64, sc.parallel_access}
      %add3A_238 = arith.constant 3 : i32
      %add3A_239 = arith.addi %mul3A_195, %add3A_238 : i32
      %lt3A_240 = arith.constant 20 : i32
      %lt3A_241 = arith.cmpi slt, %add3A_239, %lt3A_240 : i32
      %convert_element_type3A_242 = arith.extui %lt3A_241 : i1 to i32
      %cond3A_243 = arith.constant 0 : i32
      %cond3A_244 = arith.cmpi ne, %convert_element_type3A_242, %cond3A_243 : i32
      scf.if %cond3A_244 {
        %add3A_245 = arith.constant 3 : i32
        %add3A_246 = arith.addi %mul3A_195, %add3A_245 : i32
        %mul3A_247 = arith.constant 160000 : i32
        %mul3A_248 = arith.muli %arg0, %mul3A_247 : i32
        %mul3A_249 = arith.constant 8000 : i32
        %mul3A_250 = arith.muli %add3A_246, %mul3A_249 : i32
        %add3A_251 = arith.addi %mul3A_248, %mul3A_250 : i32
        %dma_start3A_252 = arith.constant 2 : i32
        %dma_start3A_253 = tpu.memref_slice %arg3[%add3A_251] : memref<320000xi32, #tpu.memory_space<hbm>> -> memref<8000xi32, #tpu.memory_space<hbm>>
        %dma_start3A_254 = tpu.memref_slice %arg18[%dma_start3A_252] : memref<4x!tpu.dma_semaphore, #tpu.memory_space<semaphore_mem>> -> memref<1x!tpu.dma_semaphore, #tpu.memory_space<semaphore_mem>>
        %dma_start3A_255 = tpu.memref_squeeze %dma_start3A_254 : memref<1x!tpu.dma_semaphore, #tpu.memory_space<semaphore_mem>> -> memref<!tpu.dma_semaphore, #tpu.memory_space<semaphore_mem>>
        %dma_start3A_256 = tpu.memref_slice %arg3[%add3A_251] : memref<320000xi32, #tpu.memory_space<hbm>> -> memref<8000xi32, #tpu.memory_space<hbm>>
        tpu.enqueue_dma source(%dma_start3A_256 : memref<8000xi32, #tpu.memory_space<hbm>>) target(%arg15 : memref<8000xi32, #tpu.memory_space<vmem>>) target_semaphore(%dma_start3A_255 : memref<!tpu.dma_semaphore, #tpu.memory_space<semaphore_mem>>)
        %dma_start3A_257 = arith.constant 3 : i32
        %dma_start3A_258 = tpu.memref_slice %arg4[%add3A_251] : memref<320000xf32, #tpu.memory_space<hbm>> -> memref<8000xf32, #tpu.memory_space<hbm>>
        %dma_start3A_259 = tpu.memref_slice %arg18[%dma_start3A_257] : memref<4x!tpu.dma_semaphore, #tpu.memory_space<semaphore_mem>> -> memref<1x!tpu.dma_semaphore, #tpu.memory_space<semaphore_mem>>
        %dma_start3A_260 = tpu.memref_squeeze %dma_start3A_259 : memref<1x!tpu.dma_semaphore, #tpu.memory_space<semaphore_mem>> -> memref<!tpu.dma_semaphore, #tpu.memory_space<semaphore_mem>>
        %dma_start3A_261 = tpu.memref_slice %arg4[%add3A_251] : memref<320000xf32, #tpu.memory_space<hbm>> -> memref<8000xf32, #tpu.memory_space<hbm>>
        tpu.enqueue_dma source(%dma_start3A_261 : memref<8000xf32, #tpu.memory_space<hbm>>) target(%arg17 : memref<8000xf32, #tpu.memory_space<vmem>>) target_semaphore(%dma_start3A_260 : memref<!tpu.dma_semaphore, #tpu.memory_space<semaphore_mem>>)
      } else {
      }
    }
    %scan3A_112 = arith.constant 10 : i32
    %add3A_113 = arith.constant 0 : i32
    %add3A_114 = arith.addi %mul3A_0, %add3A_113 : i32
    %add3A_115 = arith.constant 1 : i32
    %add3A_116 = arith.addi %mul3A_0, %add3A_115 : i32
    %add3A_117 = arith.constant 2 : i32
    %add3A_118 = arith.addi %mul3A_0, %add3A_117 : i32
    %add3A_119 = arith.constant 3 : i32
    %add3A_120 = arith.addi %mul3A_0, %add3A_119 : i32
    %dma_start3A_121 = arith.constant 0 : i32
    %dma_start3A_122 = arith.constant 0 : i32
    %dma_start3A_123 = tpu.memref_slice %arg5[%arg0, %add3A_114, %dma_start3A_122] : memref<2x64x10000xf32, #tpu.memory_space<hbm>> -> memref<1x1x10000xf32, #tpu.memory_space<hbm>>
    %dma_start3A_124 = tpu.memref_squeeze %dma_start3A_123 : memref<1x1x10000xf32, #tpu.memory_space<hbm>> -> memref<10000xf32, #tpu.memory_space<hbm>>
    %dma_start3A_125 = tpu.memref_slice %arg19[%dma_start3A_121] : memref<4x!tpu.dma_semaphore, #tpu.memory_space<semaphore_mem>> -> memref<1x!tpu.dma_semaphore, #tpu.memory_space<semaphore_mem>>
    %dma_start3A_126 = tpu.memref_squeeze %dma_start3A_125 : memref<1x!tpu.dma_semaphore, #tpu.memory_space<semaphore_mem>> -> memref<!tpu.dma_semaphore, #tpu.memory_space<semaphore_mem>>
    %dma_start3A_127 = arith.constant 0 : i32
    %dma_start3A_128 = tpu.memref_slice %arg5[%arg0, %add3A_114, %dma_start3A_127] : memref<2x64x10000xf32, #tpu.memory_space<hbm>> -> memref<1x1x10000xf32, #tpu.memory_space<hbm>>
    %dma_start3A_129 = tpu.memref_squeeze %dma_start3A_128 : memref<1x1x10000xf32, #tpu.memory_space<hbm>> -> memref<10000xf32, #tpu.memory_space<hbm>>
    tpu.enqueue_dma source(%arg10 : memref<10000xf32, #tpu.memory_space<vmem>>) target(%dma_start3A_129 : memref<10000xf32, #tpu.memory_space<hbm>>) target_semaphore(%dma_start3A_126 : memref<!tpu.dma_semaphore, #tpu.memory_space<semaphore_mem>>)
    %dma_start3A_130 = arith.constant 1 : i32
    %dma_start3A_131 = arith.constant 0 : i32
    %dma_start3A_132 = tpu.memref_slice %arg5[%arg0, %add3A_116, %dma_start3A_131] : memref<2x64x10000xf32, #tpu.memory_space<hbm>> -> memref<1x1x10000xf32, #tpu.memory_space<hbm>>
    %dma_start3A_133 = tpu.memref_squeeze %dma_start3A_132 : memref<1x1x10000xf32, #tpu.memory_space<hbm>> -> memref<10000xf32, #tpu.memory_space<hbm>>
    %dma_start3A_134 = tpu.memref_slice %arg19[%dma_start3A_130] : memref<4x!tpu.dma_semaphore, #tpu.memory_space<semaphore_mem>> -> memref<1x!tpu.dma_semaphore, #tpu.memory_space<semaphore_mem>>
    %dma_start3A_135 = tpu.memref_squeeze %dma_start3A_134 : memref<1x!tpu.dma_semaphore, #tpu.memory_space<semaphore_mem>> -> memref<!tpu.dma_semaphore, #tpu.memory_space<semaphore_mem>>
    %dma_start3A_136 = arith.constant 0 : i32
    %dma_start3A_137 = tpu.memref_slice %arg5[%arg0, %add3A_116, %dma_start3A_136] : memref<2x64x10000xf32, #tpu.memory_space<hbm>> -> memref<1x1x10000xf32, #tpu.memory_space<hbm>>
    %dma_start3A_138 = tpu.memref_squeeze %dma_start3A_137 : memref<1x1x10000xf32, #tpu.memory_space<hbm>> -> memref<10000xf32, #tpu.memory_space<hbm>>
    tpu.enqueue_dma source(%arg11 : memref<10000xf32, #tpu.memory_space<vmem>>) target(%dma_start3A_138 : memref<10000xf32, #tpu.memory_space<hbm>>) target_semaphore(%dma_start3A_135 : memref<!tpu.dma_semaphore, #tpu.memory_space<semaphore_mem>>)
    %dma_start3A_139 = arith.constant 2 : i32
    %dma_start3A_140 = arith.constant 0 : i32
    %dma_start3A_141 = tpu.memref_slice %arg5[%arg0, %add3A_118, %dma_start3A_140] : memref<2x64x10000xf32, #tpu.memory_space<hbm>> -> memref<1x1x10000xf32, #tpu.memory_space<hbm>>
    %dma_start3A_142 = tpu.memref_squeeze %dma_start3A_141 : memref<1x1x10000xf32, #tpu.memory_space<hbm>> -> memref<10000xf32, #tpu.memory_space<hbm>>
    %dma_start3A_143 = tpu.memref_slice %arg19[%dma_start3A_139] : memref<4x!tpu.dma_semaphore, #tpu.memory_space<semaphore_mem>> -> memref<1x!tpu.dma_semaphore, #tpu.memory_space<semaphore_mem>>
    %dma_start3A_144 = tpu.memref_squeeze %dma_start3A_143 : memref<1x!tpu.dma_semaphore, #tpu.memory_space<semaphore_mem>> -> memref<!tpu.dma_semaphore, #tpu.memory_space<semaphore_mem>>
    %dma_start3A_145 = arith.constant 0 : i32
    %dma_start3A_146 = tpu.memref_slice %arg5[%arg0, %add3A_118, %dma_start3A_145] : memref<2x64x10000xf32, #tpu.memory_space<hbm>> -> memref<1x1x10000xf32, #tpu.memory_space<hbm>>
    %dma_start3A_147 = tpu.memref_squeeze %dma_start3A_146 : memref<1x1x10000xf32, #tpu.memory_space<hbm>> -> memref<10000xf32, #tpu.memory_space<hbm>>
    tpu.enqueue_dma source(%arg12 : memref<10000xf32, #tpu.memory_space<vmem>>) target(%dma_start3A_147 : memref<10000xf32, #tpu.memory_space<hbm>>) target_semaphore(%dma_start3A_144 : memref<!tpu.dma_semaphore, #tpu.memory_space<semaphore_mem>>)
    %dma_start3A_148 = arith.constant 3 : i32
    %dma_start3A_149 = arith.constant 0 : i32
    %dma_start3A_150 = tpu.memref_slice %arg5[%arg0, %add3A_120, %dma_start3A_149] : memref<2x64x10000xf32, #tpu.memory_space<hbm>> -> memref<1x1x10000xf32, #tpu.memory_space<hbm>>
    %dma_start3A_151 = tpu.memref_squeeze %dma_start3A_150 : memref<1x1x10000xf32, #tpu.memory_space<hbm>> -> memref<10000xf32, #tpu.memory_space<hbm>>
    %dma_start3A_152 = tpu.memref_slice %arg19[%dma_start3A_148] : memref<4x!tpu.dma_semaphore, #tpu.memory_space<semaphore_mem>> -> memref<1x!tpu.dma_semaphore, #tpu.memory_space<semaphore_mem>>
    %dma_start3A_153 = tpu.memref_squeeze %dma_start3A_152 : memref<1x!tpu.dma_semaphore, #tpu.memory_space<semaphore_mem>> -> memref<!tpu.dma_semaphore, #tpu.memory_space<semaphore_mem>>
    %dma_start3A_154 = arith.constant 0 : i32
    %dma_start3A_155 = tpu.memref_slice %arg5[%arg0, %add3A_120, %dma_start3A_154] : memref<2x64x10000xf32, #tpu.memory_space<hbm>> -> memref<1x1x10000xf32, #tpu.memory_space<hbm>>
    %dma_start3A_156 = tpu.memref_squeeze %dma_start3A_155 : memref<1x1x10000xf32, #tpu.memory_space<hbm>> -> memref<10000xf32, #tpu.memory_space<hbm>>
    tpu.enqueue_dma source(%arg13 : memref<10000xf32, #tpu.memory_space<vmem>>) target(%dma_start3A_156 : memref<10000xf32, #tpu.memory_space<hbm>>) target_semaphore(%dma_start3A_153 : memref<!tpu.dma_semaphore, #tpu.memory_space<semaphore_mem>>)
    %dma_wait3A_157 = arith.constant 0 : i32
    %dma_wait3A_158 = arith.constant 0 : i32
    %dma_wait3A_159 = tpu.memref_slice %arg5[%arg0, %add3A_114, %dma_wait3A_158] : memref<2x64x10000xf32, #tpu.memory_space<hbm>> -> memref<1x1x10000xf32, #tpu.memory_space<hbm>>
    %dma_wait3A_160 = tpu.memref_squeeze %dma_wait3A_159 : memref<1x1x10000xf32, #tpu.memory_space<hbm>> -> memref<10000xf32, #tpu.memory_space<hbm>>
    %dma_wait3A_161 = tpu.memref_slice %arg19[%dma_wait3A_157] : memref<4x!tpu.dma_semaphore, #tpu.memory_space<semaphore_mem>> -> memref<1x!tpu.dma_semaphore, #tpu.memory_space<semaphore_mem>>
    %dma_wait3A_162 = tpu.memref_squeeze %dma_wait3A_161 : memref<1x!tpu.dma_semaphore, #tpu.memory_space<semaphore_mem>> -> memref<!tpu.dma_semaphore, #tpu.memory_space<semaphore_mem>>
    %dma_wait3A_163 = arith.constant 0 : i32
    %dma_wait3A_164 = tpu.memref_slice %arg5[%arg0, %add3A_114, %dma_wait3A_163] : memref<2x64x10000xf32, #tpu.memory_space<hbm>> -> memref<1x1x10000xf32, #tpu.memory_space<hbm>>
    %dma_wait3A_165 = tpu.memref_squeeze %dma_wait3A_164 : memref<1x1x10000xf32, #tpu.memory_space<hbm>> -> memref<10000xf32, #tpu.memory_space<hbm>>
    tpu.wait_dma2 semaphore(%dma_wait3A_162 : memref<!tpu.dma_semaphore, #tpu.memory_space<semaphore_mem>>) src(%arg10 : memref<10000xf32, #tpu.memory_space<vmem>>) dst(%dma_wait3A_165 : memref<10000xf32, #tpu.memory_space<hbm>>)
    %dma_wait3A_166 = arith.constant 1 : i32
    %dma_wait3A_167 = arith.constant 0 : i32
    %dma_wait3A_168 = tpu.memref_slice %arg5[%arg0, %add3A_116, %dma_wait3A_167] : memref<2x64x10000xf32, #tpu.memory_space<hbm>> -> memref<1x1x10000xf32, #tpu.memory_space<hbm>>
    %dma_wait3A_169 = tpu.memref_squeeze %dma_wait3A_168 : memref<1x1x10000xf32, #tpu.memory_space<hbm>> -> memref<10000xf32, #tpu.memory_space<hbm>>
    %dma_wait3A_170 = tpu.memref_slice %arg19[%dma_wait3A_166] : memref<4x!tpu.dma_semaphore, #tpu.memory_space<semaphore_mem>> -> memref<1x!tpu.dma_semaphore, #tpu.memory_space<semaphore_mem>>
    %dma_wait3A_171 = tpu.memref_squeeze %dma_wait3A_170 : memref<1x!tpu.dma_semaphore, #tpu.memory_space<semaphore_mem>> -> memref<!tpu.dma_semaphore, #tpu.memory_space<semaphore_mem>>
    %dma_wait3A_172 = arith.constant 0 : i32
    %dma_wait3A_173 = tpu.memref_slice %arg5[%arg0, %add3A_116, %dma_wait3A_172] : memref<2x64x10000xf32, #tpu.memory_space<hbm>> -> memref<1x1x10000xf32, #tpu.memory_space<hbm>>
    %dma_wait3A_174 = tpu.memref_squeeze %dma_wait3A_173 : memref<1x1x10000xf32, #tpu.memory_space<hbm>> -> memref<10000xf32, #tpu.memory_space<hbm>>
    tpu.wait_dma2 semaphore(%dma_wait3A_171 : memref<!tpu.dma_semaphore, #tpu.memory_space<semaphore_mem>>) src(%arg11 : memref<10000xf32, #tpu.memory_space<vmem>>) dst(%dma_wait3A_174 : memref<10000xf32, #tpu.memory_space<hbm>>)
    %dma_wait3A_175 = arith.constant 2 : i32
    %dma_wait3A_176 = arith.constant 0 : i32
    %dma_wait3A_177 = tpu.memref_slice %arg5[%arg0, %add3A_118, %dma_wait3A_176] : memref<2x64x10000xf32, #tpu.memory_space<hbm>> -> memref<1x1x10000xf32, #tpu.memory_space<hbm>>
    %dma_wait3A_178 = tpu.memref_squeeze %dma_wait3A_177 : memref<1x1x10000xf32, #tpu.memory_space<hbm>> -> memref<10000xf32, #tpu.memory_space<hbm>>
    %dma_wait3A_179 = tpu.memref_slice %arg19[%dma_wait3A_175] : memref<4x!tpu.dma_semaphore, #tpu.memory_space<semaphore_mem>> -> memref<1x!tpu.dma_semaphore, #tpu.memory_space<semaphore_mem>>
    %dma_wait3A_180 = tpu.memref_squeeze %dma_wait3A_179 : memref<1x!tpu.dma_semaphore, #tpu.memory_space<semaphore_mem>> -> memref<!tpu.dma_semaphore, #tpu.memory_space<semaphore_mem>>
    %dma_wait3A_181 = arith.constant 0 : i32
    %dma_wait3A_182 = tpu.memref_slice %arg5[%arg0, %add3A_118, %dma_wait3A_181] : memref<2x64x10000xf32, #tpu.memory_space<hbm>> -> memref<1x1x10000xf32, #tpu.memory_space<hbm>>
    %dma_wait3A_183 = tpu.memref_squeeze %dma_wait3A_182 : memref<1x1x10000xf32, #tpu.memory_space<hbm>> -> memref<10000xf32, #tpu.memory_space<hbm>>
    tpu.wait_dma2 semaphore(%dma_wait3A_180 : memref<!tpu.dma_semaphore, #tpu.memory_space<semaphore_mem>>) src(%arg12 : memref<10000xf32, #tpu.memory_space<vmem>>) dst(%dma_wait3A_183 : memref<10000xf32, #tpu.memory_space<hbm>>)
    %dma_wait3A_184 = arith.constant 3 : i32
    %dma_wait3A_185 = arith.constant 0 : i32
    %dma_wait3A_186 = tpu.memref_slice %arg5[%arg0, %add3A_120, %dma_wait3A_185] : memref<2x64x10000xf32, #tpu.memory_space<hbm>> -> memref<1x1x10000xf32, #tpu.memory_space<hbm>>
    %dma_wait3A_187 = tpu.memref_squeeze %dma_wait3A_186 : memref<1x1x10000xf32, #tpu.memory_space<hbm>> -> memref<10000xf32, #tpu.memory_space<hbm>>
    %dma_wait3A_188 = tpu.memref_slice %arg19[%dma_wait3A_184] : memref<4x!tpu.dma_semaphore, #tpu.memory_space<semaphore_mem>> -> memref<1x!tpu.dma_semaphore, #tpu.memory_space<semaphore_mem>>
    %dma_wait3A_189 = tpu.memref_squeeze %dma_wait3A_188 : memref<1x!tpu.dma_semaphore, #tpu.memory_space<semaphore_mem>> -> memref<!tpu.dma_semaphore, #tpu.memory_space<semaphore_mem>>
    %dma_wait3A_190 = arith.constant 0 : i32
    %dma_wait3A_191 = tpu.memref_slice %arg5[%arg0, %add3A_120, %dma_wait3A_190] : memref<2x64x10000xf32, #tpu.memory_space<hbm>> -> memref<1x1x10000xf32, #tpu.memory_space<hbm>>
    %dma_wait3A_192 = tpu.memref_squeeze %dma_wait3A_191 : memref<1x1x10000xf32, #tpu.memory_space<hbm>> -> memref<10000xf32, #tpu.memory_space<hbm>>
    tpu.wait_dma2 semaphore(%dma_wait3A_189 : memref<!tpu.dma_semaphore, #tpu.memory_space<semaphore_mem>>) src(%arg13 : memref<10000xf32, #tpu.memory_space<vmem>>) dst(%dma_wait3A_192 : memref<10000xf32, #tpu.memory_space<hbm>>)
    return
  }
}

module attributes {stable_mosaic.version = 14 : i64} {
  func.func @_tc1_body(%arg0: memref<10000x128xf32, #tpu.memory_space<vmem>>, %arg1: memref<32x10000xf32, #tpu.memory_space<vmem>>, %arg2: memref<64x128xf32, #tpu.memory_space<vmem>>, %arg3: memref<64x128xf32, #tpu.memory_space<vmem>>, %arg4: memref<64x10000xf32, #tpu.memory_space<vmem>>, %arg5: memref<64x10000xf32, #tpu.memory_space<vmem>>, %arg6: memref<1x10000xf32, #tpu.memory_space<vmem>>) attributes {dimension_semantics = [], scalar_prefetch = 0 : i64, scratch_operands = 0 : i64, tpu.core_type = #tpu.core_type<tc>} {
    %get3A = arith.constant 0 : index
    %get3A_0 = arith.constant 0 : index
    %get3A_1 = vector.load %arg1[%get3A, %get3A_0] : memref<32x10000xf32, #tpu.memory_space<vmem>>, vector<32x10000xf32>
    %reduce_sum3A = arith.constant dense<0.000000e+00> : vector<10000xf32>
    %reduce_sum3A_2 = vector.multi_reduction <add>, %get3A_1, %reduce_sum3A [0] : vector<32x10000xf32> to vector<10000xf32>
    %broadcast_in_dim3A = vector.shape_cast %reduce_sum3A_2 : vector<10000xf32> to vector<1x10000xf32>
    %gt3A = arith.constant 0.000000e+00 : f32
    %gt3A_3 = vector.broadcast %gt3A : f32 to vector<1x10000xf32>
    %gt3A_4 = arith.cmpf ogt, %broadcast_in_dim3A, %gt3A_3 : vector<1x10000xf32>
    %jit3A = arith.constant 1.000000e+00 : f32
    %broadcast_in_dim3A_5 = vector.broadcast %jit3A : f32 to vector<1x10000xf32>
    %select_n3A = arith.select %gt3A_4, %broadcast_in_dim3A, %broadcast_in_dim3A_5 : vector<1x10000xi1>, vector<1x10000xf32>
    %gt3A_6 = arith.constant 0.000000e+00 : f32
    %gt3A_7 = vector.broadcast %gt3A_6 : f32 to vector<1x10000xf32>
    %gt3A_8 = arith.cmpf ogt, %broadcast_in_dim3A, %gt3A_7 : vector<1x10000xf32>
    %rsqrt3A = math.rsqrt %select_n3A : vector<1x10000xf32>
    %jit3A_9 = arith.constant 0.000000e+00 : f32
    %broadcast_in_dim3A_10 = vector.broadcast %jit3A_9 : f32 to vector<1x10000xf32>
    %select_n3A_11 = arith.select %gt3A_8, %rsqrt3A, %broadcast_in_dim3A_10 : vector<1x10000xi1>, vector<1x10000xf32>
    %swap3A = arith.constant 0 : index
    %swap3A_12 = arith.constant 0 : index
    %swap3A_13 = vector.load %arg6[%swap3A, %swap3A_12] : memref<1x10000xf32, #tpu.memory_space<vmem>>, vector<1x10000xf32>
    tpu.vector_store %arg6[%swap3A, %swap3A_12], %select_n3A_11 {strides = array<i32>} : memref<1x10000xf32, #tpu.memory_space<vmem>>, vector<1x10000xf32>,
    %get3A_14 = arith.constant 0 : index
    %get3A_15 = arith.constant 0 : index
    %get3A_16 = vector.load %arg0[%get3A_14, %get3A_15] : memref<10000x128xf32, #tpu.memory_space<vmem>>, vector<10000x128xf32>
    %get3A_17 = arith.constant 0 : index
    %get3A_18 = arith.constant 0 : index
    %get3A_19 = vector.load %arg2[%get3A_17, %get3A_18] : memref<64x128xf32, #tpu.memory_space<vmem>>, vector<64x128xf32>
    %dot_general3A = arith.constant dense<0.000000e+00> : vector<64x10000xf32>
    %dot_general3A_20 = tpu.matmul %get3A_19, %get3A_16, %dot_general3A {dimension_numbers = #tpu.dot_dimension_numbers<[1], [1], [0], [0], [0, 0, 1, 0], [], []>, transpose_lhs_hint = false} : vector<64x128xf32>, vector<10000x128xf32>, vector<64x10000xf32> -> vector<64x10000xf32>
    %swap3A_21 = arith.constant 0 : index
    %swap3A_22 = arith.constant 0 : index
    %swap3A_23 = vector.load %arg4[%swap3A_21, %swap3A_22] : memref<64x10000xf32, #tpu.memory_space<vmem>>, vector<64x10000xf32>
    tpu.vector_store %arg4[%swap3A_21, %swap3A_22], %dot_general3A_20 {strides = array<i32>} : memref<64x10000xf32, #tpu.memory_space<vmem>>, vector<64x10000xf32>,
    %get3A_24 = arith.constant 0 : index
    %get3A_25 = arith.constant 0 : index
    %get3A_26 = vector.load %arg3[%get3A_24, %get3A_25] : memref<64x128xf32, #tpu.memory_space<vmem>>, vector<64x128xf32>
    %dot_general3A_27 = arith.constant dense<0.000000e+00> : vector<64x10000xf32>
    %dot_general3A_28 = tpu.matmul %get3A_26, %get3A_16, %dot_general3A_27 {dimension_numbers = #tpu.dot_dimension_numbers<[1], [1], [0], [0], [0, 0, 1, 0], [], []>, transpose_lhs_hint = false} : vector<64x128xf32>, vector<10000x128xf32>, vector<64x10000xf32> -> vector<64x10000xf32>
    %swap3A_29 = arith.constant 0 : index
    %swap3A_30 = arith.constant 0 : index
    %swap3A_31 = vector.load %arg5[%swap3A_29, %swap3A_30] : memref<64x10000xf32, #tpu.memory_space<vmem>>, vector<64x10000xf32>
    tpu.vector_store %arg5[%swap3A_29, %swap3A_30], %dot_general3A_28 {strides = array<i32>} : memref<64x10000xf32, #tpu.memory_space<vmem>>, vector<64x10000xf32>,
    return
  }
}

module attributes {stable_mosaic.version = 14 : i64} {
  func.func @_tc2_body(%arg0: memref<64x10000xf32, #tpu.memory_space<vmem>>, %arg1: memref<2x64x10000xf32, #tpu.memory_space<vmem>>, %arg2: memref<64x1xf32, #tpu.memory_space<vmem>>, %arg3: memref<32x32xf32, #tpu.memory_space<vmem>>, %arg4: memref<32x32xf32, #tpu.memory_space<vmem>>, %arg5: memref<32x10000xf32, #tpu.memory_space<vmem>>, %arg6: memref<32x10000xf32, #tpu.memory_space<vmem>>) attributes {dimension_semantics = [], scalar_prefetch = 0 : i64, scratch_operands = 0 : i64, tpu.core_type = #tpu.core_type<tc>} {
    %get3A = arith.constant 0 : index
    %get3A_0 = arith.constant 0 : index
    %get3A_1 = vector.load %arg0[%get3A, %get3A_0] : memref<64x10000xf32, #tpu.memory_space<vmem>>, vector<64x10000xf32>
    %get3A_2 = arith.constant 0 : index
    %get3A_3 = arith.constant 0 : index
    %get3A_4 = arith.constant 0 : index
    %get3A_5 = vector.load %arg1[%get3A_2, %get3A_3, %get3A_4] : memref<2x64x10000xf32, #tpu.memory_space<vmem>>, vector<1x64x10000xf32>
    %get3A_6 = vector.shape_cast %get3A_5 : vector<1x64x10000xf32> to vector<64x10000xf32>
    %get3A_7 = arith.constant 1 : index
    %get3A_8 = arith.constant 0 : index
    %get3A_9 = arith.constant 0 : index
    %get3A_10 = vector.load %arg1[%get3A_7, %get3A_8, %get3A_9] : memref<2x64x10000xf32, #tpu.memory_space<vmem>>, vector<1x64x10000xf32>
    %get3A_11 = vector.shape_cast %get3A_10 : vector<1x64x10000xf32> to vector<64x10000xf32>
    %add3A = arith.addf %get3A_6, %get3A_11 : vector<64x10000xf32>
    %sub3A = arith.subf %get3A_1, %add3A : vector<64x10000xf32>
    %get3A_12 = arith.constant 0 : index
    %get3A_13 = arith.constant 0 : index
    %get3A_14 = vector.load %arg2[%get3A_12, %get3A_13] : memref<64x1xf32, #tpu.memory_space<vmem>>, vector<64x1xf32>
    %add3A_15 = vector.broadcast %get3A_14 : vector<64x1xf32> to vector<64x10000xf32>
    %add3A_16 = arith.addf %sub3A, %add3A_15 : vector<64x10000xf32>
    %slice3A = vector.extract_strided_slice %add3A_16 {offsets = [0, 0], sizes = [32, 10000], strides = [1, 1]} : vector<64x10000xf32> to vector<32x10000xf32>
    %logistic3A = arith.negf %slice3A : vector<32x10000xf32>
    %logistic3A_17 = math.exp %logistic3A : vector<32x10000xf32>
    %logistic3A_18 = arith.constant 1.000000e+00 : f32
    %logistic3A_19 = vector.broadcast %logistic3A_18 : f32 to vector<32x10000xf32>
    %logistic3A_20 = arith.addf %logistic3A_19, %logistic3A_17 : vector<32x10000xf32>
    %logistic3A_21 = arith.divf %logistic3A_19, %logistic3A_20 : vector<32x10000xf32>
    %slice3A_22 = vector.extract_strided_slice %add3A_16 {offsets = [32, 0], sizes = [32, 10000], strides = [1, 1]} : vector<64x10000xf32> to vector<32x10000xf32>
    %tanh3A = math.tanh %slice3A_22 : vector<32x10000xf32>
    %sub3A_23 = arith.constant 1.000000e+00 : f32
    %sub3A_24 = vector.broadcast %sub3A_23 : f32 to vector<32x10000xf32>
    %sub3A_25 = arith.subf %sub3A_24, %logistic3A_21 : vector<32x10000xf32>
    %mul3A = arith.mulf %sub3A_25, %tanh3A : vector<32x10000xf32>
    %max3A = arith.constant 0.000000e+00 : f32
    %max3A_26 = vector.broadcast %max3A : f32 to vector<32x10000xf32>
    %max3A_27 = arith.maximumf %mul3A, %max3A_26 : vector<32x10000xf32>
    %get3A_28 = arith.constant 0 : index
    %get3A_29 = arith.constant 0 : index
    %get3A_30 = vector.load %arg3[%get3A_28, %get3A_29] : memref<32x32xf32, #tpu.memory_space<vmem>>, vector<32x32xf32>
    %dot_general3A = arith.constant dense<0.000000e+00> : vector<32x10000xf32>
    %dot_general3A_31 = tpu.matmul %get3A_30, %max3A_27, %dot_general3A {dimension_numbers = #tpu.dot_dimension_numbers<[1], [0], [0], [1], [0, 0, 1, 1], [], []>, transpose_lhs_hint = false} : vector<32x32xf32>, vector<32x10000xf32>, vector<32x10000xf32> -> vector<32x10000xf32>
    %swap3A = arith.constant 0 : index
    %swap3A_32 = arith.constant 0 : index
    %swap3A_33 = vector.load %arg5[%swap3A, %swap3A_32] : memref<32x10000xf32, #tpu.memory_space<vmem>>, vector<32x10000xf32>
    tpu.vector_store %arg5[%swap3A, %swap3A_32], %dot_general3A_31 {strides = array<i32>} : memref<32x10000xf32, #tpu.memory_space<vmem>>, vector<32x10000xf32>,
    %get3A_34 = arith.constant 0 : index
    %get3A_35 = arith.constant 0 : index
    %get3A_36 = vector.load %arg4[%get3A_34, %get3A_35] : memref<32x32xf32, #tpu.memory_space<vmem>>, vector<32x32xf32>
    %dot_general3A_37 = arith.constant dense<0.000000e+00> : vector<32x10000xf32>
    %dot_general3A_38 = tpu.matmul %get3A_36, %max3A_27, %dot_general3A_37 {dimension_numbers = #tpu.dot_dimension_numbers<[1], [0], [0], [1], [0, 0, 1, 1], [], []>, transpose_lhs_hint = false} : vector<32x32xf32>, vector<32x10000xf32>, vector<32x10000xf32> -> vector<32x10000xf32>
    %swap3A_39 = arith.constant 0 : index
    %swap3A_40 = arith.constant 0 : index
    %swap3A_41 = vector.load %arg6[%swap3A_39, %swap3A_40] : memref<32x10000xf32, #tpu.memory_space<vmem>>, vector<32x10000xf32>
    tpu.vector_store %arg6[%swap3A_39, %swap3A_40], %dot_general3A_38 {strides = array<i32>} : memref<32x10000xf32, #tpu.memory_space<vmem>>, vector<32x10000xf32>,
    return
  }
}

module attributes {stable_mosaic.version = 14 : i64} {
  func.func @_tc3_body(%arg0: memref<32x10000xf32, #tpu.memory_space<vmem>>, %arg1: memref<2x32x10000xf32, #tpu.memory_space<vmem>>, %arg2: memref<32x1xf32, #tpu.memory_space<vmem>>, %arg3: memref<10x16xf32, #tpu.memory_space<vmem>>, %arg4: memref<10x1xf32, #tpu.memory_space<vmem>>, %arg5: memref<10x10000xf32, #tpu.memory_space<vmem>>) attributes {dimension_semantics = [], scalar_prefetch = 0 : i64, scratch_operands = 0 : i64, tpu.core_type = #tpu.core_type<tc>} {
    %get3A = arith.constant 0 : index
    %get3A_0 = arith.constant 0 : index
    %get3A_1 = vector.load %arg0[%get3A, %get3A_0] : memref<32x10000xf32, #tpu.memory_space<vmem>>, vector<32x10000xf32>
    %get3A_2 = arith.constant 0 : index
    %get3A_3 = arith.constant 0 : index
    %get3A_4 = arith.constant 0 : index
    %get3A_5 = vector.load %arg1[%get3A_2, %get3A_3, %get3A_4] : memref<2x32x10000xf32, #tpu.memory_space<vmem>>, vector<1x32x10000xf32>
    %get3A_6 = vector.shape_cast %get3A_5 : vector<1x32x10000xf32> to vector<32x10000xf32>
    %get3A_7 = arith.constant 1 : index
    %get3A_8 = arith.constant 0 : index
    %get3A_9 = arith.constant 0 : index
    %get3A_10 = vector.load %arg1[%get3A_7, %get3A_8, %get3A_9] : memref<2x32x10000xf32, #tpu.memory_space<vmem>>, vector<1x32x10000xf32>
    %get3A_11 = vector.shape_cast %get3A_10 : vector<1x32x10000xf32> to vector<32x10000xf32>
    %add3A = arith.addf %get3A_6, %get3A_11 : vector<32x10000xf32>
    %sub3A = arith.subf %get3A_1, %add3A : vector<32x10000xf32>
    %get3A_12 = arith.constant 0 : index
    %get3A_13 = arith.constant 0 : index
    %get3A_14 = vector.load %arg2[%get3A_12, %get3A_13] : memref<32x1xf32, #tpu.memory_space<vmem>>, vector<32x1xf32>
    %add3A_15 = vector.broadcast %get3A_14 : vector<32x1xf32> to vector<32x10000xf32>
    %add3A_16 = arith.addf %sub3A, %add3A_15 : vector<32x10000xf32>
    %slice3A = vector.extract_strided_slice %add3A_16 {offsets = [0, 0], sizes = [16, 10000], strides = [1, 1]} : vector<32x10000xf32> to vector<16x10000xf32>
    %logistic3A = arith.negf %slice3A : vector<16x10000xf32>
    %logistic3A_17 = math.exp %logistic3A : vector<16x10000xf32>
    %logistic3A_18 = arith.constant 1.000000e+00 : f32
    %logistic3A_19 = vector.broadcast %logistic3A_18 : f32 to vector<16x10000xf32>
    %logistic3A_20 = arith.addf %logistic3A_19, %logistic3A_17 : vector<16x10000xf32>
    %logistic3A_21 = arith.divf %logistic3A_19, %logistic3A_20 : vector<16x10000xf32>
    %slice3A_22 = vector.extract_strided_slice %add3A_16 {offsets = [16, 0], sizes = [16, 10000], strides = [1, 1]} : vector<32x10000xf32> to vector<16x10000xf32>
    %tanh3A = math.tanh %slice3A_22 : vector<16x10000xf32>
    %sub3A_23 = arith.constant 1.000000e+00 : f32
    %sub3A_24 = vector.broadcast %sub3A_23 : f32 to vector<16x10000xf32>
    %sub3A_25 = arith.subf %sub3A_24, %logistic3A_21 : vector<16x10000xf32>
    %mul3A = arith.mulf %sub3A_25, %tanh3A : vector<16x10000xf32>
    %max3A = arith.constant 0.000000e+00 : f32
    %max3A_26 = vector.broadcast %max3A : f32 to vector<16x10000xf32>
    %max3A_27 = arith.maximumf %mul3A, %max3A_26 : vector<16x10000xf32>
    %get3A_28 = arith.constant 0 : index
    %get3A_29 = arith.constant 0 : index
    %get3A_30 = vector.load %arg3[%get3A_28, %get3A_29] : memref<10x16xf32, #tpu.memory_space<vmem>>, vector<10x16xf32>
    %dot_general3A = arith.constant dense<0.000000e+00> : vector<10x10000xf32>
    %dot_general3A_31 = tpu.matmul %get3A_30, %max3A_27, %dot_general3A {dimension_numbers = #tpu.dot_dimension_numbers<[1], [0], [0], [1], [0, 0, 1, 1], [], []>, transpose_lhs_hint = false} : vector<10x16xf32>, vector<16x10000xf32>, vector<10x10000xf32> -> vector<10x10000xf32>
    %get3A_32 = arith.constant 0 : index
    %get3A_33 = arith.constant 0 : index
    %get3A_34 = vector.load %arg4[%get3A_32, %get3A_33] : memref<10x1xf32, #tpu.memory_space<vmem>>, vector<10x1xf32>
    %add3A_35 = vector.broadcast %get3A_34 : vector<10x1xf32> to vector<10x10000xf32>
    %add3A_36 = arith.addf %dot_general3A_31, %add3A_35 : vector<10x10000xf32>
    %reduce_max3A = arith.constant dense<0xFF800000> : vector<10000xf32>
    %reduce_max3A_37 = vector.multi_reduction <maximumf>, %add3A_36, %reduce_max3A [0] : vector<10x10000xf32> to vector<10000xf32>
    %broadcast_in_dim3A = vector.shape_cast %reduce_max3A_37 : vector<10000xf32> to vector<1x10000xf32>
    %sub3A_38 = vector.broadcast %broadcast_in_dim3A : vector<1x10000xf32> to vector<10x10000xf32>
    %sub3A_39 = arith.subf %add3A_36, %sub3A_38 : vector<10x10000xf32>
    %exp3A = math.exp %sub3A_39 : vector<10x10000xf32>
    %reduce_sum3A = arith.constant dense<0.000000e+00> : vector<10000xf32>
    %reduce_sum3A_40 = vector.multi_reduction <add>, %exp3A, %reduce_sum3A [0] : vector<10x10000xf32> to vector<10000xf32>
    %broadcast_in_dim3A_41 = vector.shape_cast %reduce_sum3A_40 : vector<10000xf32> to vector<1x10000xf32>
    %log3A = math.log %broadcast_in_dim3A_41 : vector<1x10000xf32>
    %sub3A_42 = vector.broadcast %log3A : vector<1x10000xf32> to vector<10x10000xf32>
    %sub3A_43 = arith.subf %sub3A_39, %sub3A_42 : vector<10x10000xf32>
    %swap3A = arith.constant 0 : index
    %swap3A_44 = arith.constant 0 : index
    %swap3A_45 = vector.load %arg5[%swap3A, %swap3A_44] : memref<10x10000xf32, #tpu.memory_space<vmem>>, vector<10x10000xf32>
    tpu.vector_store %arg5[%swap3A, %swap3A_44], %sub3A_43 {strides = array<i32>} : memref<10x10000xf32, #tpu.memory_space<vmem>>, vector<10x10000xf32>,
    return
  }
}

</mosaic_0001>

<sc_bundles>
// kernel: kernel.12.cloned.1.call-start
scs
__scs_entry_jumppad:
0x0: {  	(pc) =	sbr.rel $0x88, $3  }
0x1: {  	(tag) =	ssettag $0x0;
	lr =	simm.s32 $0x1  }
0x2: {  	[smem:$0x3F90] =	sst lr;
	_ =	strace $0xD0000000  }
0x3: {  	_ = 	snop  }
0x4: {  	_ = 	snop  }
0x5: {  	_ = 	snop  }
0x6: {  	_ = 	snop  }
0x7: {  	_ = 	snop  }
__scs_overlays_trampoline_lowered:
0x8: {  	[smem:$0x3F9F] =	sst s0  }
0x9: {  	[smem:$0x3FA0] =	sst s1  }
0xa: {  	[smem:$0x3FA1] =	sst s2  }
0xb: {  	[smem:$0x3FA2] =	sst s3  }
0xc: {  	[smem:$0x3FA3] =	sst s4  }
0xd: {  	[smem:$0x3FA4] =	sst s5  }
0xe: {  	[smem:$0x3FA5] =	sst s6  }
0xf: {  	[smem:$0x3FA6] =	sst s7  }
0x10: {  	[smem:$0x3FA7] =	sst s8  }
0x11: {  	[smem:$0x3FA8] =	sst s9;
	s0 =	simm.s32 @!p0 $0x0  }
0x12: {  	s1 =	sld [smem:$0x3F8E];
	s0 =	simm.s32 @p0 $0x1  }
0x13: {  	[smem:$0x3FA9] =	sst s0;
	s0 =	simm.s32 @!p1 $0x0  }
0x14: {  	s2 =	sld [smem:$0x3F8D];
	s0 =	simm.s32 @p1 $0x1  }
0x15: {  	[smem:$0x3FAA] =	sst s0;
	s0 =	simm.s32 @!p2 $0x0  }
0x16: {  	s3 =	sld [smem:$0x3FDB];
	s0 =	simm.s32 @p2 $0x1  }
0x17: {  	s4 =	simm.s32 $0x1BF5;
	[smem:$0x3FAC] =	sst s0  }
0x18: {  	s0 =	sld [smem:$0x3F8F];
	_ =	swait.ge [sflag:s4], $0x0  }
0x19: {  	s7 =	sld [smem:$0x3F90]  }
0x1a: {  	s8 =	sadd.s32 $0xFFFFE003, lr  }
0x1b: {  	s9 =	sadd.s32 $0xFFFFFEF7, lr;
	s5 =	simm.s32 $0xFFFFFFFF;
	p2 =	slt.u32 s8, $0xFFFFF086  }
0x1c: {  	p1 =	slt.u32 s9, $0xF7A;
	s5 =	simm.s32 @!p2 $0x0  }
0x1d: {  	s5 =	simm.s32 @p1 $0x1;
	p0 =	seq.s32 s7, s2  }
0x1e: {  	s7 =	smul.u32 @!p0 $0xF7A, s2;
	p2 =	seq.s32 @!p0 s5, $0x0  }
0x1f: {  	s9 =	smul.u32 $0xF7A, s1;
	s8 =	simm.s32 @!p0 $0x1BF5;
	p2 =	por !p2, p0  }
0x20: {  	[sflag:s8] =	ssyncset.s32 @!p0 $0xFFFFF086;
	s6 =	sadd.s32 @!p0 s3, s7;
	s7 =	simm.s32 @!p0 $0x108  }
0x21: {  	s3 =	sadd.s32 s3, s9;
	s6 =	sadd.s32 @!p0 $0x88, s6;
	s7 =	simm.s32 @p2 $0x1082  }
0x22: {  	[simem:s7], [sflag:s8] =	dma.local @!p0 [hbm:s6], $0xF7A  }
0x23: {  	s9 =	sor.u32 $0xD0000000, s2;
	s6 =	simm.s32 $0x108;
	_ =	swait.ge @!p0 [sflag:s8], $0x0  }
0x24: {  	s3 =	sadd.s32 $0x88, s3;
	s6 =	simm.s32 @!p1 $0x1082;
	[sflag:s4] =	ssyncset.s32 $0xFFFFF086  }
0x25: {  	[simem:s6], [sflag:s4] =	dma.local [hbm:s3], $0xF7A  }
0x26: {  	[smem:$0x3F90] =	sst s1;
	(tag) =	ssettag s2;
	_ =	strace s9  }
0x27: {  	s1 =	sld [smem:$0x3FA0]  }
0x28: {  	s2 =	sld [smem:$0x3FA1]  }
0x29: {  	s4 =	sld [smem:$0x3FA3]  }
0x2a: {  	p0 =	seq.s32 s5, $0x0;
	s5 =	sld [smem:$0x3FA4]  }
0x2b: {  	s6 =	sld [smem:$0x3FA5]  }
0x2c: {  	s7 =	sld [smem:$0x3FA6]  }
0x2d: {  	s3 =	simm.s32 $0x108;
	s8 =	sld [smem:$0x3FA7]  }
0x2e: {  	s3 =	simm.s32 @!p0 $0x1082;
	s9 =	sld [smem:$0x3FA8]  }
0x2f: {  	lr =	sadd.s32 s0, s3;
	s0 =	sld [smem:$0x3F9F]  }
0x30: {  	s3 =	sld [smem:$0x3FA2]  }
0x31: {  	[smem:$0x3FAB] =	sst s10  }
0x32: {  	s10 =	sld [smem:$0x3FA9];
	_ =	sdelay $0x3  }
0x33: {  	p0 =	seq.s32 s10, $0x1;
	s10 =	sld [smem:$0x3FAB];
	_ =	sdelay $0x3  }
0x34: {  	[smem:$0x3FAB] =	sst s10  }
0x35: {  	s10 =	sld [smem:$0x3FAA];
	_ =	sdelay $0x3  }
0x36: {  	p1 =	seq.s32 s10, $0x1;
	s10 =	sld [smem:$0x3FAB];
	_ =	sdelay $0x3  }
0x37: {  	[smem:$0x3FAB] =	sst s10  }
0x38: {  	s10 =	sld [smem:$0x3FAC]  }
0x39: {  	_ = 	snop;
	(pc) =	sbr.ind lr, $3  }
0x3a: {  	_ = 	snop  }
0x3b: {  	_ = 	snop  }
0x3c: {  	p2 =	seq.s32 s10, $0x1;
	s10 =	sld [smem:$0x3FAB]  }
0x3d: {  	_ =	shalt  }
0x3e: {  	_ =	shalt  }
0x3f: {  	_ =	shalt  }
0x40: {  	_ =	shalt  }
0x41: {  	_ =	shalt  }
0x42: {  	_ =	shalt  }
0x43: {  	_ =	shalt  }
0x44: {  	_ =	shalt  }
0x45: {  	_ =	shalt  }
0x46: {  	_ =	shalt  }
0x47: {  	_ =	shalt  }
0x48: {  	_ =	shalt  }
0x49: {  	_ =	shalt  }
0x4a: {  	_ =	shalt  }
0x4b: {  	_ =	shalt  }
0x4c: {  	_ =	shalt  }
0x4d: {  	_ =	shalt  }
0x4e: {  	_ =	shalt  }
0x4f: {  	_ =	shalt  }
0x50: {  	_ =	shalt  }
0x51: {  	_ =	shalt  }
0x52: {  	_ =	shalt  }
0x53: {  	_ =	shalt  }
0x54: {  	_ =	shalt  }
0x55: {  	_ =	shalt  }
0x56: {  	_ =	shalt  }
0x57: {  	_ =	shalt  }
0x58: {  	_ =	shalt  }
0x59: {  	_ =	shalt  }
0x5a: {  	_ =	shalt  }
0x5b: {  	_ =	shalt  }
0x5c: {  	_ =	shalt  }
0x5d: {  	_ =	shalt  }
0x5e: {  	_ =	shalt  }
0x5f: {  	_ =	shalt  }
0x60: {  	_ =	shalt  }
0x61: {  	_ =	shalt  }
0x62: {  	_ =	shalt  }
0x63: {  	_ =	shalt  }
0x64: {  	_ =	shalt  }
0x65: {  	_ =	shalt  }
0x66: {  	_ =	shalt  }
0x67: {  	_ =	shalt  }
0x68: {  	_ =	shalt  }
0x69: {  	_ =	shalt  }
0x6a: {  	_ =	shalt  }
0x6b: {  	_ =	shalt  }
0x6c: {  	_ =	shalt  }
0x6d: {  	_ =	shalt  }
0x6e: {  	_ =	shalt  }
0x6f: {  	_ =	shalt  }
0x70: {  	_ =	shalt  }
0x71: {  	_ =	shalt  }
0x72: {  	_ =	shalt  }
0x73: {  	_ =	shalt  }
0x74: {  	_ =	shalt  }
0x75: {  	_ =	shalt  }
0x76: {  	_ =	shalt  }
0x77: {  	_ =	shalt  }
0x78: {  	_ =	shalt  }
0x79: {  	_ =	shalt  }
0x7a: {  	_ =	shalt  }
0x7b: {  	_ =	shalt  }
0x7c: {  	_ =	shalt  }
0x7d: {  	_ =	shalt  }
0x7e: {  	_ =	shalt  }
0x7f: {  	_ =	shalt  }
0x80: {  	_ =	shalt  }
0x81: {  	_ =	shalt  }
0x82: {  	_ =	shalt  }
0x83: {  	_ =	shalt  }
0x84: {  	_ =	shalt  }
0x85: {  	_ =	shalt  }
0x86: {  	_ =	shalt  }
0x87: {  	_ =	shalt  }
.Lfunc_end0:
.L_simem_size_0:
called_computation.1_lowered:
.L_overlay_start_0:
0x88: {  	s2 =	sld [smem:$0x3FD9]  }
0x89: {  	s3 =	sld [smem:$0x3FFE];
	_ =	sdelay $0x1  }
0x8a: {  	s1 =	srdreg.scid  }
0x8b: {  	s0 =	sand.u32 $0x1, s1  }
0x8c: {  	s17 =	sshll.u32 s0, $0xA;
	s2 =	sadd.s32 s3, s2  }
0x8d: {  	s2 =	sadd.s32 s2, s17  }
0x8e: {  	[smem:$0x3FB7] =	sst s2  }
0x8f: {  	_ = 	snop  }
0x90: {  	s2 =	sld [smem:$0x3FC7]  }
0x91: {  	s18 =	sld [smem:$0x3FD0];
	(tm) =	ssettm $0x1  }
0x92: {  	s4 =	sld [smem:$0x3FFB];
	_ =	sdelay $0x3  }
0x93: {  	_ =	strace s4  }
0x94: {  	s4 =	sld [smem:$0x3FFC];
	_ =	sdelay $0x3  }
0x95: {  	_ =	strace s4  }
0x96: {  	s4 =	sld [smem:$0x3FFD];
	_ =	sdelay $0x3  }
0x97: {  	_ =	strace s4  }
0x98: {  	_ =	strace $0x8FFFFFFF  }
0x99: {  	s19 =	sld [smem:$0x3FDB];
	_ =	sdelay $0x1  }
0x9a: {  	s5 =	simm.s32 $_scs_section_size  }
0x9b: {  	s6 =	simm.s32 $_size__tile_overlayer_lowered;
	s7 =	simm.s32 $_tile_overlayer_lowered  }
0x9c: {  	s22 =	simm.s32 $0x1BFF;
	s21 =	sshll.u32 s7, $0x1;
	s4 =	sadd.s32 s5, s19  }
0x9d: {  	s8 =	simm.s32 $0x0;
	s20 =	sshll.u32 s6, $0x1;
	s6 =	sadd.s32 s21, s4  }
0x9e: {  	[timem:s8], [sflag:s22] =	dma.local [hbm:s6], s20  }
0x9f: {  	_ =	swait.ge [sflag:s22], s20  }
0xa0: {  	s5 =	ssub.s32 $0x0, s20;
	[sflag:s22] =	ssyncset.done $0x0  }
0xa1: {  	[sflag:s22] =	ssyncadd.s32 s5;
	_ =	sdelay $0x1  }
0xa2: {  	s23 =	simm.s32 $0x1B8B  }
0xa3: {  	_ =	swait.ge [sflag:s23], $0x1  }
0xa4: {  	[sflag:s23] =	ssyncset.done $0x0  }
0xa5: {  	s25 =	simm.s32 $0x1B8E;
	s24 =	sld [smem:$0x3FFE];
	[sflag:s23] =	ssyncadd.s32 $0xFFFFFFFF  }
0xa6: {  	s26 =	simm.s32 $execute0_lowered;
	[smem:$0x3FD2] =	sst s25  }
0xa7: {  	s6 =	sshll.u32 s26, $0x1;
	_ =	strace $0x80000049;
	[dreg:$0x1] =	wrdreg $0xFFFFFFFF  }
0xa8: {  	s28 =	simm.s32 $_size_execute0_lowered;
	s4 =	sadd.s32 s4, s6;
	[dreg:$0x0] =	wrdreg $0x0  }
0xa9: {  	s6 =	sshll.u32 s28, $0x1;
	[dreg:$0x2] =	wrdreg s4  }
0xaa: {  	[dreg:$0x3] =	wrdreg s6  }
0xab: {  	[dreg:$0x4] =	wrdreg $0xC0  }
0xac: {  	_ =	task [dreg:s8], $0x5FFFF  }
0xad: {  	[dreg:$0x1] =	wrdreg $0xFFFFFFFF  }
0xae: {  	[dreg:$0x0] =	wrdreg $0x60  }
0xaf: {  	[dreg:$0x2] =	wrdreg s18  }
0xb0: {  	[dreg:$0x3] =	wrdreg s24  }
0xb1: {  	[dreg:$0x4] =	wrdreg s2  }
0xb2: {  	[dreg:$0x5] =	wrdreg $0x9  }
0xb3: {  	_ =	task.clear_ibuf [dreg:s8], $0x6FFFF;
	_ =	strace $0x90000049  }
0xb4: {  	s29 =	simm.s32 $0x9;
	_ =	strace $0x8000004B  }
0xb5: {  	_ =	swait.ge [sflag:s29], $0x1  }
0xb6: {  	[sflag:s29] =	ssyncadd.s32 $0xFFFFFFFF  }
0xb7: {  	_ =	strace $0x9000004B  }
0xb8: {  	_ =	sfence  }
0xb9: {  	s30 =	sld [smem:$0x0];
	_ =	sdelay $0x2  }
0xba: {  	s31 =	sshll.u32 s1, $0xD;
	s1 =	sshrl.u32 s1, $0x2  }
0xbb: {  	s3 =	sand.u32 $0x4000, s31;
	s1 =	sadd.s32 s1, s30  }
0xbc: {  	s0 =	sor.u32 s3, s0;
	s1 =	sshll.u32 s1, $0x11  }
0xbd: {  	s0 =	sor.u32 s1, s0  }
0xbe: {  	s0 =	sadd.s32 $0x8F2B, s0  }
0xbf: {  	[sflag:s0] =	ssyncadd.remote.s32 $0x1  }
0xc0: {  	_ =	sfence.sel $0xFFFF  }
0xc1: {  	[dreg:$0x0] =	wrdreg $0xFFFFFFFF;
	(pc) =	sbr.abs _section_cstart, $3  }
0xc2: {  	[dreg:$0x1] =	wrdreg $0xFFFFFFFF  }
0xc3: {  	_ =	task.clear_ibuf [dreg:s8], $0x2FFFF;
	_ =	strace $0x9FFFFFFF  }
0xc4: {  	(tm) =	ssettm $0x7FFFFFFF  }
0xc5: {  	_ =	shalt  }
tec
execute0_lowered:
.L_overlay_start_1:
0x0: {  	(tag) =	ssettag $0x1  }
0x1: {  	s1 =	rddreg [dreg:$0x0];
	s2 =	srdreg.scid  }
0x2: {  	s0 =	stileid.u32;
	s4 =	rddreg [dreg:$0x1]  }
0x3: {  	s6 =	rddreg [dreg:$0x2];
	s3 =	simm.s32 $0x0;
	s10 =	simm.s32 $0x2780  }
0x4: {  	s11 =	simm.s32 $0x4F00;
	s12 =	simm.s32 $0x7680;
	s13 =	simm.s32 $0x1  }
0x5: {  	s14 =	simm.s32 $0x2;
	s15 =	simm.s32 $0x3;
	s16 =	simm.s32 $0x4  }
0x6: {  	s17 =	simm.s32 $0x9E00;
	s5 =	sand.u32 $0x1, s2;
	s30 =	sshll.u32 s0, $0x1  }
0x7: {  	s18 =	simm.s32 $0x5;
	s19 =	simm.s32 $0xC580;
	s7 =	sor.u32 s5, s30  }
0x8: {  	s2 =	rddreg [dreg:$0x3];
	s5 =	ssub.s32 $0x2, s5;
	s7 =	smul.u32 $0x4E2, s7  }
0x9: {  	s20 =	simm.s32 $0x0;
	[smem:$0x7FF] =	sst s3;
	s31 =	sshrl.u32 s5, $0x1  }
0xa: {  	_ =	strace $0x8000004A;
	s9 =	ssub.s32 s5, s31;
	s8 =	sadd.s32 s7, s4  }
0xb: {  	s6 =	sadd.s32 s6, s7;
	s9 =	smax.u32 s9, $0x1;
	s4 =	sadd.s32 $0xE200, s8  }
0xc: {  	s5 =	sadd.s32 $0x4400, s8;
	s7 =	sadd.s32 $0x2BC00, s8;
	s8 =	sadd.s32 $0x35A00, s8  }
.LBB2_1:
0xd: {  	[tilespmem:s3], [sflag:$0x1] =	stream.linear.gather [hbm4b:s1+s3], $0x2780, $0x38;
	[tilespmem:$0xED00] =	vst v63  }
0xe: {  	_ = 	snop  }
0xf: {  	[tilespmem:s10], [sflag:$0x2] =	stream.linear.gather [hbm4b:s4+s3], $0x2710, $0x38;
	[tilespmem:$0xED00] =	vst v63  }
0x10: {  	_ = 	snop  }
0x11: {  	[tilespmem:s11], [sflag:$0x3] =	stream.linear.gather [hbm4b:s5+s3], $0x2710, $0x38;
	[tilespmem:$0xED00] =	vst v63  }
0x12: {  	_ = 	snop  }
0x13: {  	[tilespmem:s12], [sflag:$0x4] =	stream.linear.gather [hbm4b:s6+s3], $0x2710, $0x38;
	[tilespmem:$0xED00] =	vst v63  }
0x14: {  	_ =	swait.ge [sflag:s13], $0x2780  }
0x15: {  	[sflag:s13] =	ssyncset.done $0x0  }
0x16: {  	[sflag:s13] =	ssyncadd.s32 $0xFFFFD880  }
0x17: {  	_ =	swait.ge [sflag:s14], $0x2710  }
0x18: {  	[sflag:s14] =	ssyncset.done $0x0  }
0x19: {  	[sflag:s14] =	ssyncadd.s32 $0xFFFFD8F0  }
0x1a: {  	_ =	swait.ge [sflag:s15], $0x2710  }
0x1b: {  	[sflag:s15] =	ssyncset.done $0x0  }
0x1c: {  	[sflag:s15] =	ssyncadd.s32 $0xFFFFD8F0  }
0x1d: {  	_ =	swait.ge [sflag:s16], $0x2710  }
0x1e: {  	[sflag:s16] =	ssyncset.done $0x0  }
0x1f: {  	s23 =	simm.s32 $0x27C0;
	[sflag:s16] =	ssyncadd.s32 $0xFFFFD8F0  }
0x20: {  	v0 =	vld [tilespmem:s23+$0x30]  }
0x21: {  	s21 =	simm.s32 $0x4F40;
	v1 =	vld [tilespmem:s23+$0xFFFFFFD0]  }
0x22: {  	v2 =	vld [tilespmem:s21+$0x30]  }
0x23: {  	v4 =	vld [tilespmem:s23+$0xFFFFFFE0]  }
0x24: {  	v5 =	vld [tilespmem:s23+$0xFFFFFFF0]  }
0x25: {  	v7 =	vld [tilespmem:s23+$0x0]  }
0x26: {  	v8 =	vld [tilespmem:s23+$0x10]  }
0x27: {  	s22 =	simm.s32 $0x76C0;
	v18 =	vld [tilespmem:s23+$0x20]  }
0x28: {  	v6 =	vld [tilespmem:s22+$0x30]  }
0x29: {  	v10 =	vld [tilespmem:s23+$0xFFFFFFC0]  }
0x2a: {  	v11 =	vld [tilespmem:s21+$0xFFFFFFC0]  }
0x2b: {  	v12 =	vld [tilespmem:s21+$0xFFFFFFD0]  }
0x2c: {  	v13 =	vld [tilespmem:s21+$0xFFFFFFE0]  }
0x2d: {  	v14 =	vld [tilespmem:s21+$0xFFFFFFF0]  }
0x2e: {  	v15 =	vld [tilespmem:s21+$0x0]  }
0x2f: {  	v19 =	vld [tilespmem:s21+$0x10]  }
0x30: {  	v20 =	vld [tilespmem:s21+$0x20]  }
0x31: {  	v26 =	vld [tilespmem:s22+$0xFFFFFFC0]  }
0x32: {  	v27 =	vld [tilespmem:s22+$0xFFFFFFD0]  }
0x33: {  	v28 =	vld [tilespmem:s22+$0xFFFFFFE0]  }
0x34: {  	v29 =	vld [tilespmem:s22+$0xFFFFFFF0]  }
0x35: {  	v30 =	vld [tilespmem:s22+$0x0]  }
0x36: {  	v31 =	vld [tilespmem:s22+$0x10]  }
0x37: {  	v33 =	vld [tilespmem:s22+$0x20]  }
0x38: {  	v3 =	vld.idx.msk [tilespmem:v0+s3+$0x0], $0xffff  }
0x39: {  	v9 =	vld.idx.msk [tilespmem:v2+s3+$0x0], $0xffff  }
0x3a: {  	v16 =	vld.idx.msk [tilespmem:v10+s3+$0x0], $0xffff  }
0x3b: {  	v17 =	vld.idx.msk [tilespmem:v1+s3+$0x0], $0xffff  }
0x3c: {  	v21 =	vld.idx.msk [tilespmem:v4+s3+$0x0], $0xffff  }
0x3d: {  	v22 =	vld.idx.msk [tilespmem:v5+s3+$0x0], $0xffff  }
0x3e: {  	v23 =	vld.idx.msk [tilespmem:v7+s3+$0x0], $0xffff  }
0x3f: {  	v32 =	vshll.u32 v12, $0x10;
	v24 =	vld.idx.msk [tilespmem:v8+s3+$0x0], $0xffff;
	v3 =	vmul.f32 v3, v6  }
0x40: {  	v25 =	vld.idx.msk [tilespmem:v18+s3+$0x0], $0xffff;
	v2 =	vshll.u32 v2, $0x10;
	v26 =	vmul.f32 v16, v26;
	v16 =	vmul.f32 v17, v27  }
0x41: {  	v63 =	vld.idx.msk [tilespmem:v11+s3+$0x0], $0xffff;
	v17 =	vmul.f32 v21, v28;
	v9 =	vmul.f32 v9, v3;
	v3 =	vshll.u32 v11, $0x10  }
0x42: {  	v12 =	vld.idx.msk [tilespmem:v12+s3+$0x0], $0xffff;
	v11 =	vshll.u32 v15, $0x10;
	v6 =	vor.u32 v10, v3;
	v10 =	vor.u32 v0, v2  }
0x43: {  	v3 =	vor.u32 v1, v32;
	v0 =	vshll.u32 v13, $0x10;
	v1 =	vshll.u32 v14, $0x10;
	v13 =	vld.idx.msk [tilespmem:v13+s3+$0x0], $0xffff  }
0x44: {  	s23 =	simm.s32 $0x9E40;
	v4 =	vor.u32 v4, v0;
	v2 =	vor.u32 v5, v1;
	v0 =	vor.u32 v7, v11;
	v11 =	vld.idx.msk [tilespmem:v14+s3+$0x0], $0xffff  }
0x45: {  	s24 =	simm.s32 $0xC5C0;
	[tilespmem:s23+$0x30] =	vst v9;
	v1 =	vshll.u32 v19, $0x10;
	v9 =	vmul.f32 v22, v29;
	v14 =	vld.idx.msk [tilespmem:v15+s3+$0x0], $0xffff;
	v7 =	vmul.f32 v24, v31  }
0x46: {  	v5 =	vshll.u32 v20, $0x10;
	v15 =	vld.idx.msk [tilespmem:v19+s3+$0x0], $0xffff;
	v19 =	vmul.f32 v63, v26;
	v1 =	vor.u32 v8, v1;
	[tilespmem:s24+$0x30] =	vst v10  }
0x47: {  	s25 =	simm.s32 $0x0;
	s26 =	simm.s32 $0x2840;
	v10 =	vmul.f32 v23, v30;
	v5 =	vor.u32 v18, v5;
	v8 =	vmul.f32 v25, v33;
	v18 =	vld.idx.msk [tilespmem:v20+s3+$0x0], $0xffff  }
.LBB2_2:
0x48: {  	v20 =	vld [tilespmem:s26+$0x30];
	v12 =	vmul.f32 v12, v16  }
0x49: {  	s25 =	sadd.s32 $0x8, s25;
	v13 =	vmul.f32 v13, v17;
	s21 =	sadd.s32 $0x80, s21;
	v16 =	vld [tilespmem:s26+$0xFFFFFFD0];
	[tilespmem:s23+$0xFFFFFFC0] =	vst v19  }
0x4a: {  	p0 =	slt.u32 s25, $0x268;
	v17 =	vld [tilespmem:s21+$0x30];
	[tilespmem:s24+$0xFFFFFFC0] =	vst v6;
	v6 =	vmul.f32 v11, v9  }
0x4b: {  	v10 =	vmul.f32 v14, v10;
	v9 =	vld [tilespmem:s26+$0xFFFFFFE0];
	[tilespmem:s23+$0xFFFFFFD0] =	vst v12  }
0x4c: {  	v11 =	vld [tilespmem:s26+$0xFFFFFFF0];
	[tilespmem:s24+$0xFFFFFFD0] =	vst v3;
	v3 =	vmul.f32 v15, v7  }
0x4d: {  	v8 =	vmul.f32 v18, v8;
	v7 =	vld [tilespmem:s26+$0x0];
	[tilespmem:s23+$0xFFFFFFE0] =	vst v13  }
0x4e: {  	v12 =	vld [tilespmem:s26+$0x10];
	[tilespmem:s24+$0xFFFFFFE0] =	vst v4  }
0x4f: {  	v13 =	vld [tilespmem:s26+$0x20];
	[tilespmem:s23+$0xFFFFFFF0] =	vst v6  }
0x50: {  	s22 =	sadd.s32 $0x80, s22;
	v4 =	vld.idx.msk [tilespmem:v20+s3+$0x0], $0xffff;
	[tilespmem:s24+$0xFFFFFFF0] =	vst v2  }
0x51: {  	v2 =	vld [tilespmem:s22+$0x30];
	[tilespmem:s23+$0x0] =	vst v10  }
0x52: {  	v6 =	vld.idx.msk [tilespmem:v17+s3+$0x0], $0xffff;
	[tilespmem:s24+$0x0] =	vst v0  }
0x53: {  	v0 =	vld [tilespmem:s26+$0xFFFFFFC0];
	[tilespmem:s23+$0x10] =	vst v3  }
0x54: {  	v10 =	vld [tilespmem:s21+$0xFFFFFFC0];
	[tilespmem:s24+$0x10] =	vst v1  }
0x55: {  	v14 =	vld [tilespmem:s21+$0xFFFFFFD0];
	[tilespmem:s23+$0x20] =	vst v8  }
0x56: {  	v8 =	vld [tilespmem:s21+$0xFFFFFFE0];
	v1 =	vmul.f32 v4, v2;
	[tilespmem:s24+$0x20] =	vst v5  }
0x57: {  	v15 =	vld [tilespmem:s21+$0xFFFFFFF0]  }
0x58: {  	v18 =	vld [tilespmem:s21+$0x0];
	v1 =	vmul.f32 v6, v1  }
0x59: {  	v3 =	vshll.u32 v17, $0x10;
	s23 =	sadd.s32 $0x80, s23;
	v2 =	vshll.u32 v10, $0x10;
	v19 =	vld [tilespmem:s21+$0x10]  }
0x5a: {  	s24 =	sadd.s32 $0x80, s24;
	v6 =	vor.u32 v0, v2;
	v2 =	vshll.u32 v14, $0x10;
	v21 =	vld [tilespmem:s21+$0x20];
	[tilespmem:s23+$0x30] =	vst v1;
	v1 =	vor.u32 v20, v3  }
0x5b: {  	v17 =	vld.idx.msk [tilespmem:v0+s3+$0x0], $0xffff;
	v3 =	vor.u32 v16, v2;
	v0 =	vshll.u32 v8, $0x10;
	[tilespmem:s24+$0x30] =	vst v1  }
0x5c: {  	v16 =	vld.idx.msk [tilespmem:v16+s3+$0x0], $0xffff;
	v4 =	vor.u32 v9, v0;
	v0 =	vshll.u32 v15, $0x10  }
0x5d: {  	v9 =	vld.idx.msk [tilespmem:v9+s3+$0x0], $0xffff;
	v2 =	vor.u32 v11, v0;
	v0 =	vshll.u32 v18, $0x10  }
0x5e: {  	v11 =	vld.idx.msk [tilespmem:v11+s3+$0x0], $0xffff;
	v0 =	vor.u32 v7, v0;
	v1 =	vshll.u32 v19, $0x10  }
0x5f: {  	v7 =	vld.idx.msk [tilespmem:v7+s3+$0x0], $0xffff;
	v1 =	vor.u32 v12, v1;
	v5 =	vshll.u32 v21, $0x10  }
0x60: {  	v20 =	vld.idx.msk [tilespmem:v12+s3+$0x0], $0xffff;
	v5 =	vor.u32 v13, v5  }
0x61: {  	v22 =	vld.idx.msk [tilespmem:v13+s3+$0x0], $0xffff  }
0x62: {  	v12 =	vld [tilespmem:s22+$0xFFFFFFC0]  }
0x63: {  	v13 =	vld [tilespmem:s22+$0xFFFFFFD0]  }
0x64: {  	v23 =	vld [tilespmem:s22+$0xFFFFFFE0]  }
0x65: {  	v24 =	vld [tilespmem:s22+$0xFFFFFFF0]  }
0x66: {  	v25 =	vld [tilespmem:s22+$0x0]  }
0x67: {  	v26 =	vmul.f32 v17, v12;
	v27 =	vld [tilespmem:s22+$0x10]  }
0x68: {  	v16 =	vmul.f32 v16, v13;
	v28 =	vld [tilespmem:s22+$0x20]  }
0x69: {  	v29 =	vld.idx.msk [tilespmem:v10+s3+$0x0], $0xffff;
	v17 =	vmul.f32 v9, v23  }
0x6a: {  	v12 =	vld.idx.msk [tilespmem:v14+s3+$0x0], $0xffff;
	v9 =	vmul.f32 v11, v24  }
.Ltmp0:
0x6b: {  	v13 =	vld.idx.msk [tilespmem:v8+s3+$0x0], $0xffff;
	v10 =	vmul.f32 v7, v25;
	(pc) =	sbr.rel @p0 .LBB2_2-.Ltmp0, $4  }
0x6c: {  	v11 =	vld.idx.msk [tilespmem:v15+s3+$0x0], $0xffff;
	v7 =	vmul.f32 v20, v27  }
0x6d: {  	v14 =	vld.idx.msk [tilespmem:v18+s3+$0x0], $0xffff;
	v8 =	vmul.f32 v22, v28  }
0x6e: {  	v15 =	vld.idx.msk [tilespmem:v19+s3+$0x0], $0xffff  }
0x6f: {  	s26 =	sadd.s32 $0x80, s26;
	v19 =	vmul.f32 v29, v26;
	v18 =	vld.idx.msk [tilespmem:v21+s3+$0x0], $0xffff  }
0x70: {  	_ = 	snop  }
0x71: {  	v12 =	vmul.f32 v12, v16;
	[tilespmem:s23+$0xFFFFFFC0] =	vst v19  }
0x72: {  	v59 =	vmul.f32 v13, v17;
	[tilespmem:s24+$0xFFFFFFC0] =	vst v6  }
0x73: {  	[tilespmem:s23+$0xFFFFFFD0] =	vst v12  }
0x74: {  	[tilespmem:s23+$0xFFFFFFE0] =	vst v59  }
0x75: {  	v60 =	vmul.f32 v11, v9;
	[tilespmem:s24+$0xFFFFFFD0] =	vst v3  }
0x76: {  	[tilespmem:s24+$0xFFFFFFE0] =	vst v4  }
0x77: {  	v61 =	vmul.f32 v14, v10;
	[tilespmem:s23+$0xFFFFFFF0] =	vst v60  }
0x78: {  	[tilespmem:s24+$0xFFFFFFF0] =	vst v2  }
0x79: {  	v62 =	vmul.f32 v15, v7;
	[tilespmem:s23+$0x0] =	vst v61  }
0x7a: {  	[tilespmem:s24+$0x0] =	vst v0  }
0x7b: {  	v63 =	vmul.f32 v18, v8;
	[tilespmem:s23+$0x10] =	vst v62  }
0x7c: {  	[tilespmem:s24+$0x10] =	vst v1  }
0x7d: {  	[tilespmem:s23+$0x20] =	vst v63  }
0x7e: {  	[tilespmem:s24+$0x20] =	vst v5  }
0x7f: {  	v0 =	vld [tilespmem:$0x4E80];
	_ =	sdelay $0x1  }
0x80: {  	v1 =	vld [tilespmem:$0x7600];
	_ =	sdelay $0x4  }
0x81: {  	v2 =	vld [tilespmem:$0x9D80]  }
0x82: {  	v3 =	vld.idx.msk [tilespmem:v0+s3+$0x0], $0xffff;
	_ =	sdelay $0x1  }
0x83: {  	v4 =	vld.idx.msk [tilespmem:v1+s3+$0x0], $0xffff;
	_ =	sdelay $0x2  }
0x84: {  	v2 =	vmul.f32 v3, v2  }
0x85: {  	v1 =	vshll.u32 v1, $0x10  }
0x86: {  	v0 =	vor.u32 v0, v1;
	v2 =	vmul.f32 v4, v2  }
0x87: {  	[tilespmem:$0xEC80] =	vst v0  }
0x88: {  	[tilespmem:$0xC500] =	vst v2  }
0x89: {  	[hbm4b:s7+s3] =	stream.linear.scatter [tilespmem:s17], [sflag:$0x5], $0x2710, $0x38;
	[tilespmem:$0xED00] =	vst v63  }
0x8a: {  	s20 =	sadd.s32 $0x1, s20;
	_ =	swait.ge [sflag:s18], $0x2710  }
0x8b: {  	p0 =	sne.s32 s20, s9;
	[sflag:s18] =	ssyncset.done $0x0  }
.Ltmp1:
0x8c: {  	[sflag:s18] =	ssyncadd.s32 $0xFFFFD8F0;
	(pc) =	sbr.rel @p0 .LBB2_1-.Ltmp1, $4  }
0x8d: {  	[hbm4b:s8+s3] =	stream.linear.scatter [tilespmem:s19], [sflag:$0x5], $0x2710, $0x38;
	[tilespmem:$0xED00] =	vst v63  }
0x8e: {  	_ =	swait.ge [sflag:s18], $0x2710  }
0x8f: {  	[sflag:s18] =	ssyncset.done $0x0  }
0x90: {  	[sflag:s18] =	ssyncadd.s32 $0xFFFFD8F0  }
0x91: {  	_ =	sfence.sel $0x180000  }
0x92: {  	[bflag:$0x0] =	sbarrier.arrive $0xFFFF  }
0x93: {  	p0 =	sne.s32 s0, $0x0;
	_ =	strace $0x9000004A  }
0x94: {  	s0 =	sadd.s32 @!p0 $0x100000, s2;
	[bflag:$0x2] =	sbarrier.arrive $0xFFFF  }
0x95: {  	[sflag:s0] =	ssyncadd.tile.s32 @!p0 $0x1;
	_ =	shalt  }
.Lfunc_end2:
_tile_overlayer_lowered:
.L_overlay_start_2:
0x96: {  	(tag) =	ssettag $0x2  }
0x97: {  	s0 =	rddreg [dreg:$0x0];
	s2 =	stileid.u32  }
0x98: {  	s1 =	rddreg [dreg:$0x1];
	p0 =	sne.s32 s2, $0x0  }
0x99: {  	s3 =	rddreg [dreg:$0x2];
	[bflag:$0x3] =	sbarrier.arrive $0xFFFF;
	s2 =	simm.s32 @!p0 $0x1C05  }
0x9a: {  	[timem:s3], [sflag:s2] =	dma.local @!p0 [hbm:s0], s1  }
0x9b: {  	s0 =	simm.s32 @!p0 $0x5  }
0x9c: {  	_ =	swait.ge @!p0 [sflag:s0], s1  }
0x9d: {  	s1 =	ssub.s32 @!p0 $0x0, s1;
	[sflag:s0] =	ssyncset.done @!p0 $0x0  }
0x9e: {  	[sflag:s0] =	ssyncadd.s32 @!p0 s1  }
0x9f: {  	[bflag:$0x3] =	sbarrier.arrive $0xFFFF  }
0xa0: {  	_ =	shalt  }

// kernel: kernel.15.cloned.1.call-start
scs
__scs_entry_jumppad:
0x0: {  	(pc) =	sbr.rel $0x88, $3  }
0x1: {  	(tag) =	ssettag $0x0;
	lr =	simm.s32 $0x1  }
0x2: {  	[smem:$0x3F90] =	sst lr;
	_ =	strace $0xD0000000  }
0x3: {  	_ = 	snop  }
0x4: {  	_ = 	snop  }
0x5: {  	_ = 	snop  }
0x6: {  	_ = 	snop  }
0x7: {  	_ = 	snop  }
__scs_overlays_trampoline_lowered:
0x8: {  	[smem:$0x3F9F] =	sst s0  }
0x9: {  	[smem:$0x3FA0] =	sst s1  }
0xa: {  	[smem:$0x3FA1] =	sst s2  }
0xb: {  	[smem:$0x3FA2] =	sst s3  }
0xc: {  	[smem:$0x3FA3] =	sst s4  }
0xd: {  	[smem:$0x3FA4] =	sst s5  }
0xe: {  	[smem:$0x3FA5] =	sst s6  }
0xf: {  	[smem:$0x3FA6] =	sst s7  }
0x10: {  	[smem:$0x3FA7] =	sst s8  }
0x11: {  	[smem:$0x3FA8] =	sst s9;
	s0 =	simm.s32 @!p0 $0x0  }
0x12: {  	s1 =	sld [smem:$0x3F8E];
	s0 =	simm.s32 @p0 $0x1  }
0x13: {  	[smem:$0x3FA9] =	sst s0;
	s0 =	simm.s32 @!p1 $0x0  }
0x14: {  	s2 =	sld [smem:$0x3F8D];
	s0 =	simm.s32 @p1 $0x1  }
0x15: {  	[smem:$0x3FAA] =	sst s0;
	s0 =	simm.s32 @!p2 $0x0  }
0x16: {  	s3 =	sld [smem:$0x3FDB];
	s0 =	simm.s32 @p2 $0x1  }
0x17: {  	s4 =	simm.s32 $0x1BF5;
	[smem:$0x3FAC] =	sst s0  }
0x18: {  	s0 =	sld [smem:$0x3F8F];
	_ =	swait.ge [sflag:s4], $0x0  }
0x19: {  	s7 =	sld [smem:$0x3F90]  }
0x1a: {  	s8 =	sadd.s32 $0xFFFFE003, lr  }
0x1b: {  	s9 =	sadd.s32 $0xFFFFFEF7, lr;
	s5 =	simm.s32 $0xFFFFFFFF;
	p2 =	slt.u32 s8, $0xFFFFF086  }
0x1c: {  	p1 =	slt.u32 s9, $0xF7A;
	s5 =	simm.s32 @!p2 $0x0  }
0x1d: {  	s5 =	simm.s32 @p1 $0x1;
	p0 =	seq.s32 s7, s2  }
0x1e: {  	s7 =	smul.u32 @!p0 $0xF7A, s2;
	p2 =	seq.s32 @!p0 s5, $0x0  }
0x1f: {  	s9 =	smul.u32 $0xF7A, s1;
	s8 =	simm.s32 @!p0 $0x1BF5;
	p2 =	por !p2, p0  }
0x20: {  	[sflag:s8] =	ssyncset.s32 @!p0 $0xFFFFF086;
	s6 =	sadd.s32 @!p0 s3, s7;
	s7 =	simm.s32 @!p0 $0x108  }
0x21: {  	s3 =	sadd.s32 s3, s9;
	s6 =	sadd.s32 @!p0 $0x88, s6;
	s7 =	simm.s32 @p2 $0x1082  }
0x22: {  	[simem:s7], [sflag:s8] =	dma.local @!p0 [hbm:s6], $0xF7A  }
0x23: {  	s9 =	sor.u32 $0xD0000000, s2;
	s6 =	simm.s32 $0x108;
	_ =	swait.ge @!p0 [sflag:s8], $0x0  }
0x24: {  	s3 =	sadd.s32 $0x88, s3;
	s6 =	simm.s32 @!p1 $0x1082;
	[sflag:s4] =	ssyncset.s32 $0xFFFFF086  }
0x25: {  	[simem:s6], [sflag:s4] =	dma.local [hbm:s3], $0xF7A  }
0x26: {  	[smem:$0x3F90] =	sst s1;
	(tag) =	ssettag s2;
	_ =	strace s9  }
0x27: {  	s1 =	sld [smem:$0x3FA0]  }
0x28: {  	s2 =	sld [smem:$0x3FA1]  }
0x29: {  	s4 =	sld [smem:$0x3FA3]  }
0x2a: {  	p0 =	seq.s32 s5, $0x0;
	s5 =	sld [smem:$0x3FA4]  }
0x2b: {  	s6 =	sld [smem:$0x3FA5]  }
0x2c: {  	s7 =	sld [smem:$0x3FA6]  }
0x2d: {  	s3 =	simm.s32 $0x108;
	s8 =	sld [smem:$0x3FA7]  }
0x2e: {  	s3 =	simm.s32 @!p0 $0x1082;
	s9 =	sld [smem:$0x3FA8]  }
0x2f: {  	lr =	sadd.s32 s0, s3;
	s0 =	sld [smem:$0x3F9F]  }
0x30: {  	s3 =	sld [smem:$0x3FA2]  }
0x31: {  	[smem:$0x3FAB] =	sst s10  }
0x32: {  	s10 =	sld [smem:$0x3FA9];
	_ =	sdelay $0x3  }
0x33: {  	p0 =	seq.s32 s10, $0x1;
	s10 =	sld [smem:$0x3FAB];
	_ =	sdelay $0x3  }
0x34: {  	[smem:$0x3FAB] =	sst s10  }
0x35: {  	s10 =	sld [smem:$0x3FAA];
	_ =	sdelay $0x3  }
0x36: {  	p1 =	seq.s32 s10, $0x1;
	s10 =	sld [smem:$0x3FAB];
	_ =	sdelay $0x3  }
0x37: {  	[smem:$0x3FAB] =	sst s10  }
0x38: {  	s10 =	sld [smem:$0x3FAC]  }
0x39: {  	_ = 	snop;
	(pc) =	sbr.ind lr, $3  }
0x3a: {  	_ = 	snop  }
0x3b: {  	_ = 	snop  }
0x3c: {  	p2 =	seq.s32 s10, $0x1;
	s10 =	sld [smem:$0x3FAB]  }
0x3d: {  	_ =	shalt  }
0x3e: {  	_ =	shalt  }
0x3f: {  	_ =	shalt  }
0x40: {  	_ =	shalt  }
0x41: {  	_ =	shalt  }
0x42: {  	_ =	shalt  }
0x43: {  	_ =	shalt  }
0x44: {  	_ =	shalt  }
0x45: {  	_ =	shalt  }
0x46: {  	_ =	shalt  }
0x47: {  	_ =	shalt  }
0x48: {  	_ =	shalt  }
0x49: {  	_ =	shalt  }
0x4a: {  	_ =	shalt  }
0x4b: {  	_ =	shalt  }
0x4c: {  	_ =	shalt  }
0x4d: {  	_ =	shalt  }
0x4e: {  	_ =	shalt  }
0x4f: {  	_ =	shalt  }
0x50: {  	_ =	shalt  }
0x51: {  	_ =	shalt  }
0x52: {  	_ =	shalt  }
0x53: {  	_ =	shalt  }
0x54: {  	_ =	shalt  }
0x55: {  	_ =	shalt  }
0x56: {  	_ =	shalt  }
0x57: {  	_ =	shalt  }
0x58: {  	_ =	shalt  }
0x59: {  	_ =	shalt  }
0x5a: {  	_ =	shalt  }
0x5b: {  	_ =	shalt  }
0x5c: {  	_ =	shalt  }
0x5d: {  	_ =	shalt  }
0x5e: {  	_ =	shalt  }
0x5f: {  	_ =	shalt  }
0x60: {  	_ =	shalt  }
0x61: {  	_ =	shalt  }
0x62: {  	_ =	shalt  }
0x63: {  	_ =	shalt  }
0x64: {  	_ =	shalt  }
0x65: {  	_ =	shalt  }
0x66: {  	_ =	shalt  }
0x67: {  	_ =	shalt  }
0x68: {  	_ =	shalt  }
0x69: {  	_ =	shalt  }
0x6a: {  	_ =	shalt  }
0x6b: {  	_ =	shalt  }
0x6c: {  	_ =	shalt  }
0x6d: {  	_ =	shalt  }
0x6e: {  	_ =	shalt  }
0x6f: {  	_ =	shalt  }
0x70: {  	_ =	shalt  }
0x71: {  	_ =	shalt  }
0x72: {  	_ =	shalt  }
0x73: {  	_ =	shalt  }
0x74: {  	_ =	shalt  }
0x75: {  	_ =	shalt  }
0x76: {  	_ =	shalt  }
0x77: {  	_ =	shalt  }
0x78: {  	_ =	shalt  }
0x79: {  	_ =	shalt  }
0x7a: {  	_ =	shalt  }
0x7b: {  	_ =	shalt  }
0x7c: {  	_ =	shalt  }
0x7d: {  	_ =	shalt  }
0x7e: {  	_ =	shalt  }
0x7f: {  	_ =	shalt  }
0x80: {  	_ =	shalt  }
0x81: {  	_ =	shalt  }
0x82: {  	_ =	shalt  }
0x83: {  	_ =	shalt  }
0x84: {  	_ =	shalt  }
0x85: {  	_ =	shalt  }
0x86: {  	_ =	shalt  }
0x87: {  	_ =	shalt  }
.Lfunc_end0:
.L_simem_size_0:
called_computation.2_lowered:
.L_overlay_start_0:
0x88: {  	s2 =	sld [smem:$0x3FD9]  }
0x89: {  	s3 =	sld [smem:$0x3FFE];
	_ =	sdelay $0x1  }
0x8a: {  	s1 =	srdreg.scid  }
0x8b: {  	s0 =	sand.u32 $0x1, s1  }
0x8c: {  	s16 =	sshll.u32 s0, $0xA;
	s2 =	sadd.s32 s3, s2  }
0x8d: {  	s2 =	sadd.s32 s2, s16  }
0x8e: {  	[smem:$0x3FB7] =	sst s2  }
0x8f: {  	_ = 	snop  }
0x90: {  	(tm) =	ssettm $0x1  }
0x91: {  	s17 =	sld [smem:$0x3FFB];
	_ =	sdelay $0x3  }
0x92: {  	_ =	strace s17  }
0x93: {  	s2 =	sld [smem:$0x3FFC];
	_ =	sdelay $0x3  }
0x94: {  	_ =	strace s2  }
0x95: {  	s2 =	sld [smem:$0x3FFD];
	_ =	sdelay $0x3  }
0x96: {  	_ =	strace s2  }
0x97: {  	_ =	strace $0x8FFFFFFF  }
0x98: {  	s18 =	sld [smem:$0x3FDB];
	_ =	sdelay $0x1  }
0x99: {  	s19 =	simm.s32 $_scs_section_size  }
0x9a: {  	s4 =	simm.s32 $_size__tile_overlayer_lowered;
	s5 =	simm.s32 $_tile_overlayer_lowered  }
0x9b: {  	s22 =	simm.s32 $0x1BFF;
	s21 =	sshll.u32 s5, $0x1;
	s2 =	sadd.s32 s19, s18  }
0x9c: {  	s6 =	simm.s32 $0x0;
	s20 =	sshll.u32 s4, $0x1;
	s4 =	sadd.s32 s21, s2  }
0x9d: {  	[timem:s6], [sflag:s22] =	dma.local [hbm:s4], s20  }
0x9e: {  	_ =	swait.ge [sflag:s22], s20  }
0x9f: {  	s3 =	ssub.s32 $0x0, s20;
	[sflag:s22] =	ssyncset.done $0x0  }
0xa0: {  	[sflag:s22] =	ssyncadd.s32 s3;
	_ =	sdelay $0x1  }
0xa1: {  	s23 =	simm.s32 $0x1B8B  }
0xa2: {  	_ =	swait.ge [sflag:s23], $0x1  }
0xa3: {  	[sflag:s23] =	ssyncset.done $0x0  }
0xa4: {  	s25 =	simm.s32 $0x1B8E;
	s24 =	sld [smem:$0x3FFE];
	[sflag:s23] =	ssyncadd.s32 $0xFFFFFFFF  }
0xa5: {  	s26 =	simm.s32 $execute0_lowered;
	[smem:$0x3FD2] =	sst s25  }
0xa6: {  	s4 =	sshll.u32 s26, $0x1;
	_ =	strace $0x8000004C;
	[dreg:$0x1] =	wrdreg $0xFFFFFFFF  }
0xa7: {  	s28 =	simm.s32 $_size_execute0_lowered;
	s2 =	sadd.s32 s2, s4;
	[dreg:$0x0] =	wrdreg $0x0  }
0xa8: {  	s4 =	sshll.u32 s28, $0x1;
	[dreg:$0x2] =	wrdreg s2  }
0xa9: {  	[dreg:$0x3] =	wrdreg s4  }
0xaa: {  	[dreg:$0x4] =	wrdreg $0xC0  }
0xab: {  	_ =	task [dreg:s6], $0x5FFFF  }
0xac: {  	[dreg:$0x1] =	wrdreg $0xFFFFFFFF  }
0xad: {  	[dreg:$0x0] =	wrdreg $0x60  }
0xae: {  	[dreg:$0x2] =	wrdreg s24  }
0xaf: {  	[dreg:$0x3] =	wrdreg $0x9  }
0xb0: {  	_ =	task.clear_ibuf [dreg:s6], $0x4FFFF;
	_ =	strace $0x9000004C  }
0xb1: {  	s29 =	simm.s32 $0x9;
	_ =	strace $0x8000004E  }
0xb2: {  	_ =	swait.ge [sflag:s29], $0x1  }
0xb3: {  	[sflag:s29] =	ssyncadd.s32 $0xFFFFFFFF  }
0xb4: {  	_ =	strace $0x9000004E  }
0xb5: {  	_ =	sfence  }
0xb6: {  	s30 =	sld [smem:$0x0];
	_ =	sdelay $0x2  }
0xb7: {  	s31 =	sshll.u32 s1, $0xD;
	s1 =	sshrl.u32 s1, $0x2  }
0xb8: {  	s3 =	sand.u32 $0x4000, s31;
	s1 =	sadd.s32 s1, s30  }
0xb9: {  	s0 =	sor.u32 s3, s0;
	s1 =	sshll.u32 s1, $0x11  }
0xba: {  	s0 =	sor.u32 s1, s0  }
0xbb: {  	s0 =	sadd.s32 $0x8F2B, s0  }
0xbc: {  	[sflag:s0] =	ssyncadd.remote.s32 $0x1  }
0xbd: {  	_ =	sfence.sel $0xFFFF  }
0xbe: {  	[dreg:$0x0] =	wrdreg $0xFFFFFFFF;
	(pc) =	sbr.abs _section_cstart, $3  }
0xbf: {  	[dreg:$0x1] =	wrdreg $0xFFFFFFFF  }
0xc0: {  	_ =	task.clear_ibuf [dreg:s6], $0x2FFFF;
	_ =	strace $0x9FFFFFFF  }
0xc1: {  	(tm) =	ssettm $0x7FFFFFFF  }
tec
execute0_lowered:
.L_overlay_start_1:
0x0: {  	(tag) =	ssettag $0x1  }
0x1: {  	s0 =	rddreg [dreg:$0x0];
	s1 =	simm.s32 $0x0;
	s7 =	stileid.u32  }
0x2: {  	s5 =	srdreg.scid;
	s28 =	simm.s32 $0x15B80;
	s29 =	simm.s32 $0x19A80  }
0x3: {  	s31 =	simm.s32 $0x6;
	[smem:$0x7FF] =	sst s1;
	s2 =	sadd.s32 $0x18000, s0  }
0x4: {  	s3 =	sadd.s32 $0x35A00, s0;
	s4 =	sadd.s32 $0x2BC00, s0;
	s6 =	sshrl.u32 s7, $0x1  }
0x5: {  	s5 =	sand.u32 $0x1, s5;
	s7 =	sshll.u32 s7, $0x9;
	s6 =	smul.u32 $0x13C00, s6  }
0x6: {  	s0 =	sadd.s32 $0x3F800, s0;
	_ =	strace $0x8000004D;
	s14 =	smul.u32 $0x27100, s5  }
0x7: {  	s8 =	ssub.s32 $0x2, s5;
	s7 =	sand.u32 $0x200, s7;
	s5 =	smul.u32 $0x9E000, s5  }
0x8: {  	s9 =	sshrl.u32 s8, $0x1;
	s11 =	sor.u32 $0x80, s7;
	s30 =	sor.u32 $0x100, s7  }
0x9: {  	s15 =	sor.u32 $0x180, s7;
	s10 =	sor.u32 s7, s6;
	s8 =	ssub.s32 s8, s9  }
0xa: {  	s25 =	sor.u32 s6, s11;
	s12 =	sor.u32 s6, s30;
	s17 =	sor.u32 s6, s15  }
0xb: {  	s13 =	sshrl.u32 s14, $0x3;
	s5 =	sadd.s32 s5, s6;
	s24 =	sshrl.u32 s10, $0x3  }
0xc: {  	s26 =	sshrl.u32 s25, $0x3;
	s16 =	sshrl.u32 s12, $0x3;
	s12 =	sshrl.u32 s17, $0x3  }
0xd: {  	s18 =	sadd.s32 s3, s13;
	s19 =	sadd.s32 s4, s13;
	s20 =	sadd.s32 $0x3E8, s13  }
0xe: {  	s22 =	sor.u32 s7, s5;
	s13 =	sadd.s32 $0x3E80, s14;
	s14 =	sadd.s32 $0x5DC0, s14  }
0xf: {  	s23 =	sor.u32 s11, s5;
	s7 =	simm.s32 $0xED00;
	s10 =	simm.s32 $0x4  }
0x10: {  	s11 =	simm.s32 $0x0;
	s9 =	sadd.s32 s2, s24;
	[dreg:$0x6] =	wrdreg s18  }
0x11: {  	[dreg:$0x7] =	wrdreg s19;
	s21 =	sadd.s32 s3, s20;
	s24 =	sor.u32 s30, s5  }
0x12: {  	s5 =	sor.u32 s15, s5;
	s30 =	smax.u32 s8, $0x1;
	[dreg:$0x2] =	wrdreg s9  }
0x13: {  	s8 =	simm.s32 $0x11480;
	s9 =	sadd.s32 s2, s26;
	[dreg:$0x8] =	wrdreg s21  }
0x14: {  	s6 =	sshrl.u32 s24, $0x3;
	s26 =	sshrl.u32 s5, $0x3;
	[dreg:$0xe] =	wrdreg s30  }
0x15: {  	s21 =	simm.s32 $0x400;
	[dreg:$0x3] =	wrdreg s9;
	s9 =	sadd.s32 s2, s16  }
0x16: {  	s24 =	simm.s32 $0x7680;
	s2 =	sadd.s32 s2, s12;
	[dreg:$0x4] =	wrdreg s9  }
0x17: {  	s5 =	simm.s32 $0x9E00;
	s25 =	sadd.s32 s0, s6;
	[dreg:$0x5] =	wrdreg s2  }
0x18: {  	s6 =	simm.s32 $0xC580;
	s2 =	sadd.s32 s4, s20;
	[dreg:$0xc] =	wrdreg s25  }
0x19: {  	s20 =	simm.s32 $0x80;
	[dreg:$0x9] =	wrdreg s2;
	s2 =	sshrl.u32 s22, $0x3  }
.Ltmp0:
0x1a: {  	s25 =	simm.s32 $0x1;
	s2 =	sadd.s32 s0, s2;
	(pc) =	sbr.rel .LBB2_1-.Ltmp0, $4  }
0x1b: {  	s9 =	simm.s32 $0x3;
	[dreg:$0xa] =	wrdreg s2;
	s2 =	sshrl.u32 s23, $0x3  }
0x1c: {  	s22 =	simm.s32 $0x2780;
	s23 =	simm.s32 $0x4F00;
	s2 =	sadd.s32 s0, s2  }
0x1d: {  	s0 =	sadd.s32 s0, s26;
	s26 =	simm.s32 $0x2;
	[dreg:$0xb] =	wrdreg s2  }
0x1e: {  	v0 =	vimm.f32 $0.0e+00;
	[dreg:$0xd] =	wrdreg s0;
	s0 =	simm.s32 $0x7;
	s2 =	simm.s32 $0x8  }
.LBB2_14:
0x1f: {  	s12 =	rddreg [dreg:$0xa]  }
0x20: {  	[hbm4b:s12+s20] =	stream.strided.scatter [tilespmem:s5], [sflag:$0x5], $0x2780, s21, s20, $0x38;
	[tilespmem:$0x1BA00] =	vst v63  }
0x21: {  	s17 =	rddreg [dreg:$0xb]  }
0x22: {  	[hbm4b:s17+s20] =	stream.strided.scatter [tilespmem:s6], [sflag:$0x6], $0x2780, s21, s20, $0x38;
	[tilespmem:$0x1BA00] =	vst v63  }
0x23: {  	s18 =	rddreg [dreg:$0xc]  }
0x24: {  	[hbm4b:s18+s20] =	stream.strided.scatter [tilespmem:s7], [sflag:$0x7], $0x2780, s21, s20, $0x38;
	[tilespmem:$0x1BA00] =	vst v63  }
0x25: {  	s19 =	rddreg [dreg:$0xd]  }
0x26: {  	[hbm4b:s19+s20] =	stream.strided.scatter [tilespmem:s8], [sflag:$0x8], $0x2780, s21, s20, $0x38;
	[tilespmem:$0x1BA00] =	vst v63  }
0x27: {  	_ =	swait.ge [sflag:s30], $0x2780  }
0x28: {  	[sflag:s30] =	ssyncset.done $0x0  }
0x29: {  	[sflag:s30] =	ssyncadd.s32 $0xFFFFD880  }
0x2a: {  	_ =	swait.ge [sflag:s31], $0x2780  }
0x2b: {  	[sflag:s31] =	ssyncset.done $0x0  }
0x2c: {  	[sflag:s31] =	ssyncadd.s32 $0xFFFFD880  }
0x2d: {  	_ =	swait.ge [sflag:s0], $0x2780  }
0x2e: {  	[sflag:s0] =	ssyncset.done $0x0  }
0x2f: {  	[sflag:s0] =	ssyncadd.s32 $0xFFFFD880  }
0x30: {  	_ =	swait.ge [sflag:s2], $0x2780  }
0x31: {  	s11 =	sadd.s32 $0x1, s11;
	s30 =	rddreg [dreg:$0xe]  }
0x32: {  	p0 =	sne.s32 s11, s30  }
.Ltmp1:
0x33: {  	_ = 	snop;
	(pc) =	sbr.rel @!p0 .LBB2_15-.Ltmp1, $3  }
0x34: {  	_ =	sdelay $0x1  }
0x35: {  	[sflag:s2] =	ssyncset.done $0x0  }
0x36: {  	[sflag:s2] =	ssyncadd.s32 $0xFFFFD880  }
.LBB2_1:
0x37: {  	s12 =	rddreg [dreg:$0x2]  }
0x38: {  	[tilespmem:s1], [sflag:$0x5] =	stream.strided.gather [hbm4b:s12+s20], $0x2780, s21, s20, $0x38;
	[tilespmem:$0x1BA00] =	vst v63  }
0x39: {  	s16 =	rddreg [dreg:$0x3]  }
0x3a: {  	[tilespmem:s22], [sflag:$0x6] =	stream.strided.gather [hbm4b:s16+s20], $0x2780, s21, s20, $0x38;
	[tilespmem:$0x1BA00] =	vst v63  }
0x3b: {  	s17 =	rddreg [dreg:$0x4]  }
0x3c: {  	[tilespmem:s23], [sflag:$0x7] =	stream.strided.gather [hbm4b:s17+s20], $0x2780, s21, s20, $0x38;
	[tilespmem:$0x1BA00] =	vst v63  }
0x3d: {  	s18 =	rddreg [dreg:$0x5]  }
0x3e: {  	[tilespmem:s24], [sflag:$0x8] =	stream.strided.gather [hbm4b:s18+s20], $0x2780, s21, s20, $0x38;
	[tilespmem:$0x1BA00] =	vst v63  }
0x3f: {  	s19 =	rddreg [dreg:$0x6];
	s15 =	simm.s32 $0x13C00  }
0x40: {  	[tilespmem:s15], [sflag:$0x1] =	stream.linear.gather [hbm4b:s19+s1], $0x1F40, $0x38;
	[tilespmem:$0x1BA00] =	vst v63  }
0x41: {  	s16 =	rddreg [dreg:$0x7];
	s17 =	simm.s32 $0x17B00  }
0x42: {  	[tilespmem:s17], [sflag:$0x2] =	stream.linear.gather [hbm4b:s16+s1], $0x1F40, $0x38;
	[tilespmem:$0x1BA00] =	vst v63  }
0x43: {  	s18 =	rddreg [dreg:$0x8]  }
0x44: {  	[tilespmem:s28], [sflag:$0x3] =	stream.linear.gather [hbm4b:s18+s1], $0x1F40, $0x38;
	[tilespmem:$0x1BA00] =	vst v63  }
0x45: {  	s19 =	rddreg [dreg:$0x9];
	s16 =	simm.s32 $0x9E40  }
0x46: {  	[tilespmem:s29], [sflag:$0x4] =	stream.linear.gather [hbm4b:s19+s1], $0x1F40, $0x38;
	[tilespmem:$0x1BA00] =	vst v63  }
0x47: {  	[tilespmem:s16+$0x30] =	vst v0  }
0x48: {  	[tilespmem:s16+$0xFFFFFFE0] =	vst v0  }
0x49: {  	[tilespmem:s16+$0xFFFFFFF0] =	vst v0  }
0x4a: {  	[tilespmem:s16+$0x0] =	vst v0  }
0x4b: {  	[tilespmem:s16+$0xFFFFFFC0] =	vst v0  }
0x4c: {  	[tilespmem:s16+$0x10] =	vst v0  }
0x4d: {  	[tilespmem:s16+$0x20] =	vst v0  }
0x4e: {  	s15 =	simm.s32 $0xC5C0;
	[tilespmem:s16+$0xFFFFFFD0] =	vst v0  }
0x4f: {  	[tilespmem:s15+$0x30] =	vst v0  }
0x50: {  	[tilespmem:s15+$0xFFFFFFC0] =	vst v0  }
0x51: {  	[tilespmem:s15+$0x10] =	vst v0  }
0x52: {  	[tilespmem:s15+$0xFFFFFFD0] =	vst v0  }
0x53: {  	[tilespmem:s15+$0x20] =	vst v0  }
0x54: {  	[tilespmem:s15+$0x0] =	vst v0  }
0x55: {  	s12 =	simm.s32 $0xED40;
	[tilespmem:s15+$0xFFFFFFF0] =	vst v0  }
0x56: {  	[tilespmem:s12+$0x30] =	vst v0  }
0x57: {  	[tilespmem:s12+$0xFFFFFFC0] =	vst v0  }
0x58: {  	[tilespmem:s12+$0x10] =	vst v0  }
0x59: {  	[tilespmem:s12+$0xFFFFFFD0] =	vst v0  }
0x5a: {  	[tilespmem:s12+$0x20] =	vst v0  }
0x5b: {  	[tilespmem:s12+$0x0] =	vst v0  }
0x5c: {  	s17 =	simm.s32 $0x114C0;
	[tilespmem:s12+$0xFFFFFFF0] =	vst v0  }
0x5d: {  	[tilespmem:s17+$0x30] =	vst v0  }
0x5e: {  	[tilespmem:s17+$0xFFFFFFC0] =	vst v0  }
0x5f: {  	[tilespmem:s17+$0x10] =	vst v0  }
0x60: {  	[tilespmem:s17+$0xFFFFFFD0] =	vst v0  }
0x61: {  	s30 =	simm.s32 $0x11540;
	s18 =	simm.s32 $0x0;
	s19 =	simm.s32 $0xEDC0;
	[tilespmem:s17+$0x20] =	vst v0  }
.LBB2_2:
0x62: {  	s18 =	sadd.s32 $0x8, s18;
	[tilespmem:s15+$0xFFFFFFE0] =	vst v0;
	s16 =	sadd.s32 $0x80, s16;
	s15 =	sadd.s32 $0x80, s15  }
0x63: {  	[tilespmem:s16+$0x30] =	vst v0;
	p0 =	slt.u32 s18, $0x268  }
0x64: {  	[tilespmem:s15+$0x30] =	vst v0  }
0x65: {  	[tilespmem:s19+$0x30] =	vst v0  }
0x66: {  	[tilespmem:s17+$0xFFFFFFF0] =	vst v0  }
0x67: {  	[tilespmem:s17+$0x0] =	vst v0  }
0x68: {  	[tilespmem:s12+$0xFFFFFFE0] =	vst v0;
	s12 =	smov.u32 s19  }
0x69: {  	[tilespmem:s17+$0xFFFFFFE0] =	vst v0;
	s17 =	smov.u32 s30  }
0x6a: {  	[tilespmem:s30+$0x30] =	vst v0  }
0x6b: {  	[tilespmem:s16+$0xFFFFFFE0] =	vst v0  }
0x6c: {  	[tilespmem:s16+$0xFFFFFFF0] =	vst v0  }
0x6d: {  	[tilespmem:s16+$0x0] =	vst v0  }
0x6e: {  	[tilespmem:s16+$0xFFFFFFC0] =	vst v0  }
0x6f: {  	[tilespmem:s15+$0xFFFFFFC0] =	vst v0  }
0x70: {  	[tilespmem:s19+$0xFFFFFFC0] =	vst v0  }
0x71: {  	[tilespmem:s30+$0xFFFFFFC0] =	vst v0  }
0x72: {  	[tilespmem:s16+$0x10] =	vst v0  }
0x73: {  	[tilespmem:s15+$0x10] =	vst v0  }
0x74: {  	[tilespmem:s19+$0x10] =	vst v0  }
0x75: {  	[tilespmem:s30+$0x10] =	vst v0  }
0x76: {  	[tilespmem:s16+$0x20] =	vst v0  }
0x77: {  	[tilespmem:s16+$0xFFFFFFD0] =	vst v0  }
0x78: {  	[tilespmem:s15+$0xFFFFFFD0] =	vst v0  }
0x79: {  	[tilespmem:s19+$0xFFFFFFD0] =	vst v0  }
0x7a: {  	[tilespmem:s30+$0xFFFFFFD0] =	vst v0  }
0x7b: {  	[tilespmem:s15+$0x20] =	vst v0  }
0x7c: {  	[tilespmem:s19+$0x20] =	vst v0  }
.Ltmp2:
0x7d: {  	[tilespmem:s30+$0x20] =	vst v0;
	(pc) =	sbr.rel @p0 .LBB2_2-.Ltmp2, $4  }
0x7e: {  	[tilespmem:s15+$0x0] =	vst v0  }
0x7f: {  	[tilespmem:s19+$0x0] =	vst v0  }
0x80: {  	[tilespmem:s15+$0xFFFFFFF0] =	vst v0  }
0x81: {  	s30 =	sadd.s32 $0x80, s30;
	s19 =	sadd.s32 $0x80, s19;
	[tilespmem:s12+$0xFFFFFFF0] =	vst v0  }
0x82: {  	[tilespmem:s15+$0xFFFFFFE0] =	vst v0  }
0x83: {  	[tilespmem:s17+$0xFFFFFFF0] =	vst v0  }
0x84: {  	[tilespmem:s17+$0x0] =	vst v0  }
0x85: {  	[tilespmem:s12+$0xFFFFFFE0] =	vst v0  }
0x86: {  	[tilespmem:s17+$0xFFFFFFE0] =	vst v0  }
0x87: {  	[tilespmem:$0xC500] =	vst v0  }
0x88: {  	[tilespmem:$0xEC80] =	vst v0  }
0x89: {  	[tilespmem:$0x11400] =	vst v0  }
0x8a: {  	s30 =	simm.s32 $0x5;
	[tilespmem:$0x13B80] =	vst v0  }
0x8b: {  	_ =	swait.ge [sflag:s30], $0x2780  }
0x8c: {  	[sflag:s30] =	ssyncset.done $0x0  }
0x8d: {  	[sflag:s30] =	ssyncadd.s32 $0xFFFFD880  }
0x8e: {  	_ =	swait.ge [sflag:s31], $0x2780  }
0x8f: {  	[sflag:s31] =	ssyncset.done $0x0  }
0x90: {  	[sflag:s31] =	ssyncadd.s32 $0xFFFFD880  }
0x91: {  	_ =	swait.ge [sflag:s0], $0x2780  }
0x92: {  	[sflag:s0] =	ssyncset.done $0x0  }
0x93: {  	[sflag:s0] =	ssyncadd.s32 $0xFFFFD880  }
0x94: {  	_ =	swait.ge [sflag:s2], $0x2780  }
0x95: {  	[sflag:s2] =	ssyncset.done $0x0  }
0x96: {  	s15 =	simm.s32 $0x0;
	s12 =	simm.s32 $0x0;
	[sflag:s2] =	ssyncadd.s32 $0xFFFFD880  }
.LBB2_4:
0x97: {  	_ =	swait.ge [sflag:s25], $0x1F40  }
0x98: {  	[sflag:s25] =	ssyncset.done $0x0  }
0x99: {  	[sflag:s25] =	ssyncadd.s32 $0xFFFFE0C0  }
0x9a: {  	_ =	swait.ge [sflag:s26], $0x1F40  }
0x9b: {  	[sflag:s26] =	ssyncset.done $0x0  }
0x9c: {  	s16 =	simm.s32 $0x13C40;
	[sflag:s26] =	ssyncadd.s32 $0xFFFFE0C0  }
0x9d: {  	v1 =	vld [tilespmem:s16+$0x30]  }
0x9e: {  	v2 =	vld [tilespmem:s16+$0xFFFFFFD0]  }
0x9f: {  	v3 =	vld [tilespmem:s16+$0xFFFFFFE0]  }
0xa0: {  	v4 =	vld [tilespmem:s16+$0xFFFFFFF0]  }
0xa1: {  	v5 =	vld [tilespmem:s16+$0x0]  }
0xa2: {  	v7 =	vld [tilespmem:s16+$0x10]  }
0xa3: {  	v9 =	vld [tilespmem:s16+$0xFFFFFFC0]  }
0xa4: {  	v11 =	vld [tilespmem:s16+$0x20];
	s16 =	simm.s32 $0x17B40;
	v6 =	vand.u32 $0xFFFF, v1  }
0xa5: {  	v16 =	vld [tilespmem:s16+$0x30]  }
0xa6: {  	v26 =	vld [tilespmem:s16+$0xFFFFFFC0]  }
0xa7: {  	v27 =	vld [tilespmem:s16+$0xFFFFFFD0]  }
0xa8: {  	v28 =	vld [tilespmem:s16+$0xFFFFFFE0]  }
0xa9: {  	v8 =	vand.u32 $0xFFFF, v2;
	v14 =	vld.idx.msk [tilespmem:v6+s12+$0x0], $0xffff  }
0xaa: {  	v29 =	vld [tilespmem:s16+$0xFFFFFFF0];
	v10 =	vand.u32 $0xFFFF, v3  }
0xab: {  	v31 =	vld [tilespmem:s16+$0x0];
	v20 =	vshrl.u32 v1, $0x10  }
0xac: {  	v33 =	vld [tilespmem:s16+$0x10]  }
0xad: {  	v12 =	vand.u32 $0xFFFF, v4;
	v35 =	vshrl.u32 v4, $0x10;
	v4 =	vld [tilespmem:s16+$0x20]  }
0xae: {  	v15 =	vand.u32 $0xFFFF, v7;
	v18 =	vld.idx.msk [tilespmem:v8+s12+$0x0], $0xffff;
	v1 =	vmul.f32 v14, v16  }
0xaf: {  	v13 =	vand.u32 $0xFFFF, v5;
	v19 =	vld.idx.msk [tilespmem:v10+s12+$0x0], $0xffff  }
0xb0: {  	v22 =	vand.u32 $0xFFFF, v11;
	[tilespmem:v20+s5+$0x0] =	vst.idx.add.f32.msk $0xffff, v1  }
0xb1: {  	v17 =	vand.u32 $0xFFFF, v9;
	v1 =	vld.idx.msk [tilespmem:v6+s22+$0x0], $0xffff  }
0xb2: {  	v34 =	vshrl.u32 v3, $0x10;
	v21 =	vld.idx.msk [tilespmem:v12+s12+$0x0], $0xffff  }
0xb3: {  	v24 =	vld.idx.msk [tilespmem:v15+s12+$0x0], $0xffff  }
0xb4: {  	v23 =	vld.idx.msk [tilespmem:v13+s12+$0x0], $0xffff  }
0xb5: {  	v32 =	vshrl.u32 v2, $0x10;
	v2 =	vshrl.u32 v7, $0x10;
	v25 =	vld.idx.msk [tilespmem:v22+s12+$0x0], $0xffff;
	v7 =	vmul.f32 v19, v28  }
0xb6: {  	v14 =	vld.idx.msk [tilespmem:v17+s12+$0x0], $0xffff;
	v1 =	vmul.f32 v1, v16  }
0xb7: {  	[tilespmem:v34+s5+$0x0] =	vst.idx.add.f32.msk $0xffff, v7  }
0xb8: {  	v30 =	vshrl.u32 v9, $0x10;
	v7 =	vmul.f32 v24, v33;
	[tilespmem:v20+s6+$0x0] =	vst.idx.add.f32.msk $0xffff, v1  }
0xb9: {  	v1 =	vshrl.u32 v5, $0x10;
	v9 =	vld.idx.msk [tilespmem:v6+s23+$0x0], $0xffff  }
0xba: {  	[tilespmem:v2+s5+$0x0] =	vst.idx.add.f32.msk $0xffff, v7;
	v5 =	vmul.f32 v18, v27  }
0xbb: {  	v3 =	vmul.f32 v14, v26;
	v62 =	vld.idx.msk [tilespmem:v15+s22+$0x0], $0xffff  }
0xbc: {  	[tilespmem:v32+s5+$0x0] =	vst.idx.add.f32.msk $0xffff, v5;
	v5 =	vmul.f32 v23, v31  }
0xbd: {  	v14 =	vmul.f32 v21, v29;
	[tilespmem:v30+s5+$0x0] =	vst.idx.add.f32.msk $0xffff, v3;
	v3 =	vshrl.u32 v11, $0x10  }
0xbe: {  	[tilespmem:v1+s5+$0x0] =	vst.idx.add.f32.msk $0xffff, v5;
	v5 =	vmul.f32 v9, v16  }
0xbf: {  	[tilespmem:v35+s5+$0x0] =	vst.idx.add.f32.msk $0xffff, v14  }
0xc0: {  	v7 =	vmul.f32 v25, v4;
	[tilespmem:v20+s7+$0x0] =	vst.idx.add.f32.msk $0xffff, v5  }
0xc1: {  	v5 =	vld.idx.msk [tilespmem:v6+s24+$0x0], $0xffff  }
0xc2: {  	[tilespmem:v3+s5+$0x0] =	vst.idx.add.f32.msk $0xffff, v7  }
0xc3: {  	v6 =	vld.idx.msk [tilespmem:v17+s22+$0x0], $0xffff  }
0xc4: {  	v7 =	vld.idx.msk [tilespmem:v8+s22+$0x0], $0xffff  }
0xc5: {  	v9 =	vld.idx.msk [tilespmem:v10+s22+$0x0], $0xffff  }
0xc6: {  	v11 =	vld.idx.msk [tilespmem:v12+s22+$0x0], $0xffff;
	v5 =	vmul.f32 v5, v16  }
0xc7: {  	v14 =	vld.idx.msk [tilespmem:v13+s22+$0x0], $0xffff  }
0xc8: {  	v6 =	vmul.f32 v6, v26;
	[tilespmem:v20+s8+$0x0] =	vst.idx.add.f32.msk $0xffff, v5  }
0xc9: {  	v5 =	vmul.f32 v7, v27;
	v7 =	vld.idx.msk [tilespmem:v22+s22+$0x0], $0xffff  }
0xca: {  	[tilespmem:v30+s6+$0x0] =	vst.idx.add.f32.msk $0xffff, v6;
	v6 =	vmul.f32 v9, v28  }
0xcb: {  	[tilespmem:v32+s6+$0x0] =	vst.idx.add.f32.msk $0xffff, v5;
	v5 =	vmul.f32 v11, v29  }
0xcc: {  	[tilespmem:v34+s6+$0x0] =	vst.idx.add.f32.msk $0xffff, v6;
	v6 =	vmul.f32 v14, v31  }
0xcd: {  	[tilespmem:v35+s6+$0x0] =	vst.idx.add.f32.msk $0xffff, v5  }
0xce: {  	[tilespmem:v1+s6+$0x0] =	vst.idx.add.f32.msk $0xffff, v6  }
0xcf: {  	v5 =	vmul.f32 v62, v33;
	v6 =	vld.idx.msk [tilespmem:v17+s23+$0x0], $0xffff  }
0xd0: {  	v9 =	vld.idx.msk [tilespmem:v12+s23+$0x0], $0xffff  }
0xd1: {  	[tilespmem:v2+s6+$0x0] =	vst.idx.add.f32.msk $0xffff, v5;
	v5 =	vmul.f32 v7, v4  }
0xd2: {  	v7 =	vld.idx.msk [tilespmem:v10+s23+$0x0], $0xffff  }
0xd3: {  	[tilespmem:v3+s6+$0x0] =	vst.idx.add.f32.msk $0xffff, v5  }
0xd4: {  	v5 =	vld.idx.msk [tilespmem:v8+s23+$0x0], $0xffff  }
0xd5: {  	v11 =	vld.idx.msk [tilespmem:v13+s23+$0x0], $0xffff  }
0xd6: {  	v14 =	vld.idx.msk [tilespmem:v15+s23+$0x0], $0xffff;
	v6 =	vmul.f32 v6, v26  }
0xd7: {  	v63 =	vld.idx.msk [tilespmem:v22+s23+$0x0], $0xffff  }
0xd8: {  	[tilespmem:v30+s7+$0x0] =	vst.idx.add.f32.msk $0xffff, v6;
	v7 =	vmul.f32 v7, v28  }
0xd9: {  	v6 =	vld.idx.msk [tilespmem:v17+s24+$0x0], $0xffff;
	v5 =	vmul.f32 v5, v27  }
0xda: {  	[tilespmem:v34+s7+$0x0] =	vst.idx.add.f32.msk $0xffff, v7;
	v7 =	vmul.f32 v11, v31  }
0xdb: {  	[tilespmem:v32+s7+$0x0] =	vst.idx.add.f32.msk $0xffff, v5;
	v5 =	vmul.f32 v9, v29  }
0xdc: {  	[tilespmem:v1+s7+$0x0] =	vst.idx.add.f32.msk $0xffff, v7;
	v7 =	vmul.f32 v63, v4  }
0xdd: {  	[tilespmem:v35+s7+$0x0] =	vst.idx.add.f32.msk $0xffff, v5;
	v5 =	vmul.f32 v14, v33  }
0xde: {  	[tilespmem:v3+s7+$0x0] =	vst.idx.add.f32.msk $0xffff, v7  }
0xdf: {  	[tilespmem:v2+s7+$0x0] =	vst.idx.add.f32.msk $0xffff, v5  }
0xe0: {  	v5 =	vld.idx.msk [tilespmem:v8+s24+$0x0], $0xffff  }
0xe1: {  	v7 =	vld.idx.msk [tilespmem:v10+s24+$0x0], $0xffff  }
0xe2: {  	v8 =	vld.idx.msk [tilespmem:v12+s24+$0x0], $0xffff  }
0xe3: {  	v10 =	vld.idx.msk [tilespmem:v13+s24+$0x0], $0xffff  }
0xe4: {  	v6 =	vmul.f32 v6, v26;
	v11 =	vld.idx.msk [tilespmem:v15+s24+$0x0], $0xffff  }
0xe5: {  	v9 =	vld.idx.msk [tilespmem:v22+s24+$0x0], $0xffff;
	v5 =	vmul.f32 v5, v27  }
0xe6: {  	[tilespmem:v30+s8+$0x0] =	vst.idx.add.f32.msk $0xffff, v6;
	v6 =	vmul.f32 v7, v28  }
0xe7: {  	[tilespmem:v32+s8+$0x0] =	vst.idx.add.f32.msk $0xffff, v5;
	v5 =	vmul.f32 v8, v29  }
0xe8: {  	[tilespmem:v34+s8+$0x0] =	vst.idx.add.f32.msk $0xffff, v6  }
0xe9: {  	s17 =	simm.s32 $0x0;
	s18 =	simm.s32 $0x13CC0;
	v13 =	vmul.f32 v10, v31;
	v12 =	vmul.f32 v11, v33;
	[tilespmem:v35+s8+$0x0] =	vst.idx.add.f32.msk $0xffff, v5  }
.LBB2_5:
0xea: {  	v17 =	vld [tilespmem:s18+$0x30];
	s17 =	sadd.s32 $0x8, s17;
	v5 =	vmul.f32 v9, v4  }
0xeb: {  	v4 =	vld [tilespmem:s18+$0xFFFFFFD0];
	p0 =	slt.u32 s17, $0x1E8  }
0xec: {  	v8 =	vld [tilespmem:s18+$0xFFFFFFE0]  }
0xed: {  	v11 =	vld [tilespmem:s18+$0xFFFFFFF0]  }
0xee: {  	v14 =	vld [tilespmem:s18+$0x0]  }
0xef: {  	v15 =	vld [tilespmem:s18+$0x10];
	v22 =	vand.u32 $0xFFFF, v17  }
0xf0: {  	v6 =	vshrl.u32 v4, $0x10;
	v9 =	vand.u32 $0xFFFF, v4;
	v4 =	vld [tilespmem:s18+$0x20]  }
0xf1: {  	v18 =	vld [tilespmem:s18+$0xFFFFFFC0];
	v7 =	vshrl.u32 v8, $0x10;
	v10 =	vand.u32 $0xFFFF, v8  }
0xf2: {  	v8 =	vshrl.u32 v11, $0x10;
	v11 =	vand.u32 $0xFFFF, v11;
	[tilespmem:v1+s8+$0x0] =	vst.idx.add.f32.msk $0xffff, v13  }
0xf3: {  	s19 =	simm.s32 $0x0;
	v1 =	vshrl.u32 v14, $0x10;
	v13 =	vand.u32 $0xFFFF, v14;
	[tilespmem:v2+s8+$0x0] =	vst.idx.add.f32.msk $0xffff, v12  }
0xf4: {  	s16 =	sadd.s32 $0x80, s16;
	v2 =	vshrl.u32 v15, $0x10;
	v14 =	vand.u32 $0xFFFF, v15;
	v19 =	vld.idx.msk [tilespmem:v22+s19+$0x0], $0xffff  }
0xf5: {  	v12 =	vshrl.u32 v4, $0x10;
	v15 =	vand.u32 $0xFFFF, v4;
	v23 =	vld [tilespmem:s16+$0x30]  }
0xf6: {  	v16 =	vshrl.u32 v18, $0x10;
	v24 =	vand.u32 $0xFFFF, v18;
	v4 =	vld.idx.msk [tilespmem:v9+s19+$0x0], $0xffff  }
0xf7: {  	v26 =	vshrl.u32 v17, $0x10;
	v25 =	vld.idx.msk [tilespmem:v10+s19+$0x0], $0xffff  }
0xf8: {  	v27 =	vld.idx.msk [tilespmem:v11+s19+$0x0], $0xffff  }
0xf9: {  	v28 =	vld.idx.msk [tilespmem:v13+s19+$0x0], $0xffff  }
0xfa: {  	v29 =	vld.idx.msk [tilespmem:v14+s19+$0x0], $0xffff;
	v17 =	vmul.f32 v19, v23  }
0xfb: {  	v19 =	vld.idx.msk [tilespmem:v24+s19+$0x0], $0xffff  }
0xfc: {  	[tilespmem:v26+s5+$0x0] =	vst.idx.add.f32.msk $0xffff, v17  }
0xfd: {  	v30 =	vld.idx.msk [tilespmem:v22+s22+$0x0], $0xffff  }
0xfe: {  	v31 =	vld.idx.msk [tilespmem:v15+s19+$0x0], $0xffff  }
0xff: {  	v32 =	vld [tilespmem:s16+$0xFFFFFFC0]  }
0x100: {  	v20 =	vld [tilespmem:s16+$0xFFFFFFD0]  }
0x101: {  	v21 =	vld [tilespmem:s16+$0xFFFFFFE0]  }
0x102: {  	v18 =	vld [tilespmem:s16+$0xFFFFFFF0]  }
0x103: {  	v30 =	vmul.f32 v30, v23;
	v17 =	vld [tilespmem:s16+$0x0]  }
0x104: {  	v33 =	vmul.f32 v19, v32;
	v19 =	vld [tilespmem:s16+$0x10]  }
0x105: {  	v34 =	vmul.f32 v4, v20;
	[tilespmem:v26+s6+$0x0] =	vst.idx.add.f32.msk $0xffff, v30  }
0x106: {  	v25 =	vmul.f32 v25, v21;
	v30 =	vld.idx.msk [tilespmem:v22+s23+$0x0], $0xffff  }
0x107: {  	v27 =	vmul.f32 v27, v18;
	v4 =	vld [tilespmem:s16+$0x20]  }
0x108: {  	[tilespmem:v16+s5+$0x0] =	vst.idx.add.f32.msk $0xffff, v33;
	v28 =	vmul.f32 v28, v17  }
0x109: {  	[tilespmem:v6+s5+$0x0] =	vst.idx.add.f32.msk $0xffff, v34;
	v29 =	vmul.f32 v29, v19  }
0x10a: {  	[tilespmem:v7+s5+$0x0] =	vst.idx.add.f32.msk $0xffff, v25  }
0x10b: {  	[tilespmem:v8+s5+$0x0] =	vst.idx.add.f32.msk $0xffff, v27  }
0x10c: {  	v27 =	vmul.f32 v30, v23;
	[tilespmem:v1+s5+$0x0] =	vst.idx.add.f32.msk $0xffff, v28;
	v25 =	vmul.f32 v31, v4  }
0x10d: {  	[tilespmem:v2+s5+$0x0] =	vst.idx.add.f32.msk $0xffff, v29  }
0x10e: {  	[tilespmem:v26+s7+$0x0] =	vst.idx.add.f32.msk $0xffff, v27  }
0x10f: {  	v22 =	vld.idx.msk [tilespmem:v22+s24+$0x0], $0xffff  }
0x110: {  	[tilespmem:v12+s5+$0x0] =	vst.idx.add.f32.msk $0xffff, v25  }
0x111: {  	v25 =	vld.idx.msk [tilespmem:v24+s22+$0x0], $0xffff  }
0x112: {  	v27 =	vld.idx.msk [tilespmem:v9+s22+$0x0], $0xffff  }
0x113: {  	v28 =	vld.idx.msk [tilespmem:v10+s22+$0x0], $0xffff  }
0x114: {  	v29 =	vld.idx.msk [tilespmem:v11+s22+$0x0], $0xffff  }
0x115: {  	v22 =	vmul.f32 v22, v23;
	v30 =	vld.idx.msk [tilespmem:v13+s22+$0x0], $0xffff  }
0x116: {  	v23 =	vld.idx.msk [tilespmem:v14+s22+$0x0], $0xffff  }
0x117: {  	v25 =	vmul.f32 v25, v32;
	[tilespmem:v26+s8+$0x0] =	vst.idx.add.f32.msk $0xffff, v22  }
0x118: {  	v22 =	vmul.f32 v27, v20;
	v26 =	vld.idx.msk [tilespmem:v15+s22+$0x0], $0xffff  }
0x119: {  	[tilespmem:v16+s6+$0x0] =	vst.idx.add.f32.msk $0xffff, v25;
	v25 =	vmul.f32 v28, v21  }
0x11a: {  	[tilespmem:v6+s6+$0x0] =	vst.idx.add.f32.msk $0xffff, v22;
	v22 =	vmul.f32 v29, v18  }
0x11b: {  	[tilespmem:v7+s6+$0x0] =	vst.idx.add.f32.msk $0xffff, v25;
	v25 =	vmul.f32 v30, v17  }
0x11c: {  	[tilespmem:v8+s6+$0x0] =	vst.idx.add.f32.msk $0xffff, v22;
	v22 =	vmul.f32 v23, v19  }
0x11d: {  	[tilespmem:v1+s6+$0x0] =	vst.idx.add.f32.msk $0xffff, v25  }
0x11e: {  	[tilespmem:v2+s6+$0x0] =	vst.idx.add.f32.msk $0xffff, v22;
	v22 =	vmul.f32 v26, v4  }
0x11f: {  	v23 =	vld.idx.msk [tilespmem:v24+s23+$0x0], $0xffff  }
0x120: {  	[tilespmem:v12+s6+$0x0] =	vst.idx.add.f32.msk $0xffff, v22  }
0x121: {  	v22 =	vld.idx.msk [tilespmem:v9+s23+$0x0], $0xffff  }
0x122: {  	v25 =	vld.idx.msk [tilespmem:v10+s23+$0x0], $0xffff  }
0x123: {  	v26 =	vld.idx.msk [tilespmem:v11+s23+$0x0], $0xffff  }
0x124: {  	v27 =	vld.idx.msk [tilespmem:v13+s23+$0x0], $0xffff  }
0x125: {  	v23 =	vmul.f32 v23, v32;
	v28 =	vld.idx.msk [tilespmem:v14+s23+$0x0], $0xffff  }
0x126: {  	v29 =	vld.idx.msk [tilespmem:v15+s23+$0x0], $0xffff  }
0x127: {  	v22 =	vmul.f32 v22, v20;
	[tilespmem:v16+s7+$0x0] =	vst.idx.add.f32.msk $0xffff, v23  }
0x128: {  	v23 =	vld.idx.msk [tilespmem:v24+s24+$0x0], $0xffff;
	v24 =	vmul.f32 v25, v21  }
0x129: {  	[tilespmem:v6+s7+$0x0] =	vst.idx.add.f32.msk $0xffff, v22;
	v22 =	vmul.f32 v26, v18  }
0x12a: {  	[tilespmem:v7+s7+$0x0] =	vst.idx.add.f32.msk $0xffff, v24;
	v24 =	vmul.f32 v27, v17  }
0x12b: {  	[tilespmem:v8+s7+$0x0] =	vst.idx.add.f32.msk $0xffff, v22;
	v22 =	vmul.f32 v28, v19  }
0x12c: {  	[tilespmem:v1+s7+$0x0] =	vst.idx.add.f32.msk $0xffff, v24;
	v24 =	vmul.f32 v29, v4  }
0x12d: {  	[tilespmem:v2+s7+$0x0] =	vst.idx.add.f32.msk $0xffff, v22  }
0x12e: {  	v22 =	vmul.f32 v23, v32;
	[tilespmem:v12+s7+$0x0] =	vst.idx.add.f32.msk $0xffff, v24  }
0x12f: {  	v23 =	vld.idx.msk [tilespmem:v9+s24+$0x0], $0xffff  }
0x130: {  	v10 =	vld.idx.msk [tilespmem:v10+s24+$0x0], $0xffff  }
0x131: {  	v11 =	vld.idx.msk [tilespmem:v11+s24+$0x0], $0xffff  }
0x132: {  	v13 =	vld.idx.msk [tilespmem:v13+s24+$0x0], $0xffff  }
0x133: {  	v14 =	vld.idx.msk [tilespmem:v14+s24+$0x0], $0xffff  }
0x134: {  	v9 =	vld.idx.msk [tilespmem:v15+s24+$0x0], $0xffff  }
.Ltmp3:
0x135: {  	v15 =	vmul.f32 v23, v20;
	[tilespmem:v16+s8+$0x0] =	vst.idx.add.f32.msk $0xffff, v22;
	(pc) =	sbr.rel @p0 .LBB2_5-.Ltmp3, $4  }
0x136: {  	v10 =	vmul.f32 v10, v21;
	[tilespmem:v3+s8+$0x0] =	vst.idx.add.f32.msk $0xffff, v5;
	v3 =	vmov v12  }
0x137: {  	v5 =	vmul.f32 v11, v18;
	[tilespmem:v6+s8+$0x0] =	vst.idx.add.f32.msk $0xffff, v15  }
0x138: {  	v13 =	vmul.f32 v13, v17;
	[tilespmem:v7+s8+$0x0] =	vst.idx.add.f32.msk $0xffff, v10  }
0x139: {  	s18 =	sadd.s32 $0x80, s18;
	v12 =	vmul.f32 v14, v19;
	[tilespmem:v8+s8+$0x0] =	vst.idx.add.f32.msk $0xffff, v5  }
0x13a: {  	_ =	sdelay $0x3  }
0x13b: {  	v4 =	vmul.f32 v9, v4;
	[tilespmem:v1+s8+$0x0] =	vst.idx.add.f32.msk $0xffff, v13  }
0x13c: {  	[tilespmem:v2+s8+$0x0] =	vst.idx.add.f32.msk $0xffff, v12  }
0x13d: {  	[tilespmem:v3+s8+$0x0] =	vst.idx.add.f32.msk $0xffff, v4  }
.LBB2_7:
0x13e: {  	s16 =	sshra.s32 s19, $0x2  }
0x13f: {  	v1 =	vld [tilespmem:s16+$0x15B00];
	_ =	sdelay $0x4  }
0x140: {  	v2 =	vand.u32 $0xFFFF, v1;
	_ =	sdelay $0x3  }
0x141: {  	v3 =	vld [tilespmem:s16+$0x19A00]  }
0x142: {  	v4 =	vld.idx.msk [tilespmem:v2+s1+$0x0], $0xffff;
	_ =	sdelay $0x1  }
0x143: {  	v1 =	vshrl.u32 v1, $0x10;
	_ =	sdelay $0x2  }
0x144: {  	v4 =	vmul.f32 v4, v3;
	_ =	sdelay $0x1  }
0x145: {  	[tilespmem:v1+s5+$0x0] =	vst.idx.add.f32.msk $0xffff, v4  }
0x146: {  	v4 =	vld.idx.msk [tilespmem:v2+s22+$0x0], $0xffff;
	_ =	sdelay $0x4  }
0x147: {  	v4 =	vmul.f32 v4, v3;
	_ =	sdelay $0x1  }
0x148: {  	[tilespmem:v1+s6+$0x0] =	vst.idx.add.f32.msk $0xffff, v4  }
0x149: {  	v4 =	vld.idx.msk [tilespmem:v2+s23+$0x0], $0xffff;
	_ =	sdelay $0x4  }
0x14a: {  	v4 =	vmul.f32 v4, v3;
	_ =	sdelay $0x1  }
0x14b: {  	[tilespmem:v1+s7+$0x0] =	vst.idx.add.f32.msk $0xffff, v4  }
0x14c: {  	v2 =	vld.idx.msk [tilespmem:v2+s24+$0x0], $0xffff;
	_ =	sdelay $0x1  }
0x14d: {  	p0 =	sne.s32 s19, $0xC0  }
.Ltmp4:
0x14e: {  	_ = 	snop;
	(pc) =	sbr.rel @p0 .LBB2_7-.Ltmp4, $3  }
0x14f: {  	_ = 	snop  }
0x150: {  	v2 =	vmul.f32 v2, v3;
	_ =	sdelay $0x1  }
0x151: {  	s19 =	sadd.s32 $0x40, s19;
	[tilespmem:v1+s8+$0x0] =	vst.idx.add.f32.msk $0xffff, v2  }
0x152: {  	p0 =	seq.s32 s15, $0x9  }
0x153: {  	s16 =	smul.u32 @!p0 $0x3E80, s15;
	_ =	sdelay $0x1  }
0x154: {  	s16 =	sadd.s32 @!p0 s16, s13  }
0x155: {  	s16 =	sshrl.u32 @!p0 s16, $0x3  }
0x156: {  	s18 =	simm.s32 @!p0 $0x0;
	s19 =	simm.s32 @!p0 $0x13C00;
	s17 =	sadd.s32 @!p0 s3, s16  }
0x157: {  	[tilespmem:s19], [sflag:$0x1] =	stream.linear.gather @!p0 [hbm4b:s17+s18], $0x1F40, $0x38;
	[tilespmem:$0x1BA00] =	vst v63  }
0x158: {  	s16 =	sadd.s32 @!p0 s4, s16;
	s17 =	simm.s32 @!p0 $0x17B00  }
0x159: {  	[tilespmem:s17], [sflag:$0x2] =	stream.linear.gather @!p0 [hbm4b:s16+s18], $0x1F40, $0x38;
	[tilespmem:$0x1BA00] =	vst v63  }
0x15a: {  	_ =	swait.ge [sflag:s9], $0x1F40  }
0x15b: {  	[sflag:s9] =	ssyncset.done $0x0  }
0x15c: {  	[sflag:s9] =	ssyncadd.s32 $0xFFFFE0C0  }
0x15d: {  	_ =	swait.ge [sflag:s10], $0x1F40  }
0x15e: {  	[sflag:s10] =	ssyncset.done $0x0  }
0x15f: {  	s19 =	simm.s32 $0x15BC0;
	[sflag:s10] =	ssyncadd.s32 $0xFFFFE0C0  }
0x160: {  	v1 =	vld [tilespmem:s19+$0x30]  }
0x161: {  	v2 =	vld [tilespmem:s19+$0xFFFFFFD0]  }
0x162: {  	v3 =	vld [tilespmem:s19+$0xFFFFFFE0]  }
0x163: {  	v4 =	vld [tilespmem:s19+$0xFFFFFFF0]  }
0x164: {  	v5 =	vld [tilespmem:s19+$0x0]  }
0x165: {  	v7 =	vld [tilespmem:s19+$0x10]  }
0x166: {  	v9 =	vld [tilespmem:s19+$0xFFFFFFC0]  }
0x167: {  	s17 =	simm.s32 $0x19AC0;
	v11 =	vld [tilespmem:s19+$0x20];
	v6 =	vand.u32 $0xFFFF, v1  }
0x168: {  	v16 =	vld [tilespmem:s17+$0x30]  }
0x169: {  	v26 =	vld [tilespmem:s17+$0xFFFFFFC0]  }
0x16a: {  	v27 =	vld [tilespmem:s17+$0xFFFFFFD0]  }
0x16b: {  	s16 =	simm.s32 $0x0;
	v28 =	vld [tilespmem:s17+$0xFFFFFFE0]  }
0x16c: {  	v8 =	vand.u32 $0xFFFF, v2;
	v14 =	vld.idx.msk [tilespmem:v6+s16+$0x0], $0xffff  }
0x16d: {  	v29 =	vld [tilespmem:s17+$0xFFFFFFF0];
	v10 =	vand.u32 $0xFFFF, v3  }
0x16e: {  	v31 =	vld [tilespmem:s17+$0x0];
	v20 =	vshrl.u32 v1, $0x10  }
0x16f: {  	v33 =	vld [tilespmem:s17+$0x10]  }
0x170: {  	v12 =	vand.u32 $0xFFFF, v4;
	v35 =	vshrl.u32 v4, $0x10;
	v4 =	vld [tilespmem:s17+$0x20]  }
0x171: {  	v15 =	vand.u32 $0xFFFF, v7;
	v18 =	vld.idx.msk [tilespmem:v8+s16+$0x0], $0xffff;
	v1 =	vmul.f32 v14, v16  }
0x172: {  	v13 =	vand.u32 $0xFFFF, v5;
	v19 =	vld.idx.msk [tilespmem:v10+s16+$0x0], $0xffff  }
0x173: {  	v22 =	vand.u32 $0xFFFF, v11;
	[tilespmem:v20+s5+$0x0] =	vst.idx.add.f32.msk $0xffff, v1  }
0x174: {  	v17 =	vand.u32 $0xFFFF, v9;
	v1 =	vld.idx.msk [tilespmem:v6+s22+$0x0], $0xffff  }
0x175: {  	v34 =	vshrl.u32 v3, $0x10;
	v21 =	vld.idx.msk [tilespmem:v12+s16+$0x0], $0xffff  }
0x176: {  	v24 =	vld.idx.msk [tilespmem:v15+s16+$0x0], $0xffff  }
0x177: {  	v23 =	vld.idx.msk [tilespmem:v13+s16+$0x0], $0xffff  }
0x178: {  	v32 =	vshrl.u32 v2, $0x10;
	v2 =	vshrl.u32 v7, $0x10;
	v25 =	vld.idx.msk [tilespmem:v22+s16+$0x0], $0xffff;
	v7 =	vmul.f32 v19, v28  }
0x179: {  	v14 =	vld.idx.msk [tilespmem:v17+s16+$0x0], $0xffff;
	v1 =	vmul.f32 v1, v16  }
0x17a: {  	[tilespmem:v34+s5+$0x0] =	vst.idx.add.f32.msk $0xffff, v7  }
0x17b: {  	v30 =	vshrl.u32 v9, $0x10;
	v7 =	vmul.f32 v24, v33;
	[tilespmem:v20+s6+$0x0] =	vst.idx.add.f32.msk $0xffff, v1  }
0x17c: {  	v1 =	vshrl.u32 v5, $0x10;
	v9 =	vld.idx.msk [tilespmem:v6+s23+$0x0], $0xffff  }
0x17d: {  	[tilespmem:v2+s5+$0x0] =	vst.idx.add.f32.msk $0xffff, v7;
	v5 =	vmul.f32 v18, v27  }
0x17e: {  	v3 =	vmul.f32 v14, v26;
	v62 =	vld.idx.msk [tilespmem:v15+s22+$0x0], $0xffff  }
0x17f: {  	[tilespmem:v32+s5+$0x0] =	vst.idx.add.f32.msk $0xffff, v5;
	v5 =	vmul.f32 v23, v31  }
0x180: {  	v14 =	vmul.f32 v21, v29;
	[tilespmem:v30+s5+$0x0] =	vst.idx.add.f32.msk $0xffff, v3;
	v3 =	vshrl.u32 v11, $0x10  }
0x181: {  	[tilespmem:v1+s5+$0x0] =	vst.idx.add.f32.msk $0xffff, v5;
	v5 =	vmul.f32 v9, v16  }
0x182: {  	[tilespmem:v35+s5+$0x0] =	vst.idx.add.f32.msk $0xffff, v14  }
0x183: {  	v7 =	vmul.f32 v25, v4;
	[tilespmem:v20+s7+$0x0] =	vst.idx.add.f32.msk $0xffff, v5  }
0x184: {  	v5 =	vld.idx.msk [tilespmem:v6+s24+$0x0], $0xffff  }
0x185: {  	[tilespmem:v3+s5+$0x0] =	vst.idx.add.f32.msk $0xffff, v7  }
0x186: {  	v6 =	vld.idx.msk [tilespmem:v17+s22+$0x0], $0xffff  }
0x187: {  	v7 =	vld.idx.msk [tilespmem:v8+s22+$0x0], $0xffff  }
0x188: {  	v9 =	vld.idx.msk [tilespmem:v10+s22+$0x0], $0xffff  }
0x189: {  	v11 =	vld.idx.msk [tilespmem:v12+s22+$0x0], $0xffff;
	v5 =	vmul.f32 v5, v16  }
0x18a: {  	v14 =	vld.idx.msk [tilespmem:v13+s22+$0x0], $0xffff  }
0x18b: {  	v6 =	vmul.f32 v6, v26;
	[tilespmem:v20+s8+$0x0] =	vst.idx.add.f32.msk $0xffff, v5  }
0x18c: {  	v5 =	vmul.f32 v7, v27;
	v7 =	vld.idx.msk [tilespmem:v22+s22+$0x0], $0xffff  }
0x18d: {  	[tilespmem:v30+s6+$0x0] =	vst.idx.add.f32.msk $0xffff, v6;
	v6 =	vmul.f32 v9, v28  }
0x18e: {  	[tilespmem:v32+s6+$0x0] =	vst.idx.add.f32.msk $0xffff, v5;
	v5 =	vmul.f32 v11, v29  }
0x18f: {  	[tilespmem:v34+s6+$0x0] =	vst.idx.add.f32.msk $0xffff, v6;
	v6 =	vmul.f32 v14, v31  }
0x190: {  	[tilespmem:v35+s6+$0x0] =	vst.idx.add.f32.msk $0xffff, v5  }
0x191: {  	[tilespmem:v1+s6+$0x0] =	vst.idx.add.f32.msk $0xffff, v6  }
0x192: {  	v5 =	vmul.f32 v62, v33;
	v6 =	vld.idx.msk [tilespmem:v17+s23+$0x0], $0xffff  }
0x193: {  	v9 =	vld.idx.msk [tilespmem:v12+s23+$0x0], $0xffff  }
0x194: {  	[tilespmem:v2+s6+$0x0] =	vst.idx.add.f32.msk $0xffff, v5;
	v5 =	vmul.f32 v7, v4  }
0x195: {  	v7 =	vld.idx.msk [tilespmem:v10+s23+$0x0], $0xffff  }
0x196: {  	[tilespmem:v3+s6+$0x0] =	vst.idx.add.f32.msk $0xffff, v5  }
0x197: {  	v5 =	vld.idx.msk [tilespmem:v8+s23+$0x0], $0xffff  }
0x198: {  	v11 =	vld.idx.msk [tilespmem:v13+s23+$0x0], $0xffff  }
0x199: {  	v14 =	vld.idx.msk [tilespmem:v15+s23+$0x0], $0xffff;
	v6 =	vmul.f32 v6, v26  }
0x19a: {  	v63 =	vld.idx.msk [tilespmem:v22+s23+$0x0], $0xffff  }
0x19b: {  	[tilespmem:v30+s7+$0x0] =	vst.idx.add.f32.msk $0xffff, v6;
	v7 =	vmul.f32 v7, v28  }
0x19c: {  	v6 =	vld.idx.msk [tilespmem:v17+s24+$0x0], $0xffff;
	v5 =	vmul.f32 v5, v27  }
0x19d: {  	[tilespmem:v34+s7+$0x0] =	vst.idx.add.f32.msk $0xffff, v7;
	v7 =	vmul.f32 v11, v31  }
0x19e: {  	[tilespmem:v32+s7+$0x0] =	vst.idx.add.f32.msk $0xffff, v5;
	v5 =	vmul.f32 v9, v29  }
0x19f: {  	[tilespmem:v1+s7+$0x0] =	vst.idx.add.f32.msk $0xffff, v7;
	v7 =	vmul.f32 v63, v4  }
0x1a0: {  	[tilespmem:v35+s7+$0x0] =	vst.idx.add.f32.msk $0xffff, v5;
	v5 =	vmul.f32 v14, v33  }
0x1a1: {  	[tilespmem:v3+s7+$0x0] =	vst.idx.add.f32.msk $0xffff, v7  }
0x1a2: {  	[tilespmem:v2+s7+$0x0] =	vst.idx.add.f32.msk $0xffff, v5  }
0x1a3: {  	v5 =	vld.idx.msk [tilespmem:v8+s24+$0x0], $0xffff  }
0x1a4: {  	v7 =	vld.idx.msk [tilespmem:v10+s24+$0x0], $0xffff  }
0x1a5: {  	v8 =	vld.idx.msk [tilespmem:v12+s24+$0x0], $0xffff  }
0x1a6: {  	v10 =	vld.idx.msk [tilespmem:v13+s24+$0x0], $0xffff  }
0x1a7: {  	v6 =	vmul.f32 v6, v26;
	v12 =	vld.idx.msk [tilespmem:v15+s24+$0x0], $0xffff  }
0x1a8: {  	v9 =	vld.idx.msk [tilespmem:v22+s24+$0x0], $0xffff;
	v5 =	vmul.f32 v5, v27  }
0x1a9: {  	[tilespmem:v30+s8+$0x0] =	vst.idx.add.f32.msk $0xffff, v6;
	v6 =	vmul.f32 v7, v28  }
0x1aa: {  	[tilespmem:v32+s8+$0x0] =	vst.idx.add.f32.msk $0xffff, v5;
	v5 =	vmul.f32 v8, v29  }
0x1ab: {  	[tilespmem:v34+s8+$0x0] =	vst.idx.add.f32.msk $0xffff, v6  }
0x1ac: {  	s18 =	simm.s32 $0x0;
	s19 =	simm.s32 $0x15C40;
	v11 =	vmul.f32 v10, v31;
	v14 =	vmul.f32 v12, v33;
	[tilespmem:v35+s8+$0x0] =	vst.idx.add.f32.msk $0xffff, v5  }
.LBB2_9:
0x1ad: {  	v17 =	vld [tilespmem:s19+$0x30];
	s18 =	sadd.s32 $0x8, s18;
	v5 =	vmul.f32 v9, v4  }
0x1ae: {  	v4 =	vld [tilespmem:s19+$0xFFFFFFD0];
	p1 =	slt.u32 s18, $0x1E8  }
0x1af: {  	v8 =	vld [tilespmem:s19+$0xFFFFFFE0]  }
0x1b0: {  	v12 =	vld [tilespmem:s19+$0xFFFFFFF0]  }
0x1b1: {  	v13 =	vld [tilespmem:s19+$0x0]  }
0x1b2: {  	v15 =	vld [tilespmem:s19+$0x10];
	v22 =	vand.u32 $0xFFFF, v17  }
0x1b3: {  	v6 =	vshrl.u32 v4, $0x10;
	v9 =	vand.u32 $0xFFFF, v4;
	v4 =	vld [tilespmem:s19+$0x20]  }
0x1b4: {  	v18 =	vld [tilespmem:s19+$0xFFFFFFC0];
	v7 =	vshrl.u32 v8, $0x10;
	v10 =	vand.u32 $0xFFFF, v8  }
0x1b5: {  	v8 =	vshrl.u32 v12, $0x10;
	v12 =	vand.u32 $0xFFFF, v12;
	[tilespmem:v1+s8+$0x0] =	vst.idx.add.f32.msk $0xffff, v11  }
0x1b6: {  	v1 =	vshrl.u32 v13, $0x10;
	v13 =	vand.u32 $0xFFFF, v13;
	[tilespmem:v2+s8+$0x0] =	vst.idx.add.f32.msk $0xffff, v14  }
0x1b7: {  	s17 =	sadd.s32 $0x80, s17;
	v2 =	vshrl.u32 v15, $0x10;
	v14 =	vand.u32 $0xFFFF, v15;
	v19 =	vld.idx.msk [tilespmem:v22+s16+$0x0], $0xffff  }
0x1b8: {  	v11 =	vshrl.u32 v4, $0x10;
	v15 =	vand.u32 $0xFFFF, v4;
	v23 =	vld [tilespmem:s17+$0x30]  }
0x1b9: {  	v16 =	vshrl.u32 v18, $0x10;
	v24 =	vand.u32 $0xFFFF, v18;
	v4 =	vld.idx.msk [tilespmem:v9+s16+$0x0], $0xffff  }
0x1ba: {  	v26 =	vshrl.u32 v17, $0x10;
	v25 =	vld.idx.msk [tilespmem:v10+s16+$0x0], $0xffff  }
0x1bb: {  	v27 =	vld.idx.msk [tilespmem:v12+s16+$0x0], $0xffff  }
0x1bc: {  	v28 =	vld.idx.msk [tilespmem:v13+s16+$0x0], $0xffff  }
0x1bd: {  	v29 =	vld.idx.msk [tilespmem:v14+s16+$0x0], $0xffff;
	v17 =	vmul.f32 v19, v23  }
0x1be: {  	v19 =	vld.idx.msk [tilespmem:v24+s16+$0x0], $0xffff  }
0x1bf: {  	[tilespmem:v26+s5+$0x0] =	vst.idx.add.f32.msk $0xffff, v17  }
0x1c0: {  	v30 =	vld.idx.msk [tilespmem:v22+s22+$0x0], $0xffff  }
0x1c1: {  	v31 =	vld.idx.msk [tilespmem:v15+s16+$0x0], $0xffff  }
0x1c2: {  	v32 =	vld [tilespmem:s17+$0xFFFFFFC0]  }
0x1c3: {  	v20 =	vld [tilespmem:s17+$0xFFFFFFD0]  }
0x1c4: {  	v21 =	vld [tilespmem:s17+$0xFFFFFFE0]  }
0x1c5: {  	v18 =	vld [tilespmem:s17+$0xFFFFFFF0]  }
0x1c6: {  	v30 =	vmul.f32 v30, v23;
	v17 =	vld [tilespmem:s17+$0x0]  }
0x1c7: {  	v33 =	vmul.f32 v19, v32;
	v19 =	vld [tilespmem:s17+$0x10]  }
0x1c8: {  	v34 =	vmul.f32 v4, v20;
	[tilespmem:v26+s6+$0x0] =	vst.idx.add.f32.msk $0xffff, v30  }
0x1c9: {  	v25 =	vmul.f32 v25, v21;
	v30 =	vld.idx.msk [tilespmem:v22+s23+$0x0], $0xffff  }
0x1ca: {  	v27 =	vmul.f32 v27, v18;
	v4 =	vld [tilespmem:s17+$0x20]  }
0x1cb: {  	[tilespmem:v16+s5+$0x0] =	vst.idx.add.f32.msk $0xffff, v33;
	v28 =	vmul.f32 v28, v17  }
0x1cc: {  	[tilespmem:v6+s5+$0x0] =	vst.idx.add.f32.msk $0xffff, v34;
	v29 =	vmul.f32 v29, v19  }
0x1cd: {  	[tilespmem:v7+s5+$0x0] =	vst.idx.add.f32.msk $0xffff, v25  }
0x1ce: {  	[tilespmem:v8+s5+$0x0] =	vst.idx.add.f32.msk $0xffff, v27  }
0x1cf: {  	v27 =	vmul.f32 v30, v23;
	[tilespmem:v1+s5+$0x0] =	vst.idx.add.f32.msk $0xffff, v28;
	v25 =	vmul.f32 v31, v4  }
0x1d0: {  	[tilespmem:v2+s5+$0x0] =	vst.idx.add.f32.msk $0xffff, v29  }
0x1d1: {  	[tilespmem:v26+s7+$0x0] =	vst.idx.add.f32.msk $0xffff, v27  }
0x1d2: {  	v22 =	vld.idx.msk [tilespmem:v22+s24+$0x0], $0xffff  }
0x1d3: {  	[tilespmem:v11+s5+$0x0] =	vst.idx.add.f32.msk $0xffff, v25  }
0x1d4: {  	v25 =	vld.idx.msk [tilespmem:v24+s22+$0x0], $0xffff  }
0x1d5: {  	v27 =	vld.idx.msk [tilespmem:v9+s22+$0x0], $0xffff  }
0x1d6: {  	v28 =	vld.idx.msk [tilespmem:v10+s22+$0x0], $0xffff  }
0x1d7: {  	v29 =	vld.idx.msk [tilespmem:v12+s22+$0x0], $0xffff  }
0x1d8: {  	v22 =	vmul.f32 v22, v23;
	v30 =	vld.idx.msk [tilespmem:v13+s22+$0x0], $0xffff  }
0x1d9: {  	v23 =	vld.idx.msk [tilespmem:v14+s22+$0x0], $0xffff  }
0x1da: {  	v25 =	vmul.f32 v25, v32;
	[tilespmem:v26+s8+$0x0] =	vst.idx.add.f32.msk $0xffff, v22  }
0x1db: {  	v22 =	vmul.f32 v27, v20;
	v26 =	vld.idx.msk [tilespmem:v15+s22+$0x0], $0xffff  }
0x1dc: {  	[tilespmem:v16+s6+$0x0] =	vst.idx.add.f32.msk $0xffff, v25;
	v25 =	vmul.f32 v28, v21  }
0x1dd: {  	[tilespmem:v6+s6+$0x0] =	vst.idx.add.f32.msk $0xffff, v22;
	v22 =	vmul.f32 v29, v18  }
0x1de: {  	[tilespmem:v7+s6+$0x0] =	vst.idx.add.f32.msk $0xffff, v25;
	v25 =	vmul.f32 v30, v17  }
0x1df: {  	[tilespmem:v8+s6+$0x0] =	vst.idx.add.f32.msk $0xffff, v22;
	v22 =	vmul.f32 v23, v19  }
0x1e0: {  	[tilespmem:v1+s6+$0x0] =	vst.idx.add.f32.msk $0xffff, v25  }
0x1e1: {  	[tilespmem:v2+s6+$0x0] =	vst.idx.add.f32.msk $0xffff, v22;
	v22 =	vmul.f32 v26, v4  }
0x1e2: {  	v23 =	vld.idx.msk [tilespmem:v24+s23+$0x0], $0xffff  }
0x1e3: {  	[tilespmem:v11+s6+$0x0] =	vst.idx.add.f32.msk $0xffff, v22  }
0x1e4: {  	v22 =	vld.idx.msk [tilespmem:v9+s23+$0x0], $0xffff  }
0x1e5: {  	v25 =	vld.idx.msk [tilespmem:v10+s23+$0x0], $0xffff  }
0x1e6: {  	v26 =	vld.idx.msk [tilespmem:v12+s23+$0x0], $0xffff  }
0x1e7: {  	v27 =	vld.idx.msk [tilespmem:v13+s23+$0x0], $0xffff  }
0x1e8: {  	v23 =	vmul.f32 v23, v32;
	v28 =	vld.idx.msk [tilespmem:v14+s23+$0x0], $0xffff  }
0x1e9: {  	v29 =	vld.idx.msk [tilespmem:v15+s23+$0x0], $0xffff  }
0x1ea: {  	v22 =	vmul.f32 v22, v20;
	[tilespmem:v16+s7+$0x0] =	vst.idx.add.f32.msk $0xffff, v23  }
0x1eb: {  	v23 =	vld.idx.msk [tilespmem:v24+s24+$0x0], $0xffff;
	v24 =	vmul.f32 v25, v21  }
0x1ec: {  	[tilespmem:v6+s7+$0x0] =	vst.idx.add.f32.msk $0xffff, v22;
	v22 =	vmul.f32 v26, v18  }
0x1ed: {  	[tilespmem:v7+s7+$0x0] =	vst.idx.add.f32.msk $0xffff, v24;
	v24 =	vmul.f32 v27, v17  }
0x1ee: {  	[tilespmem:v8+s7+$0x0] =	vst.idx.add.f32.msk $0xffff, v22;
	v22 =	vmul.f32 v28, v19  }
0x1ef: {  	[tilespmem:v1+s7+$0x0] =	vst.idx.add.f32.msk $0xffff, v24;
	v24 =	vmul.f32 v29, v4  }
0x1f0: {  	[tilespmem:v2+s7+$0x0] =	vst.idx.add.f32.msk $0xffff, v22  }
0x1f1: {  	v22 =	vmul.f32 v23, v32;
	[tilespmem:v11+s7+$0x0] =	vst.idx.add.f32.msk $0xffff, v24  }
0x1f2: {  	v23 =	vld.idx.msk [tilespmem:v9+s24+$0x0], $0xffff  }
0x1f3: {  	v10 =	vld.idx.msk [tilespmem:v10+s24+$0x0], $0xffff  }
0x1f4: {  	v12 =	vld.idx.msk [tilespmem:v12+s24+$0x0], $0xffff  }
0x1f5: {  	v13 =	vld.idx.msk [tilespmem:v13+s24+$0x0], $0xffff  }
0x1f6: {  	v14 =	vld.idx.msk [tilespmem:v14+s24+$0x0], $0xffff  }
0x1f7: {  	v9 =	vld.idx.msk [tilespmem:v15+s24+$0x0], $0xffff  }
.Ltmp5:
0x1f8: {  	v15 =	vmul.f32 v23, v20;
	[tilespmem:v16+s8+$0x0] =	vst.idx.add.f32.msk $0xffff, v22;
	(pc) =	sbr.rel @p1 .LBB2_9-.Ltmp5, $4  }
0x1f9: {  	v10 =	vmul.f32 v10, v21;
	[tilespmem:v3+s8+$0x0] =	vst.idx.add.f32.msk $0xffff, v5;
	v3 =	vmov v11  }
0x1fa: {  	v5 =	vmul.f32 v12, v18;
	[tilespmem:v6+s8+$0x0] =	vst.idx.add.f32.msk $0xffff, v15  }
0x1fb: {  	v11 =	vmul.f32 v13, v17;
	[tilespmem:v7+s8+$0x0] =	vst.idx.add.f32.msk $0xffff, v10  }
0x1fc: {  	s19 =	sadd.s32 $0x80, s19;
	v14 =	vmul.f32 v14, v19;
	[tilespmem:v8+s8+$0x0] =	vst.idx.add.f32.msk $0xffff, v5  }
0x1fd: {  	_ =	sdelay $0x3  }
0x1fe: {  	v4 =	vmul.f32 v9, v4;
	[tilespmem:v1+s8+$0x0] =	vst.idx.add.f32.msk $0xffff, v11  }
0x1ff: {  	[tilespmem:v2+s8+$0x0] =	vst.idx.add.f32.msk $0xffff, v14  }
0x200: {  	[tilespmem:v3+s8+$0x0] =	vst.idx.add.f32.msk $0xffff, v4  }
.LBB2_11:
0x201: {  	s17 =	sshra.s32 s16, $0x2  }
0x202: {  	v1 =	vld [tilespmem:s17+$0x17A80];
	_ =	sdelay $0x4  }
0x203: {  	v2 =	vand.u32 $0xFFFF, v1;
	_ =	sdelay $0x3  }
0x204: {  	v3 =	vld [tilespmem:s17+$0x1B980]  }
0x205: {  	v4 =	vld.idx.msk [tilespmem:v2+s1+$0x0], $0xffff;
	_ =	sdelay $0x1  }
0x206: {  	v1 =	vshrl.u32 v1, $0x10;
	_ =	sdelay $0x2  }
0x207: {  	v4 =	vmul.f32 v4, v3;
	_ =	sdelay $0x1  }
0x208: {  	[tilespmem:v1+s5+$0x0] =	vst.idx.add.f32.msk $0xffff, v4  }
0x209: {  	v4 =	vld.idx.msk [tilespmem:v2+s22+$0x0], $0xffff;
	_ =	sdelay $0x4  }
0x20a: {  	v4 =	vmul.f32 v4, v3;
	_ =	sdelay $0x1  }
0x20b: {  	[tilespmem:v1+s6+$0x0] =	vst.idx.add.f32.msk $0xffff, v4  }
0x20c: {  	v4 =	vld.idx.msk [tilespmem:v2+s23+$0x0], $0xffff;
	_ =	sdelay $0x4  }
0x20d: {  	v4 =	vmul.f32 v4, v3;
	_ =	sdelay $0x1  }
0x20e: {  	[tilespmem:v1+s7+$0x0] =	vst.idx.add.f32.msk $0xffff, v4  }
0x20f: {  	v2 =	vld.idx.msk [tilespmem:v2+s24+$0x0], $0xffff;
	_ =	sdelay $0x1  }
0x210: {  	p1 =	sne.s32 s16, $0xC0  }
.Ltmp6:
0x211: {  	_ = 	snop;
	(pc) =	sbr.rel @p1 .LBB2_11-.Ltmp6, $3  }
0x212: {  	_ = 	snop  }
0x213: {  	v2 =	vmul.f32 v2, v3;
	_ =	sdelay $0x1  }
0x214: {  	s16 =	sadd.s32 $0x40, s16;
	[tilespmem:v1+s8+$0x0] =	vst.idx.add.f32.msk $0xffff, v2  }
.Ltmp7:
0x215: {  	(pc) =	sbr.rel @p0 .LBB2_14-.Ltmp7, $1  }
0x216: {  	_ =	sdelay $0x3  }
0x217: {  	s16 =	smul.u32 $0x3E80, s15;
	_ =	sdelay $0x1  }
0x218: {  	s16 =	sadd.s32 s16, s14  }
.Ltmp8:
0x219: {  	s16 =	sshrl.u32 s16, $0x3;
	(pc) =	sbr.rel .LBB2_4-.Ltmp8, $4  }
0x21a: {  	s17 =	sadd.s32 s3, s16  }
0x21b: {  	[tilespmem:s28], [sflag:$0x3] =	stream.linear.gather [hbm4b:s17+s1], $0x1F40, $0x38;
	[tilespmem:$0x1BA00] =	vst v63  }
0x21c: {  	s15 =	sadd.s32 $0x1, s15;
	s16 =	sadd.s32 s4, s16  }
0x21d: {  	[tilespmem:s29], [sflag:$0x4] =	stream.linear.gather [hbm4b:s16+s1], $0x1F40, $0x38;
	[tilespmem:$0x1BA00] =	vst v63  }
.LBB2_15:
0x21e: {  	_ =	sfence.sel $0x180000  }
0x21f: {  	[bflag:$0x0] =	sbarrier.arrive $0xFFFF  }
0x220: {  	_ =	strace $0x9000004D  }
0x221: {  	s0 =	stileid.u32;
	[bflag:$0x2] =	sbarrier.arrive $0xFFFF  }
0x222: {  	p0 =	sne.s32 s0, $0x0;
	s0 =	rddreg [dreg:$0x1]  }
0x223: {  	s0 =	sadd.s32 @!p0 $0x100000, s0  }
0x224: {  	[sflag:s0] =	ssyncadd.tile.s32 @!p0 $0x1;
	_ =	shalt  }
.Lfunc_end2:
_tile_overlayer_lowered:
.L_overlay_start_2:
0x225: {  	(tag) =	ssettag $0x2  }
0x226: {  	s0 =	rddreg [dreg:$0x0];
	s2 =	stileid.u32  }
0x227: {  	s1 =	rddreg [dreg:$0x1];
	p0 =	sne.s32 s2, $0x0  }
0x228: {  	s3 =	rddreg [dreg:$0x2];
	[bflag:$0x3] =	sbarrier.arrive $0xFFFF;
	s2 =	simm.s32 @!p0 $0x1C09  }
0x229: {  	[timem:s3], [sflag:s2] =	dma.local @!p0 [hbm:s0], s1  }
0x22a: {  	s0 =	simm.s32 @!p0 $0x9  }
0x22b: {  	_ =	swait.ge @!p0 [sflag:s0], s1  }
0x22c: {  	s1 =	ssub.s32 @!p0 $0x0, s1;
	[sflag:s0] =	ssyncset.done @!p0 $0x0  }
0x22d: {  	[sflag:s0] =	ssyncadd.s32 @!p0 s1  }
0x22e: {  	[bflag:$0x3] =	sbarrier.arrive $0xFFFF  }
0x22f: {  	_ =	shalt  }

// kernel: kernel.18.cloned.1.call-start
scs
__scs_entry_jumppad:
0x0: {  	(pc) =	sbr.rel $0x88, $3  }
0x1: {  	(tag) =	ssettag $0x0;
	lr =	simm.s32 $0x1  }
0x2: {  	[smem:$0x3F90] =	sst lr;
	_ =	strace $0xD0000000  }
0x3: {  	_ = 	snop  }
0x4: {  	_ = 	snop  }
0x5: {  	_ = 	snop  }
0x6: {  	_ = 	snop  }
0x7: {  	_ = 	snop  }
__scs_overlays_trampoline_lowered:
0x8: {  	[smem:$0x3F9F] =	sst s0  }
0x9: {  	[smem:$0x3FA0] =	sst s1  }
0xa: {  	[smem:$0x3FA1] =	sst s2  }
0xb: {  	[smem:$0x3FA2] =	sst s3  }
0xc: {  	[smem:$0x3FA3] =	sst s4  }
0xd: {  	[smem:$0x3FA4] =	sst s5  }
0xe: {  	[smem:$0x3FA5] =	sst s6  }
0xf: {  	[smem:$0x3FA6] =	sst s7  }
0x10: {  	[smem:$0x3FA7] =	sst s8  }
0x11: {  	[smem:$0x3FA8] =	sst s9;
	s0 =	simm.s32 @!p0 $0x0  }
0x12: {  	s1 =	sld [smem:$0x3F8E];
	s0 =	simm.s32 @p0 $0x1  }
0x13: {  	[smem:$0x3FA9] =	sst s0;
	s0 =	simm.s32 @!p1 $0x0  }
0x14: {  	s2 =	sld [smem:$0x3F8D];
	s0 =	simm.s32 @p1 $0x1  }
0x15: {  	[smem:$0x3FAA] =	sst s0;
	s0 =	simm.s32 @!p2 $0x0  }
0x16: {  	s3 =	sld [smem:$0x3FDB];
	s0 =	simm.s32 @p2 $0x1  }
0x17: {  	s4 =	simm.s32 $0x1BF5;
	[smem:$0x3FAC] =	sst s0  }
0x18: {  	s0 =	sld [smem:$0x3F8F];
	_ =	swait.ge [sflag:s4], $0x0  }
0x19: {  	s7 =	sld [smem:$0x3F90]  }
0x1a: {  	s8 =	sadd.s32 $0xFFFFE003, lr  }
0x1b: {  	s9 =	sadd.s32 $0xFFFFFEF7, lr;
	s5 =	simm.s32 $0xFFFFFFFF;
	p2 =	slt.u32 s8, $0xFFFFF086  }
0x1c: {  	p1 =	slt.u32 s9, $0xF7A;
	s5 =	simm.s32 @!p2 $0x0  }
0x1d: {  	s5 =	simm.s32 @p1 $0x1;
	p0 =	seq.s32 s7, s2  }
0x1e: {  	s7 =	smul.u32 @!p0 $0xF7A, s2;
	p2 =	seq.s32 @!p0 s5, $0x0  }
0x1f: {  	s9 =	smul.u32 $0xF7A, s1;
	s8 =	simm.s32 @!p0 $0x1BF5;
	p2 =	por !p2, p0  }
0x20: {  	[sflag:s8] =	ssyncset.s32 @!p0 $0xFFFFF086;
	s6 =	sadd.s32 @!p0 s3, s7;
	s7 =	simm.s32 @!p0 $0x108  }
0x21: {  	s3 =	sadd.s32 s3, s9;
	s6 =	sadd.s32 @!p0 $0x88, s6;
	s7 =	simm.s32 @p2 $0x1082  }
0x22: {  	[simem:s7], [sflag:s8] =	dma.local @!p0 [hbm:s6], $0xF7A  }
0x23: {  	s9 =	sor.u32 $0xD0000000, s2;
	s6 =	simm.s32 $0x108;
	_ =	swait.ge @!p0 [sflag:s8], $0x0  }
0x24: {  	s3 =	sadd.s32 $0x88, s3;
	s6 =	simm.s32 @!p1 $0x1082;
	[sflag:s4] =	ssyncset.s32 $0xFFFFF086  }
0x25: {  	[simem:s6], [sflag:s4] =	dma.local [hbm:s3], $0xF7A  }
0x26: {  	[smem:$0x3F90] =	sst s1;
	(tag) =	ssettag s2;
	_ =	strace s9  }
0x27: {  	s1 =	sld [smem:$0x3FA0]  }
0x28: {  	s2 =	sld [smem:$0x3FA1]  }
0x29: {  	s4 =	sld [smem:$0x3FA3]  }
0x2a: {  	p0 =	seq.s32 s5, $0x0;
	s5 =	sld [smem:$0x3FA4]  }
0x2b: {  	s6 =	sld [smem:$0x3FA5]  }
0x2c: {  	s7 =	sld [smem:$0x3FA6]  }
0x2d: {  	s3 =	simm.s32 $0x108;
	s8 =	sld [smem:$0x3FA7]  }
0x2e: {  	s3 =	simm.s32 @!p0 $0x1082;
	s9 =	sld [smem:$0x3FA8]  }
0x2f: {  	lr =	sadd.s32 s0, s3;
	s0 =	sld [smem:$0x3F9F]  }
0x30: {  	s3 =	sld [smem:$0x3FA2]  }
0x31: {  	[smem:$0x3FAB] =	sst s10  }
0x32: {  	s10 =	sld [smem:$0x3FA9];
	_ =	sdelay $0x3  }
0x33: {  	p0 =	seq.s32 s10, $0x1;
	s10 =	sld [smem:$0x3FAB];
	_ =	sdelay $0x3  }
0x34: {  	[smem:$0x3FAB] =	sst s10  }
0x35: {  	s10 =	sld [smem:$0x3FAA];
	_ =	sdelay $0x3  }
0x36: {  	p1 =	seq.s32 s10, $0x1;
	s10 =	sld [smem:$0x3FAB];
	_ =	sdelay $0x3  }
0x37: {  	[smem:$0x3FAB] =	sst s10  }
0x38: {  	s10 =	sld [smem:$0x3FAC]  }
0x39: {  	_ = 	snop;
	(pc) =	sbr.ind lr, $3  }
0x3a: {  	_ = 	snop  }
0x3b: {  	_ = 	snop  }
0x3c: {  	p2 =	seq.s32 s10, $0x1;
	s10 =	sld [smem:$0x3FAB]  }
0x3d: {  	_ =	shalt  }
0x3e: {  	_ =	shalt  }
0x3f: {  	_ =	shalt  }
0x40: {  	_ =	shalt  }
0x41: {  	_ =	shalt  }
0x42: {  	_ =	shalt  }
0x43: {  	_ =	shalt  }
0x44: {  	_ =	shalt  }
0x45: {  	_ =	shalt  }
0x46: {  	_ =	shalt  }
0x47: {  	_ =	shalt  }
0x48: {  	_ =	shalt  }
0x49: {  	_ =	shalt  }
0x4a: {  	_ =	shalt  }
0x4b: {  	_ =	shalt  }
0x4c: {  	_ =	shalt  }
0x4d: {  	_ =	shalt  }
0x4e: {  	_ =	shalt  }
0x4f: {  	_ =	shalt  }
0x50: {  	_ =	shalt  }
0x51: {  	_ =	shalt  }
0x52: {  	_ =	shalt  }
0x53: {  	_ =	shalt  }
0x54: {  	_ =	shalt  }
0x55: {  	_ =	shalt  }
0x56: {  	_ =	shalt  }
0x57: {  	_ =	shalt  }
0x58: {  	_ =	shalt  }
0x59: {  	_ =	shalt  }
0x5a: {  	_ =	shalt  }
0x5b: {  	_ =	shalt  }
0x5c: {  	_ =	shalt  }
0x5d: {  	_ =	shalt  }
0x5e: {  	_ =	shalt  }
0x5f: {  	_ =	shalt  }
0x60: {  	_ =	shalt  }
0x61: {  	_ =	shalt  }
0x62: {  	_ =	shalt  }
0x63: {  	_ =	shalt  }
0x64: {  	_ =	shalt  }
0x65: {  	_ =	shalt  }
0x66: {  	_ =	shalt  }
0x67: {  	_ =	shalt  }
0x68: {  	_ =	shalt  }
0x69: {  	_ =	shalt  }
0x6a: {  	_ =	shalt  }
0x6b: {  	_ =	shalt  }
0x6c: {  	_ =	shalt  }
0x6d: {  	_ =	shalt  }
0x6e: {  	_ =	shalt  }
0x6f: {  	_ =	shalt  }
0x70: {  	_ =	shalt  }
0x71: {  	_ =	shalt  }
0x72: {  	_ =	shalt  }
0x73: {  	_ =	shalt  }
0x74: {  	_ =	shalt  }
0x75: {  	_ =	shalt  }
0x76: {  	_ =	shalt  }
0x77: {  	_ =	shalt  }
0x78: {  	_ =	shalt  }
0x79: {  	_ =	shalt  }
0x7a: {  	_ =	shalt  }
0x7b: {  	_ =	shalt  }
0x7c: {  	_ =	shalt  }
0x7d: {  	_ =	shalt  }
0x7e: {  	_ =	shalt  }
0x7f: {  	_ =	shalt  }
0x80: {  	_ =	shalt  }
0x81: {  	_ =	shalt  }
0x82: {  	_ =	shalt  }
0x83: {  	_ =	shalt  }
0x84: {  	_ =	shalt  }
0x85: {  	_ =	shalt  }
0x86: {  	_ =	shalt  }
0x87: {  	_ =	shalt  }
.Lfunc_end0:
.L_simem_size_0:
called_computation.3_lowered:
.L_overlay_start_0:
0x88: {  	s2 =	sld [smem:$0x3FD9]  }
0x89: {  	s3 =	sld [smem:$0x3FFE];
	_ =	sdelay $0x1  }
0x8a: {  	s1 =	srdreg.scid  }
0x8b: {  	s0 =	sand.u32 $0x1, s1  }
0x8c: {  	s16 =	sshll.u32 s0, $0xA;
	s2 =	sadd.s32 s3, s2  }
0x8d: {  	s2 =	sadd.s32 s2, s16  }
0x8e: {  	[smem:$0x3FB7] =	sst s2  }
0x8f: {  	_ = 	snop  }
0x90: {  	(tm) =	ssettm $0x1  }
0x91: {  	s17 =	sld [smem:$0x3FFB];
	_ =	sdelay $0x3  }
0x92: {  	_ =	strace s17  }
0x93: {  	s2 =	sld [smem:$0x3FFC];
	_ =	sdelay $0x3  }
0x94: {  	_ =	strace s2  }
0x95: {  	s2 =	sld [smem:$0x3FFD];
	_ =	sdelay $0x3  }
0x96: {  	_ =	strace s2  }
0x97: {  	_ =	strace $0x8FFFFFFF  }
0x98: {  	s18 =	sld [smem:$0x3FDB];
	_ =	sdelay $0x1  }
0x99: {  	s19 =	simm.s32 $_scs_section_size  }
0x9a: {  	s4 =	simm.s32 $_size__tile_overlayer_lowered;
	s5 =	simm.s32 $_tile_overlayer_lowered  }
0x9b: {  	s22 =	simm.s32 $0x1BFF;
	s21 =	sshll.u32 s5, $0x1;
	s2 =	sadd.s32 s19, s18  }
0x9c: {  	s6 =	simm.s32 $0x0;
	s20 =	sshll.u32 s4, $0x1;
	s4 =	sadd.s32 s21, s2  }
0x9d: {  	[timem:s6], [sflag:s22] =	dma.local [hbm:s4], s20  }
0x9e: {  	_ =	swait.ge [sflag:s22], s20  }
0x9f: {  	s3 =	ssub.s32 $0x0, s20;
	[sflag:s22] =	ssyncset.done $0x0  }
0xa0: {  	[sflag:s22] =	ssyncadd.s32 s3;
	_ =	sdelay $0x1  }
0xa1: {  	s23 =	simm.s32 $0x1B8B  }
0xa2: {  	_ =	swait.ge [sflag:s23], $0x1  }
0xa3: {  	[sflag:s23] =	ssyncset.done $0x0  }
0xa4: {  	s25 =	simm.s32 $0x1B8E;
	s24 =	sld [smem:$0x3FFE];
	[sflag:s23] =	ssyncadd.s32 $0xFFFFFFFF  }
0xa5: {  	s26 =	simm.s32 $execute0_lowered;
	[smem:$0x3FD2] =	sst s25  }
0xa6: {  	s4 =	sshll.u32 s26, $0x1;
	_ =	strace $0x8000004F;
	[dreg:$0x1] =	wrdreg $0xFFFFFFFF  }
0xa7: {  	s28 =	simm.s32 $_size_execute0_lowered;
	s2 =	sadd.s32 s2, s4;
	[dreg:$0x0] =	wrdreg $0x0  }
0xa8: {  	s4 =	sshll.u32 s28, $0x1;
	[dreg:$0x2] =	wrdreg s2  }
0xa9: {  	[dreg:$0x3] =	wrdreg s4  }
0xaa: {  	[dreg:$0x4] =	wrdreg $0xC0  }
0xab: {  	_ =	task [dreg:s6], $0x5FFFF  }
0xac: {  	[dreg:$0x1] =	wrdreg $0xFFFFFFFF  }
0xad: {  	[dreg:$0x0] =	wrdreg $0x60  }
0xae: {  	[dreg:$0x2] =	wrdreg s24  }
0xaf: {  	[dreg:$0x3] =	wrdreg $0x9  }
0xb0: {  	_ =	task.clear_ibuf [dreg:s6], $0x4FFFF;
	_ =	strace $0x9000004F  }
0xb1: {  	s29 =	simm.s32 $0x9;
	_ =	strace $0x80000051  }
0xb2: {  	_ =	swait.ge [sflag:s29], $0x1  }
0xb3: {  	[sflag:s29] =	ssyncadd.s32 $0xFFFFFFFF  }
0xb4: {  	_ =	strace $0x90000051  }
0xb5: {  	_ =	sfence  }
0xb6: {  	s30 =	sld [smem:$0x0];
	_ =	sdelay $0x2  }
0xb7: {  	s31 =	sshll.u32 s1, $0xD;
	s1 =	sshrl.u32 s1, $0x2  }
0xb8: {  	s3 =	sand.u32 $0x4000, s31;
	s1 =	sadd.s32 s1, s30  }
0xb9: {  	s0 =	sor.u32 s3, s0;
	s1 =	sshll.u32 s1, $0x11  }
0xba: {  	s0 =	sor.u32 s1, s0  }
0xbb: {  	s0 =	sadd.s32 $0x8F2B, s0  }
0xbc: {  	[sflag:s0] =	ssyncadd.remote.s32 $0x1  }
0xbd: {  	_ =	sfence.sel $0xFFFF  }
0xbe: {  	[dreg:$0x0] =	wrdreg $0xFFFFFFFF;
	(pc) =	sbr.abs _section_cstart, $3  }
0xbf: {  	[dreg:$0x1] =	wrdreg $0xFFFFFFFF  }
0xc0: {  	_ =	task.clear_ibuf [dreg:s6], $0x2FFFF;
	_ =	strace $0x9FFFFFFF  }
0xc1: {  	(tm) =	ssettm $0x7FFFFFFF  }
tec
execute0_lowered:
.L_overlay_start_1:
0x0: {  	(tag) =	ssettag $0x1  }
0x1: {  	s0 =	rddreg [dreg:$0x0]  }
0x2: {  	s1 =	simm.s32 $0x0;
	s5 =	srdreg.scid;
	s8 =	stileid.u32  }
0x3: {  	s16 =	simm.s32 $0x80;
	s17 =	simm.s32 $0x400;
	s18 =	simm.s32 $0x2780  }
0x4: {  	s21 =	simm.s32 $0xBD80;
	s28 =	simm.s32 $0x4F00;
	s29 =	simm.s32 $0x7680  }
0x5: {  	s30 =	simm.s32 $0x3;
	s31 =	simm.s32 $0x4;
	[smem:$0x7FF] =	sst s1  }
0x6: {  	s2 =	sadd.s32 $0x4400, s0;
	s3 =	sadd.s32 $0x35A00, s0;
	s4 =	sadd.s32 $0x2BC00, s0  }
0x7: {  	s5 =	sand.u32 $0x1, s5;
	s6 =	sshrl.u32 s8, $0x2;
	s8 =	sshll.u32 s8, $0x8  }
0x8: {  	s0 =	sadd.s32 $0xE200, s0;
	_ =	strace $0x80000050;
	s6 =	smul.u32 $0x13C00, s6  }
0x9: {  	s7 =	ssub.s32 $0x2, s5;
	s11 =	sand.u32 $0x300, s8;
	s13 =	smul.u32 $0x27100, s5  }
0xa: {  	s5 =	smul.u32 $0x4F000, s5;
	s9 =	sshrl.u32 s7, $0x1;
	s12 =	sor.u32 $0x80, s11  }
0xb: {  	s8 =	sor.u32 s11, s6;
	s7 =	ssub.s32 s7, s9;
	s22 =	sor.u32 s6, s12  }
0xc: {  	s10 =	sshrl.u32 s13, $0x3;
	s5 =	sadd.s32 s5, s6;
	s8 =	sshrl.u32 s8, $0x3  }
0xd: {  	s9 =	sshrl.u32 s22, $0x3;
	s23 =	sadd.s32 s3, s10;
	s24 =	sadd.s32 $0x3E8, s10  }
0xe: {  	s25 =	sor.u32 s11, s5;
	s11 =	sadd.s32 $0x3E80, s13;
	s5 =	sor.u32 s12, s5  }
0xf: {  	s12 =	sadd.s32 $0x5DC0, s13;
	s15 =	smax.u32 s7, $0x1;
	s22 =	simm.s32 $0xFC80  }
0x10: {  	s8 =	sadd.s32 s2, s8;
	s2 =	sadd.s32 s2, s9;
	[dreg:$0x4] =	wrdreg s23  }
.Ltmp0:
0x11: {  	s9 =	sadd.s32 s3, s24;
	[dreg:$0x2] =	wrdreg s8;
	(pc) =	sbr.rel .LBB2_1-.Ltmp0, $4  }
0x12: {  	s26 =	sshrl.u32 s5, $0x3;
	s23 =	simm.s32 $0x5;
	[dreg:$0x3] =	wrdreg s2  }
0x13: {  	s8 =	sadd.s32 s4, s10;
	s10 =	sadd.s32 s4, s24;
	s2 =	sshrl.u32 s25, $0x3  }
0x14: {  	s14 =	sadd.s32 s0, s26;
	s24 =	simm.s32 $0x6;
	s25 =	simm.s32 $0x1  }
0x15: {  	v0 =	vimm.f32 $0.0e+00;
	s26 =	simm.s32 $0x2;
	s13 =	sadd.s32 s0, s2;
	s0 =	simm.s32 $0x0  }
.LBB2_14:
0x16: {  	[hbm4b:s13+s16] =	stream.strided.scatter [tilespmem:s28], [sflag:$0x5], $0x2780, s17, s16, $0x38;
	[tilespmem:$0x11C00] =	vst v63  }
0x17: {  	s0 =	sadd.s32 $0x1, s0  }
0x18: {  	[hbm4b:s14+s16] =	stream.strided.scatter [tilespmem:s29], [sflag:$0x6], $0x2780, s17, s16, $0x38;
	[tilespmem:$0x11C00] =	vst v63  }
0x19: {  	p0 =	sne.s32 s0, s15;
	_ =	swait.ge [sflag:s23], $0x2780  }
.Ltmp1:
0x1a: {  	[sflag:s23] =	ssyncset.done $0x0;
	(pc) =	sbr.rel @!p0 .LBB2_15-.Ltmp1, $4  }
0x1b: {  	[sflag:s23] =	ssyncadd.s32 $0xFFFFD880  }
0x1c: {  	_ =	swait.ge [sflag:s24], $0x2780  }
0x1d: {  	[sflag:s24] =	ssyncset.done $0x0  }
0x1e: {  	[sflag:s24] =	ssyncadd.s32 $0xFFFFD880  }
.LBB2_1:
0x1f: {  	s2 =	rddreg [dreg:$0x2]  }
0x20: {  	[tilespmem:s1], [sflag:$0x5] =	stream.strided.gather [hbm4b:s2+s16], $0x2780, s17, s16, $0x38;
	[tilespmem:$0x11C00] =	vst v63  }
0x21: {  	s7 =	rddreg [dreg:$0x3]  }
0x22: {  	[tilespmem:s18], [sflag:$0x6] =	stream.strided.gather [hbm4b:s7+s16], $0x2780, s17, s16, $0x38;
	[tilespmem:$0x11C00] =	vst v63  }
0x23: {  	s19 =	rddreg [dreg:$0x4];
	s5 =	simm.s32 $0x9E00  }
0x24: {  	[tilespmem:s5], [sflag:$0x1] =	stream.linear.gather [hbm4b:s19+s1], $0x1F40, $0x38;
	[tilespmem:$0x11C00] =	vst v63  }
0x25: {  	s20 =	simm.s32 $0xDD00  }
0x26: {  	[tilespmem:s20], [sflag:$0x2] =	stream.linear.gather [hbm4b:s8+s1], $0x1F40, $0x38;
	[tilespmem:$0x11C00] =	vst v63  }
0x27: {  	_ = 	snop  }
0x28: {  	[tilespmem:s21], [sflag:$0x3] =	stream.linear.gather [hbm4b:s9+s1], $0x1F40, $0x38;
	[tilespmem:$0x11C00] =	vst v63  }
0x29: {  	s2 =	simm.s32 $0x4F40  }
0x2a: {  	[tilespmem:s22], [sflag:$0x4] =	stream.linear.gather [hbm4b:s10+s1], $0x1F40, $0x38;
	[tilespmem:$0x11C00] =	vst v63  }
0x2b: {  	[tilespmem:s2+$0x30] =	vst v0  }
0x2c: {  	[tilespmem:s2+$0xFFFFFFF0] =	vst v0  }
0x2d: {  	[tilespmem:s2+$0xFFFFFFC0] =	vst v0  }
0x2e: {  	[tilespmem:s2+$0xFFFFFFE0] =	vst v0  }
0x2f: {  	[tilespmem:s2+$0x10] =	vst v0  }
0x30: {  	[tilespmem:s2+$0x20] =	vst v0  }
0x31: {  	[tilespmem:s2+$0x0] =	vst v0  }
0x32: {  	s5 =	simm.s32 $0x76C0;
	[tilespmem:s2+$0xFFFFFFD0] =	vst v0  }
0x33: {  	[tilespmem:s5+$0xFFFFFFC0] =	vst v0  }
0x34: {  	[tilespmem:s5+$0x30] =	vst v0  }
0x35: {  	[tilespmem:s5+$0x20] =	vst v0  }
0x36: {  	[tilespmem:s5+$0x10] =	vst v0  }
0x37: {  	[tilespmem:s5+$0xFFFFFFE0] =	vst v0  }
0x38: {  	[tilespmem:s5+$0x0] =	vst v0  }
0x39: {  	s6 =	simm.s32 $0x0;
	[tilespmem:s5+$0xFFFFFFF0] =	vst v0  }
.LBB2_2:
0x3a: {  	s6 =	sadd.s32 $0x8, s6;
	[tilespmem:s5+$0xFFFFFFD0] =	vst v0;
	s2 =	sadd.s32 $0x80, s2;
	s5 =	sadd.s32 $0x80, s5  }
0x3b: {  	[tilespmem:s2+$0x30] =	vst v0;
	p0 =	slt.u32 s6, $0x268  }
0x3c: {  	[tilespmem:s2+$0xFFFFFFF0] =	vst v0  }
0x3d: {  	[tilespmem:s2+$0xFFFFFFC0] =	vst v0  }
0x3e: {  	[tilespmem:s5+$0xFFFFFFC0] =	vst v0  }
0x3f: {  	[tilespmem:s5+$0x30] =	vst v0  }
0x40: {  	[tilespmem:s2+$0xFFFFFFE0] =	vst v0  }
0x41: {  	[tilespmem:s2+$0x10] =	vst v0  }
0x42: {  	[tilespmem:s2+$0x20] =	vst v0  }
0x43: {  	[tilespmem:s5+$0x20] =	vst v0  }
0x44: {  	[tilespmem:s5+$0x10] =	vst v0  }
.Ltmp2:
0x45: {  	[tilespmem:s5+$0xFFFFFFE0] =	vst v0;
	(pc) =	sbr.rel @p0 .LBB2_2-.Ltmp2, $4  }
0x46: {  	[tilespmem:s2+$0x0] =	vst v0  }
0x47: {  	[tilespmem:s5+$0x0] =	vst v0  }
0x48: {  	[tilespmem:s5+$0xFFFFFFF0] =	vst v0  }
0x49: {  	[tilespmem:s2+$0xFFFFFFD0] =	vst v0  }
0x4a: {  	[tilespmem:s5+$0xFFFFFFD0] =	vst v0  }
0x4b: {  	[tilespmem:$0x7600] =	vst v0  }
0x4c: {  	[tilespmem:$0x9D80] =	vst v0  }
0x4d: {  	_ =	swait.ge [sflag:s23], $0x2780  }
0x4e: {  	[sflag:s23] =	ssyncset.done $0x0  }
0x4f: {  	[sflag:s23] =	ssyncadd.s32 $0xFFFFD880  }
0x50: {  	_ =	swait.ge [sflag:s24], $0x2780  }
0x51: {  	[sflag:s24] =	ssyncset.done $0x0  }
0x52: {  	s2 =	simm.s32 $0x0;
	s19 =	simm.s32 $0x0;
	[sflag:s24] =	ssyncadd.s32 $0xFFFFD880  }
.LBB2_4:
0x53: {  	_ =	swait.ge [sflag:s25], $0x1F40  }
0x54: {  	[sflag:s25] =	ssyncset.done $0x0  }
0x55: {  	[sflag:s25] =	ssyncadd.s32 $0xFFFFE0C0  }
0x56: {  	_ =	swait.ge [sflag:s26], $0x1F40  }
0x57: {  	[sflag:s26] =	ssyncset.done $0x0  }
0x58: {  	s5 =	simm.s32 $0x9E40;
	[sflag:s26] =	ssyncadd.s32 $0xFFFFE0C0  }
0x59: {  	v1 =	vld [tilespmem:s5+$0x30]  }
0x5a: {  	v2 =	vld [tilespmem:s5+$0xFFFFFFD0]  }
0x5b: {  	v3 =	vld [tilespmem:s5+$0xFFFFFFE0]  }
0x5c: {  	v4 =	vld [tilespmem:s5+$0xFFFFFFF0]  }
0x5d: {  	v5 =	vld [tilespmem:s5+$0x0]  }
0x5e: {  	v7 =	vld [tilespmem:s5+$0x10]  }
0x5f: {  	v9 =	vld [tilespmem:s5+$0xFFFFFFC0]  }
0x60: {  	s20 =	simm.s32 $0xDD40;
	v11 =	vld [tilespmem:s5+$0x20];
	v6 =	vand.u32 $0xFFFF, v1  }
0x61: {  	v16 =	vld [tilespmem:s20+$0x30]  }
0x62: {  	v25 =	vld [tilespmem:s20+$0xFFFFFFC0]  }
0x63: {  	v26 =	vld [tilespmem:s20+$0xFFFFFFD0]  }
0x64: {  	v27 =	vld [tilespmem:s20+$0xFFFFFFE0]  }
0x65: {  	v8 =	vand.u32 $0xFFFF, v2;
	v14 =	vld.idx.msk [tilespmem:v6+s2+$0x0], $0xffff  }
0x66: {  	v28 =	vld [tilespmem:s20+$0xFFFFFFF0];
	v12 =	vand.u32 $0xFFFF, v4  }
0x67: {  	v30 =	vld [tilespmem:s20+$0x0];
	v1 =	vshrl.u32 v1, $0x10  }
0x68: {  	v60 =	vld [tilespmem:s20+$0x10]  }
0x69: {  	v17 =	vand.u32 $0xFFFF, v9;
	v31 =	vshrl.u32 v4, $0x10;
	v4 =	vld [tilespmem:s20+$0x20]  }
0x6a: {  	v10 =	vand.u32 $0xFFFF, v3;
	v18 =	vld.idx.msk [tilespmem:v8+s2+$0x0], $0xffff;
	v14 =	vmul.f32 v14, v16  }
0x6b: {  	v13 =	vand.u32 $0xFFFF, v5;
	v20 =	vld.idx.msk [tilespmem:v12+s2+$0x0], $0xffff  }
0x6c: {  	v15 =	vand.u32 $0xFFFF, v7;
	[tilespmem:v1+s28+$0x0] =	vst.idx.add.f32.msk $0xffff, v14  }
0x6d: {  	v21 =	vand.u32 $0xFFFF, v11;
	v6 =	vld.idx.msk [tilespmem:v6+s18+$0x0], $0xffff  }
0x6e: {  	v24 =	vld.idx.msk [tilespmem:v17+s2+$0x0], $0xffff  }
0x6f: {  	v19 =	vld.idx.msk [tilespmem:v10+s2+$0x0], $0xffff  }
0x70: {  	v9 =	vshrl.u32 v9, $0x10;
	v22 =	vld.idx.msk [tilespmem:v13+s2+$0x0], $0xffff  }
0x71: {  	v23 =	vld.idx.msk [tilespmem:v15+s2+$0x0], $0xffff;
	v61 =	vmul.f32 v20, v28  }
0x72: {  	v29 =	vshrl.u32 v2, $0x10;
	v59 =	vld.idx.msk [tilespmem:v21+s2+$0x0], $0xffff;
	v2 =	vmul.f32 v6, v16  }
0x73: {  	[tilespmem:v31+s28+$0x0] =	vst.idx.add.f32.msk $0xffff, v61;
	v6 =	vshrl.u32 v3, $0x10;
	v3 =	vmul.f32 v24, v25  }
0x74: {  	[tilespmem:v1+s29+$0x0] =	vst.idx.add.f32.msk $0xffff, v2;
	v1 =	vshrl.u32 v5, $0x10  }
0x75: {  	v5 =	vmul.f32 v18, v26;
	[tilespmem:v9+s28+$0x0] =	vst.idx.add.f32.msk $0xffff, v3  }
0x76: {  	v2 =	vshrl.u32 v7, $0x10;
	v7 =	vmul.f32 v19, v27;
	v3 =	vshrl.u32 v11, $0x10;
	v11 =	vld.idx.msk [tilespmem:v12+s18+$0x0], $0xffff  }
0x77: {  	[tilespmem:v29+s28+$0x0] =	vst.idx.add.f32.msk $0xffff, v5;
	v5 =	vmul.f32 v22, v30  }
0x78: {  	[tilespmem:v6+s28+$0x0] =	vst.idx.add.f32.msk $0xffff, v7  }
0x79: {  	[tilespmem:v1+s28+$0x0] =	vst.idx.add.f32.msk $0xffff, v5;
	v5 =	vmul.f32 v59, v4  }
0x7a: {  	v8 =	vld.idx.msk [tilespmem:v8+s18+$0x0], $0xffff  }
0x7b: {  	[tilespmem:v3+s28+$0x0] =	vst.idx.add.f32.msk $0xffff, v5  }
0x7c: {  	v7 =	vmul.f32 v23, v60;
	v5 =	vld.idx.msk [tilespmem:v17+s18+$0x0], $0xffff  }
0x7d: {  	v10 =	vld.idx.msk [tilespmem:v10+s18+$0x0], $0xffff  }
0x7e: {  	[tilespmem:v2+s28+$0x0] =	vst.idx.add.f32.msk $0xffff, v7  }
0x7f: {  	v62 =	vld.idx.msk [tilespmem:v13+s18+$0x0], $0xffff  }
0x80: {  	v63 =	vld.idx.msk [tilespmem:v15+s18+$0x0], $0xffff;
	v8 =	vmul.f32 v8, v26  }
0x81: {  	v7 =	vld.idx.msk [tilespmem:v21+s18+$0x0], $0xffff;
	v5 =	vmul.f32 v5, v25  }
0x82: {  	[tilespmem:v29+s29+$0x0] =	vst.idx.add.f32.msk $0xffff, v8;
	v8 =	vmul.f32 v11, v28  }
0x83: {  	[tilespmem:v9+s29+$0x0] =	vst.idx.add.f32.msk $0xffff, v5;
	v5 =	vmul.f32 v10, v27  }
0x84: {  	[tilespmem:v31+s29+$0x0] =	vst.idx.add.f32.msk $0xffff, v8  }
0x85: {  	s6 =	simm.s32 $0x9EC0;
	s5 =	simm.s32 $0x0;
	[tilespmem:v6+s29+$0x0] =	vst.idx.add.f32.msk $0xffff, v5;
	v6 =	vmul.f32 v62, v30;
	v5 =	vmul.f32 v63, v60  }
.LBB2_5:
0x86: {  	v8 =	vld [tilespmem:s6+$0x30];
	s5 =	sadd.s32 $0x8, s5;
	v9 =	vmul.f32 v7, v4  }
0x87: {  	v4 =	vld [tilespmem:s6+$0xFFFFFFD0];
	p0 =	slt.u32 s5, $0x1E8  }
0x88: {  	v7 =	vld [tilespmem:s6+$0xFFFFFFE0]  }
0x89: {  	v10 =	vld [tilespmem:s6+$0xFFFFFFF0]  }
0x8a: {  	v11 =	vld [tilespmem:s6+$0x0]  }
0x8b: {  	v12 =	vld [tilespmem:s6+$0x10];
	v13 =	vand.u32 $0xFFFF, v8  }
0x8c: {  	v14 =	vshrl.u32 v4, $0x10;
	v15 =	vand.u32 $0xFFFF, v4;
	v4 =	vld [tilespmem:s6+$0x20]  }
0x8d: {  	v16 =	vld [tilespmem:s6+$0xFFFFFFC0];
	v17 =	vshrl.u32 v7, $0x10;
	v7 =	vand.u32 $0xFFFF, v7  }
0x8e: {  	v18 =	vshrl.u32 v10, $0x10;
	v10 =	vand.u32 $0xFFFF, v10;
	[tilespmem:v1+s29+$0x0] =	vst.idx.add.f32.msk $0xffff, v6  }
0x8f: {  	s7 =	simm.s32 $0x0;
	v1 =	vshrl.u32 v11, $0x10;
	v6 =	vand.u32 $0xFFFF, v11;
	[tilespmem:v2+s29+$0x0] =	vst.idx.add.f32.msk $0xffff, v5  }
0x90: {  	s20 =	sadd.s32 $0x80, s20;
	v2 =	vshrl.u32 v12, $0x10;
	v5 =	vand.u32 $0xFFFF, v12;
	v11 =	vld.idx.msk [tilespmem:v13+s7+$0x0], $0xffff  }
0x91: {  	v12 =	vshrl.u32 v4, $0x10;
	v19 =	vand.u32 $0xFFFF, v4;
	v4 =	vld [tilespmem:s20+$0x30]  }
0x92: {  	v20 =	vshrl.u32 v16, $0x10;
	v16 =	vand.u32 $0xFFFF, v16;
	v21 =	vld.idx.msk [tilespmem:v15+s7+$0x0], $0xffff  }
0x93: {  	v8 =	vshrl.u32 v8, $0x10;
	v22 =	vld.idx.msk [tilespmem:v7+s7+$0x0], $0xffff  }
0x94: {  	v23 =	vld.idx.msk [tilespmem:v10+s7+$0x0], $0xffff  }
0x95: {  	v24 =	vld.idx.msk [tilespmem:v6+s7+$0x0], $0xffff  }
0x96: {  	v25 =	vld.idx.msk [tilespmem:v5+s7+$0x0], $0xffff;
	v11 =	vmul.f32 v11, v4  }
0x97: {  	v26 =	vld.idx.msk [tilespmem:v16+s7+$0x0], $0xffff  }
0x98: {  	[tilespmem:v8+s28+$0x0] =	vst.idx.add.f32.msk $0xffff, v11  }
0x99: {  	v11 =	vld.idx.msk [tilespmem:v13+s18+$0x0], $0xffff  }
0x9a: {  	v13 =	vld.idx.msk [tilespmem:v19+s7+$0x0], $0xffff  }
0x9b: {  	v27 =	vld [tilespmem:s20+$0xFFFFFFC0]  }
0x9c: {  	v28 =	vld [tilespmem:s20+$0xFFFFFFD0]  }
0x9d: {  	v29 =	vld [tilespmem:s20+$0xFFFFFFE0]  }
0x9e: {  	v30 =	vld [tilespmem:s20+$0xFFFFFFF0]  }
0x9f: {  	v4 =	vmul.f32 v11, v4;
	v31 =	vld [tilespmem:s20+$0x0]  }
0xa0: {  	v11 =	vmul.f32 v26, v27;
	v26 =	vld [tilespmem:s20+$0x10]  }
0xa1: {  	v21 =	vmul.f32 v21, v28;
	[tilespmem:v8+s29+$0x0] =	vst.idx.add.f32.msk $0xffff, v4  }
0xa2: {  	v8 =	vmul.f32 v22, v29;
	v4 =	vld [tilespmem:s20+$0x20]  }
0xa3: {  	[tilespmem:v20+s28+$0x0] =	vst.idx.add.f32.msk $0xffff, v11;
	v11 =	vmul.f32 v23, v30  }
0xa4: {  	[tilespmem:v14+s28+$0x0] =	vst.idx.add.f32.msk $0xffff, v21;
	v21 =	vmul.f32 v24, v31  }
0xa5: {  	[tilespmem:v17+s28+$0x0] =	vst.idx.add.f32.msk $0xffff, v8;
	v8 =	vmul.f32 v25, v26  }
0xa6: {  	[tilespmem:v18+s28+$0x0] =	vst.idx.add.f32.msk $0xffff, v11  }
0xa7: {  	[tilespmem:v1+s28+$0x0] =	vst.idx.add.f32.msk $0xffff, v21;
	v11 =	vmul.f32 v13, v4  }
0xa8: {  	[tilespmem:v2+s28+$0x0] =	vst.idx.add.f32.msk $0xffff, v8  }
0xa9: {  	[tilespmem:v12+s28+$0x0] =	vst.idx.add.f32.msk $0xffff, v11  }
0xaa: {  	v8 =	vld.idx.msk [tilespmem:v16+s18+$0x0], $0xffff  }
0xab: {  	v11 =	vld.idx.msk [tilespmem:v15+s18+$0x0], $0xffff  }
0xac: {  	v13 =	vld.idx.msk [tilespmem:v7+s18+$0x0], $0xffff  }
0xad: {  	v10 =	vld.idx.msk [tilespmem:v10+s18+$0x0], $0xffff  }
0xae: {  	v6 =	vld.idx.msk [tilespmem:v6+s18+$0x0], $0xffff  }
0xaf: {  	v5 =	vld.idx.msk [tilespmem:v5+s18+$0x0], $0xffff  }
0xb0: {  	v8 =	vmul.f32 v8, v27;
	v7 =	vld.idx.msk [tilespmem:v19+s18+$0x0], $0xffff  }
.Ltmp3:
0xb1: {  	v11 =	vmul.f32 v11, v28;
	[tilespmem:v3+s29+$0x0] =	vst.idx.add.f32.msk $0xffff, v9;
	v3 =	vmov v12;
	(pc) =	sbr.rel @p0 .LBB2_5-.Ltmp3, $4  }
0xb2: {  	[tilespmem:v20+s29+$0x0] =	vst.idx.add.f32.msk $0xffff, v8;
	v8 =	vmul.f32 v13, v29  }
0xb3: {  	v9 =	vmul.f32 v10, v30;
	[tilespmem:v14+s29+$0x0] =	vst.idx.add.f32.msk $0xffff, v11  }
0xb4: {  	v6 =	vmul.f32 v6, v31;
	[tilespmem:v17+s29+$0x0] =	vst.idx.add.f32.msk $0xffff, v8  }
0xb5: {  	s6 =	sadd.s32 $0x80, s6;
	v5 =	vmul.f32 v5, v26;
	[tilespmem:v18+s29+$0x0] =	vst.idx.add.f32.msk $0xffff, v9  }
0xb6: {  	_ =	sdelay $0x3  }
0xb7: {  	v4 =	vmul.f32 v7, v4;
	[tilespmem:v1+s29+$0x0] =	vst.idx.add.f32.msk $0xffff, v6  }
0xb8: {  	[tilespmem:v2+s29+$0x0] =	vst.idx.add.f32.msk $0xffff, v5  }
0xb9: {  	[tilespmem:v3+s29+$0x0] =	vst.idx.add.f32.msk $0xffff, v4  }
.LBB2_7:
0xba: {  	s5 =	sshra.s32 s7, $0x2  }
0xbb: {  	v1 =	vld [tilespmem:s5+$0xBD00];
	_ =	sdelay $0x4  }
0xbc: {  	v2 =	vand.u32 $0xFFFF, v1;
	_ =	sdelay $0x3  }
0xbd: {  	v3 =	vld [tilespmem:s5+$0xFC00]  }
0xbe: {  	v4 =	vld.idx.msk [tilespmem:v2+s1+$0x0], $0xffff;
	_ =	sdelay $0x1  }
0xbf: {  	v1 =	vshrl.u32 v1, $0x10;
	_ =	sdelay $0x2  }
0xc0: {  	v4 =	vmul.f32 v4, v3;
	_ =	sdelay $0x1  }
0xc1: {  	[tilespmem:v1+s28+$0x0] =	vst.idx.add.f32.msk $0xffff, v4  }
0xc2: {  	v2 =	vld.idx.msk [tilespmem:v2+s18+$0x0], $0xffff;
	_ =	sdelay $0x1  }
0xc3: {  	p0 =	sne.s32 s7, $0xC0  }
.Ltmp4:
0xc4: {  	_ = 	snop;
	(pc) =	sbr.rel @p0 .LBB2_7-.Ltmp4, $3  }
0xc5: {  	_ = 	snop  }
0xc6: {  	v2 =	vmul.f32 v2, v3;
	_ =	sdelay $0x1  }
0xc7: {  	s7 =	sadd.s32 $0x40, s7;
	[tilespmem:v1+s29+$0x0] =	vst.idx.add.f32.msk $0xffff, v2  }
0xc8: {  	p0 =	seq.s32 s19, $0x9  }
0xc9: {  	s5 =	smul.u32 @!p0 $0x3E80, s19;
	_ =	sdelay $0x1  }
0xca: {  	s5 =	sadd.s32 @!p0 s5, s11  }
0xcb: {  	s5 =	sshrl.u32 @!p0 s5, $0x3  }
0xcc: {  	s7 =	simm.s32 @!p0 $0x0;
	s20 =	simm.s32 @!p0 $0x9E00;
	s6 =	sadd.s32 @!p0 s3, s5  }
0xcd: {  	[tilespmem:s20], [sflag:$0x1] =	stream.linear.gather @!p0 [hbm4b:s6+s7], $0x1F40, $0x38;
	[tilespmem:$0x11C00] =	vst v63  }
0xce: {  	s5 =	sadd.s32 @!p0 s4, s5;
	s6 =	simm.s32 @!p0 $0xDD00  }
0xcf: {  	[tilespmem:s6], [sflag:$0x2] =	stream.linear.gather @!p0 [hbm4b:s5+s7], $0x1F40, $0x38;
	[tilespmem:$0x11C00] =	vst v63  }
0xd0: {  	_ =	swait.ge [sflag:s30], $0x1F40  }
0xd1: {  	[sflag:s30] =	ssyncset.done $0x0  }
0xd2: {  	[sflag:s30] =	ssyncadd.s32 $0xFFFFE0C0  }
0xd3: {  	_ =	swait.ge [sflag:s31], $0x1F40  }
0xd4: {  	[sflag:s31] =	ssyncset.done $0x0  }
0xd5: {  	s20 =	simm.s32 $0xBDC0;
	[sflag:s31] =	ssyncadd.s32 $0xFFFFE0C0  }
0xd6: {  	v1 =	vld [tilespmem:s20+$0x30]  }
0xd7: {  	v2 =	vld [tilespmem:s20+$0xFFFFFFD0]  }
0xd8: {  	v3 =	vld [tilespmem:s20+$0xFFFFFFE0]  }
0xd9: {  	v4 =	vld [tilespmem:s20+$0xFFFFFFF0]  }
0xda: {  	v5 =	vld [tilespmem:s20+$0x0]  }
0xdb: {  	v7 =	vld [tilespmem:s20+$0x10]  }
0xdc: {  	v9 =	vld [tilespmem:s20+$0xFFFFFFC0]  }
0xdd: {  	s5 =	simm.s32 $0xFCC0;
	v11 =	vld [tilespmem:s20+$0x20];
	v6 =	vand.u32 $0xFFFF, v1  }
0xde: {  	v16 =	vld [tilespmem:s5+$0x30]  }
0xdf: {  	v25 =	vld [tilespmem:s5+$0xFFFFFFC0]  }
0xe0: {  	v26 =	vld [tilespmem:s5+$0xFFFFFFD0]  }
0xe1: {  	s20 =	simm.s32 $0x0;
	v27 =	vld [tilespmem:s5+$0xFFFFFFE0]  }
0xe2: {  	v8 =	vand.u32 $0xFFFF, v2;
	v14 =	vld.idx.msk [tilespmem:v6+s20+$0x0], $0xffff  }
0xe3: {  	v28 =	vld [tilespmem:s5+$0xFFFFFFF0];
	v12 =	vand.u32 $0xFFFF, v4  }
0xe4: {  	v30 =	vld [tilespmem:s5+$0x0];
	v1 =	vshrl.u32 v1, $0x10  }
0xe5: {  	v60 =	vld [tilespmem:s5+$0x10]  }
0xe6: {  	v17 =	vand.u32 $0xFFFF, v9;
	v31 =	vshrl.u32 v4, $0x10;
	v4 =	vld [tilespmem:s5+$0x20]  }
0xe7: {  	v10 =	vand.u32 $0xFFFF, v3;
	v18 =	vld.idx.msk [tilespmem:v8+s20+$0x0], $0xffff;
	v14 =	vmul.f32 v14, v16  }
0xe8: {  	v13 =	vand.u32 $0xFFFF, v5;
	v20 =	vld.idx.msk [tilespmem:v12+s20+$0x0], $0xffff  }
0xe9: {  	v15 =	vand.u32 $0xFFFF, v7;
	[tilespmem:v1+s28+$0x0] =	vst.idx.add.f32.msk $0xffff, v14  }
0xea: {  	v21 =	vand.u32 $0xFFFF, v11;
	v6 =	vld.idx.msk [tilespmem:v6+s18+$0x0], $0xffff  }
0xeb: {  	v24 =	vld.idx.msk [tilespmem:v17+s20+$0x0], $0xffff  }
0xec: {  	v19 =	vld.idx.msk [tilespmem:v10+s20+$0x0], $0xffff  }
0xed: {  	v9 =	vshrl.u32 v9, $0x10;
	v22 =	vld.idx.msk [tilespmem:v13+s20+$0x0], $0xffff  }
0xee: {  	v23 =	vld.idx.msk [tilespmem:v15+s20+$0x0], $0xffff;
	v61 =	vmul.f32 v20, v28  }
0xef: {  	v29 =	vshrl.u32 v2, $0x10;
	v59 =	vld.idx.msk [tilespmem:v21+s20+$0x0], $0xffff;
	v2 =	vmul.f32 v6, v16  }
0xf0: {  	[tilespmem:v31+s28+$0x0] =	vst.idx.add.f32.msk $0xffff, v61;
	v6 =	vshrl.u32 v3, $0x10;
	v3 =	vmul.f32 v24, v25  }
0xf1: {  	[tilespmem:v1+s29+$0x0] =	vst.idx.add.f32.msk $0xffff, v2;
	v1 =	vshrl.u32 v5, $0x10  }
0xf2: {  	v5 =	vmul.f32 v18, v26;
	[tilespmem:v9+s28+$0x0] =	vst.idx.add.f32.msk $0xffff, v3  }
0xf3: {  	v2 =	vshrl.u32 v7, $0x10;
	v7 =	vmul.f32 v19, v27;
	v3 =	vshrl.u32 v11, $0x10;
	v11 =	vld.idx.msk [tilespmem:v12+s18+$0x0], $0xffff  }
0xf4: {  	[tilespmem:v29+s28+$0x0] =	vst.idx.add.f32.msk $0xffff, v5;
	v5 =	vmul.f32 v22, v30  }
0xf5: {  	[tilespmem:v6+s28+$0x0] =	vst.idx.add.f32.msk $0xffff, v7  }
0xf6: {  	[tilespmem:v1+s28+$0x0] =	vst.idx.add.f32.msk $0xffff, v5;
	v5 =	vmul.f32 v59, v4  }
0xf7: {  	v8 =	vld.idx.msk [tilespmem:v8+s18+$0x0], $0xffff  }
0xf8: {  	[tilespmem:v3+s28+$0x0] =	vst.idx.add.f32.msk $0xffff, v5  }
0xf9: {  	v7 =	vmul.f32 v23, v60;
	v5 =	vld.idx.msk [tilespmem:v17+s18+$0x0], $0xffff  }
0xfa: {  	v10 =	vld.idx.msk [tilespmem:v10+s18+$0x0], $0xffff  }
0xfb: {  	[tilespmem:v2+s28+$0x0] =	vst.idx.add.f32.msk $0xffff, v7  }
0xfc: {  	v62 =	vld.idx.msk [tilespmem:v13+s18+$0x0], $0xffff  }
0xfd: {  	v63 =	vld.idx.msk [tilespmem:v15+s18+$0x0], $0xffff;
	v8 =	vmul.f32 v8, v26  }
0xfe: {  	v7 =	vld.idx.msk [tilespmem:v21+s18+$0x0], $0xffff;
	v5 =	vmul.f32 v5, v25  }
0xff: {  	[tilespmem:v29+s29+$0x0] =	vst.idx.add.f32.msk $0xffff, v8;
	v8 =	vmul.f32 v11, v28  }
0x100: {  	[tilespmem:v9+s29+$0x0] =	vst.idx.add.f32.msk $0xffff, v5;
	v5 =	vmul.f32 v10, v27  }
0x101: {  	[tilespmem:v31+s29+$0x0] =	vst.idx.add.f32.msk $0xffff, v8  }
0x102: {  	s6 =	simm.s32 $0x0;
	s7 =	simm.s32 $0xBE40;
	[tilespmem:v6+s29+$0x0] =	vst.idx.add.f32.msk $0xffff, v5;
	v5 =	vmul.f32 v62, v30;
	v6 =	vmul.f32 v63, v60  }
.LBB2_9:
0x103: {  	v8 =	vld [tilespmem:s7+$0x30];
	s6 =	sadd.s32 $0x8, s6;
	v9 =	vmul.f32 v7, v4  }
0x104: {  	v4 =	vld [tilespmem:s7+$0xFFFFFFD0];
	p1 =	slt.u32 s6, $0x1E8  }
0x105: {  	v7 =	vld [tilespmem:s7+$0xFFFFFFE0]  }
0x106: {  	v10 =	vld [tilespmem:s7+$0xFFFFFFF0]  }
0x107: {  	v11 =	vld [tilespmem:s7+$0x0]  }
0x108: {  	v12 =	vld [tilespmem:s7+$0x10];
	v13 =	vand.u32 $0xFFFF, v8  }
0x109: {  	v14 =	vshrl.u32 v4, $0x10;
	v15 =	vand.u32 $0xFFFF, v4;
	v4 =	vld [tilespmem:s7+$0x20]  }
0x10a: {  	v16 =	vld [tilespmem:s7+$0xFFFFFFC0];
	v17 =	vshrl.u32 v7, $0x10;
	v7 =	vand.u32 $0xFFFF, v7  }
0x10b: {  	v18 =	vshrl.u32 v10, $0x10;
	v10 =	vand.u32 $0xFFFF, v10;
	[tilespmem:v1+s29+$0x0] =	vst.idx.add.f32.msk $0xffff, v5  }
0x10c: {  	v1 =	vshrl.u32 v11, $0x10;
	v5 =	vand.u32 $0xFFFF, v11;
	[tilespmem:v2+s29+$0x0] =	vst.idx.add.f32.msk $0xffff, v6  }
0x10d: {  	s5 =	sadd.s32 $0x80, s5;
	v2 =	vshrl.u32 v12, $0x10;
	v6 =	vand.u32 $0xFFFF, v12;
	v11 =	vld.idx.msk [tilespmem:v13+s20+$0x0], $0xffff  }
0x10e: {  	v12 =	vshrl.u32 v4, $0x10;
	v19 =	vand.u32 $0xFFFF, v4;
	v4 =	vld [tilespmem:s5+$0x30]  }
0x10f: {  	v20 =	vshrl.u32 v16, $0x10;
	v16 =	vand.u32 $0xFFFF, v16;
	v21 =	vld.idx.msk [tilespmem:v15+s20+$0x0], $0xffff  }
0x110: {  	v8 =	vshrl.u32 v8, $0x10;
	v22 =	vld.idx.msk [tilespmem:v7+s20+$0x0], $0xffff  }
0x111: {  	v23 =	vld.idx.msk [tilespmem:v10+s20+$0x0], $0xffff  }
0x112: {  	v24 =	vld.idx.msk [tilespmem:v5+s20+$0x0], $0xffff  }
0x113: {  	v25 =	vld.idx.msk [tilespmem:v6+s20+$0x0], $0xffff;
	v11 =	vmul.f32 v11, v4  }
0x114: {  	v26 =	vld.idx.msk [tilespmem:v16+s20+$0x0], $0xffff  }
0x115: {  	[tilespmem:v8+s28+$0x0] =	vst.idx.add.f32.msk $0xffff, v11  }
0x116: {  	v11 =	vld.idx.msk [tilespmem:v13+s18+$0x0], $0xffff  }
0x117: {  	v13 =	vld.idx.msk [tilespmem:v19+s20+$0x0], $0xffff  }
0x118: {  	v27 =	vld [tilespmem:s5+$0xFFFFFFC0]  }
0x119: {  	v28 =	vld [tilespmem:s5+$0xFFFFFFD0]  }
0x11a: {  	v29 =	vld [tilespmem:s5+$0xFFFFFFE0]  }
0x11b: {  	v30 =	vld [tilespmem:s5+$0xFFFFFFF0]  }
0x11c: {  	v4 =	vmul.f32 v11, v4;
	v31 =	vld [tilespmem:s5+$0x0]  }
0x11d: {  	v11 =	vmul.f32 v26, v27;
	v26 =	vld [tilespmem:s5+$0x10]  }
0x11e: {  	v21 =	vmul.f32 v21, v28;
	[tilespmem:v8+s29+$0x0] =	vst.idx.add.f32.msk $0xffff, v4  }
0x11f: {  	v8 =	vmul.f32 v22, v29;
	v4 =	vld [tilespmem:s5+$0x20]  }
0x120: {  	[tilespmem:v20+s28+$0x0] =	vst.idx.add.f32.msk $0xffff, v11;
	v11 =	vmul.f32 v23, v30  }
0x121: {  	[tilespmem:v14+s28+$0x0] =	vst.idx.add.f32.msk $0xffff, v21;
	v21 =	vmul.f32 v24, v31  }
0x122: {  	[tilespmem:v17+s28+$0x0] =	vst.idx.add.f32.msk $0xffff, v8;
	v8 =	vmul.f32 v25, v26  }
0x123: {  	[tilespmem:v18+s28+$0x0] =	vst.idx.add.f32.msk $0xffff, v11  }
0x124: {  	[tilespmem:v1+s28+$0x0] =	vst.idx.add.f32.msk $0xffff, v21;
	v11 =	vmul.f32 v13, v4  }
0x125: {  	[tilespmem:v2+s28+$0x0] =	vst.idx.add.f32.msk $0xffff, v8  }
0x126: {  	[tilespmem:v12+s28+$0x0] =	vst.idx.add.f32.msk $0xffff, v11  }
0x127: {  	v8 =	vld.idx.msk [tilespmem:v16+s18+$0x0], $0xffff  }
0x128: {  	v11 =	vld.idx.msk [tilespmem:v15+s18+$0x0], $0xffff  }
0x129: {  	v13 =	vld.idx.msk [tilespmem:v7+s18+$0x0], $0xffff  }
0x12a: {  	v10 =	vld.idx.msk [tilespmem:v10+s18+$0x0], $0xffff  }
0x12b: {  	v5 =	vld.idx.msk [tilespmem:v5+s18+$0x0], $0xffff  }
0x12c: {  	v6 =	vld.idx.msk [tilespmem:v6+s18+$0x0], $0xffff  }
0x12d: {  	v8 =	vmul.f32 v8, v27;
	v7 =	vld.idx.msk [tilespmem:v19+s18+$0x0], $0xffff  }
.Ltmp5:
0x12e: {  	v11 =	vmul.f32 v11, v28;
	[tilespmem:v3+s29+$0x0] =	vst.idx.add.f32.msk $0xffff, v9;
	v3 =	vmov v12;
	(pc) =	sbr.rel @p1 .LBB2_9-.Ltmp5, $4  }
0x12f: {  	[tilespmem:v20+s29+$0x0] =	vst.idx.add.f32.msk $0xffff, v8;
	v8 =	vmul.f32 v13, v29  }
0x130: {  	v9 =	vmul.f32 v10, v30;
	[tilespmem:v14+s29+$0x0] =	vst.idx.add.f32.msk $0xffff, v11  }
0x131: {  	v5 =	vmul.f32 v5, v31;
	[tilespmem:v17+s29+$0x0] =	vst.idx.add.f32.msk $0xffff, v8  }
0x132: {  	s7 =	sadd.s32 $0x80, s7;
	v6 =	vmul.f32 v6, v26;
	[tilespmem:v18+s29+$0x0] =	vst.idx.add.f32.msk $0xffff, v9  }
0x133: {  	_ =	sdelay $0x3  }
0x134: {  	v4 =	vmul.f32 v7, v4;
	[tilespmem:v1+s29+$0x0] =	vst.idx.add.f32.msk $0xffff, v5  }
0x135: {  	[tilespmem:v2+s29+$0x0] =	vst.idx.add.f32.msk $0xffff, v6  }
0x136: {  	[tilespmem:v3+s29+$0x0] =	vst.idx.add.f32.msk $0xffff, v4  }
.LBB2_11:
0x137: {  	s5 =	sshra.s32 s20, $0x2  }
0x138: {  	v1 =	vld [tilespmem:s5+$0xDC80];
	_ =	sdelay $0x4  }
0x139: {  	v2 =	vand.u32 $0xFFFF, v1;
	_ =	sdelay $0x3  }
0x13a: {  	v3 =	vld [tilespmem:s5+$0x11B80]  }
0x13b: {  	v4 =	vld.idx.msk [tilespmem:v2+s1+$0x0], $0xffff;
	_ =	sdelay $0x1  }
0x13c: {  	v1 =	vshrl.u32 v1, $0x10;
	_ =	sdelay $0x2  }
0x13d: {  	v4 =	vmul.f32 v4, v3;
	_ =	sdelay $0x1  }
0x13e: {  	[tilespmem:v1+s28+$0x0] =	vst.idx.add.f32.msk $0xffff, v4  }
0x13f: {  	v2 =	vld.idx.msk [tilespmem:v2+s18+$0x0], $0xffff;
	_ =	sdelay $0x1  }
0x140: {  	p1 =	sne.s32 s20, $0xC0  }
.Ltmp6:
0x141: {  	_ = 	snop;
	(pc) =	sbr.rel @p1 .LBB2_11-.Ltmp6, $3  }
0x142: {  	_ = 	snop  }
0x143: {  	v2 =	vmul.f32 v2, v3;
	_ =	sdelay $0x1  }
0x144: {  	s20 =	sadd.s32 $0x40, s20;
	[tilespmem:v1+s29+$0x0] =	vst.idx.add.f32.msk $0xffff, v2  }
.Ltmp7:
0x145: {  	(pc) =	sbr.rel @p0 .LBB2_14-.Ltmp7, $1  }
0x146: {  	_ =	sdelay $0x3  }
0x147: {  	s5 =	smul.u32 $0x3E80, s19;
	_ =	sdelay $0x1  }
0x148: {  	s5 =	sadd.s32 s5, s12  }
.Ltmp8:
0x149: {  	s5 =	sshrl.u32 s5, $0x3;
	(pc) =	sbr.rel .LBB2_4-.Ltmp8, $4  }
0x14a: {  	s6 =	sadd.s32 s3, s5  }
0x14b: {  	[tilespmem:s21], [sflag:$0x3] =	stream.linear.gather [hbm4b:s6+s1], $0x1F40, $0x38;
	[tilespmem:$0x11C00] =	vst v63  }
0x14c: {  	s19 =	sadd.s32 $0x1, s19;
	s5 =	sadd.s32 s4, s5  }
0x14d: {  	[tilespmem:s22], [sflag:$0x4] =	stream.linear.gather [hbm4b:s5+s1], $0x1F40, $0x38;
	[tilespmem:$0x11C00] =	vst v63  }
.LBB2_15:
0x14e: {  	_ =	sfence.sel $0x180000  }
0x14f: {  	[bflag:$0x0] =	sbarrier.arrive $0xFFFF  }
0x150: {  	_ =	strace $0x90000050  }
0x151: {  	s0 =	stileid.u32;
	[bflag:$0x2] =	sbarrier.arrive $0xFFFF  }
0x152: {  	p0 =	sne.s32 s0, $0x0;
	s0 =	rddreg [dreg:$0x1]  }
0x153: {  	s0 =	sadd.s32 @!p0 $0x100000, s0  }
0x154: {  	[sflag:s0] =	ssyncadd.tile.s32 @!p0 $0x1;
	_ =	shalt  }
.Lfunc_end2:
_tile_overlayer_lowered:
.L_overlay_start_2:
0x155: {  	(tag) =	ssettag $0x2  }
0x156: {  	s0 =	rddreg [dreg:$0x0];
	s2 =	stileid.u32  }
0x157: {  	s1 =	rddreg [dreg:$0x1];
	p0 =	sne.s32 s2, $0x0  }
0x158: {  	s3 =	rddreg [dreg:$0x2];
	[bflag:$0x3] =	sbarrier.arrive $0xFFFF;
	s2 =	simm.s32 @!p0 $0x1C07  }
0x159: {  	[timem:s3], [sflag:s2] =	dma.local @!p0 [hbm:s0], s1  }
0x15a: {  	s0 =	simm.s32 @!p0 $0x7  }
0x15b: {  	_ =	swait.ge @!p0 [sflag:s0], s1  }
0x15c: {  	s1 =	ssub.s32 @!p0 $0x0, s1;
	[sflag:s0] =	ssyncset.done @!p0 $0x0  }
0x15d: {  	[sflag:s0] =	ssyncadd.s32 @!p0 s1  }
0x15e: {  	[bflag:$0x3] =	sbarrier.arrive $0xFFFF  }
0x15f: {  	_ =	shalt  }

// kernel: kernel.9.cloned.1.call-start
scs
__scs_entry_jumppad:
0x0: {  	(pc) =	sbr.rel $0x88, $3  }
0x1: {  	(tag) =	ssettag $0x0;
	lr =	simm.s32 $0x1  }
0x2: {  	[smem:$0x3F90] =	sst lr;
	_ =	strace $0xD0000000  }
0x3: {  	_ = 	snop  }
0x4: {  	_ = 	snop  }
0x5: {  	_ = 	snop  }
0x6: {  	_ = 	snop  }
0x7: {  	_ = 	snop  }
__scs_overlays_trampoline_lowered:
0x8: {  	[smem:$0x3F9F] =	sst s0  }
0x9: {  	[smem:$0x3FA0] =	sst s1  }
0xa: {  	[smem:$0x3FA1] =	sst s2  }
0xb: {  	[smem:$0x3FA2] =	sst s3  }
0xc: {  	[smem:$0x3FA3] =	sst s4  }
0xd: {  	[smem:$0x3FA4] =	sst s5  }
0xe: {  	[smem:$0x3FA5] =	sst s6  }
0xf: {  	[smem:$0x3FA6] =	sst s7  }
0x10: {  	[smem:$0x3FA7] =	sst s8  }
0x11: {  	[smem:$0x3FA8] =	sst s9;
	s0 =	simm.s32 @!p0 $0x0  }
0x12: {  	s1 =	sld [smem:$0x3F8E];
	s0 =	simm.s32 @p0 $0x1  }
0x13: {  	[smem:$0x3FA9] =	sst s0;
	s0 =	simm.s32 @!p1 $0x0  }
0x14: {  	s2 =	sld [smem:$0x3F8D];
	s0 =	simm.s32 @p1 $0x1  }
0x15: {  	[smem:$0x3FAA] =	sst s0;
	s0 =	simm.s32 @!p2 $0x0  }
0x16: {  	s3 =	sld [smem:$0x3FDB];
	s0 =	simm.s32 @p2 $0x1  }
0x17: {  	s4 =	simm.s32 $0x1BF5;
	[smem:$0x3FAC] =	sst s0  }
0x18: {  	s0 =	sld [smem:$0x3F8F];
	_ =	swait.ge [sflag:s4], $0x0  }
0x19: {  	s7 =	sld [smem:$0x3F90]  }
0x1a: {  	s8 =	sadd.s32 $0xFFFFE003, lr  }
0x1b: {  	s9 =	sadd.s32 $0xFFFFFEF7, lr;
	s5 =	simm.s32 $0xFFFFFFFF;
	p2 =	slt.u32 s8, $0xFFFFF086  }
0x1c: {  	p1 =	slt.u32 s9, $0xF7A;
	s5 =	simm.s32 @!p2 $0x0  }
0x1d: {  	s5 =	simm.s32 @p1 $0x1;
	p0 =	seq.s32 s7, s2  }
0x1e: {  	s7 =	smul.u32 @!p0 $0xF7A, s2;
	p2 =	seq.s32 @!p0 s5, $0x0  }
0x1f: {  	s9 =	smul.u32 $0xF7A, s1;
	s8 =	simm.s32 @!p0 $0x1BF5;
	p2 =	por !p2, p0  }
0x20: {  	[sflag:s8] =	ssyncset.s32 @!p0 $0xFFFFF086;
	s6 =	sadd.s32 @!p0 s3, s7;
	s7 =	simm.s32 @!p0 $0x108  }
0x21: {  	s3 =	sadd.s32 s3, s9;
	s6 =	sadd.s32 @!p0 $0x88, s6;
	s7 =	simm.s32 @p2 $0x1082  }
0x22: {  	[simem:s7], [sflag:s8] =	dma.local @!p0 [hbm:s6], $0xF7A  }
0x23: {  	s9 =	sor.u32 $0xD0000000, s2;
	s6 =	simm.s32 $0x108;
	_ =	swait.ge @!p0 [sflag:s8], $0x0  }
0x24: {  	s3 =	sadd.s32 $0x88, s3;
	s6 =	simm.s32 @!p1 $0x1082;
	[sflag:s4] =	ssyncset.s32 $0xFFFFF086  }
0x25: {  	[simem:s6], [sflag:s4] =	dma.local [hbm:s3], $0xF7A  }
0x26: {  	[smem:$0x3F90] =	sst s1;
	(tag) =	ssettag s2;
	_ =	strace s9  }
0x27: {  	s1 =	sld [smem:$0x3FA0]  }
0x28: {  	s2 =	sld [smem:$0x3FA1]  }
0x29: {  	s4 =	sld [smem:$0x3FA3]  }
0x2a: {  	p0 =	seq.s32 s5, $0x0;
	s5 =	sld [smem:$0x3FA4]  }
0x2b: {  	s6 =	sld [smem:$0x3FA5]  }
0x2c: {  	s7 =	sld [smem:$0x3FA6]  }
0x2d: {  	s3 =	simm.s32 $0x108;
	s8 =	sld [smem:$0x3FA7]  }
0x2e: {  	s3 =	simm.s32 @!p0 $0x1082;
	s9 =	sld [smem:$0x3FA8]  }
0x2f: {  	lr =	sadd.s32 s0, s3;
	s0 =	sld [smem:$0x3F9F]  }
0x30: {  	s3 =	sld [smem:$0x3FA2]  }
0x31: {  	[smem:$0x3FAB] =	sst s10  }
0x32: {  	s10 =	sld [smem:$0x3FA9];
	_ =	sdelay $0x3  }
0x33: {  	p0 =	seq.s32 s10, $0x1;
	s10 =	sld [smem:$0x3FAB];
	_ =	sdelay $0x3  }
0x34: {  	[smem:$0x3FAB] =	sst s10  }
0x35: {  	s10 =	sld [smem:$0x3FAA];
	_ =	sdelay $0x3  }
0x36: {  	p1 =	seq.s32 s10, $0x1;
	s10 =	sld [smem:$0x3FAB];
	_ =	sdelay $0x3  }
0x37: {  	[smem:$0x3FAB] =	sst s10  }
0x38: {  	s10 =	sld [smem:$0x3FAC]  }
0x39: {  	_ = 	snop;
	(pc) =	sbr.ind lr, $3  }
0x3a: {  	_ = 	snop  }
0x3b: {  	_ = 	snop  }
0x3c: {  	p2 =	seq.s32 s10, $0x1;
	s10 =	sld [smem:$0x3FAB]  }
0x3d: {  	_ =	shalt  }
0x3e: {  	_ =	shalt  }
0x3f: {  	_ =	shalt  }
0x40: {  	_ =	shalt  }
0x41: {  	_ =	shalt  }
0x42: {  	_ =	shalt  }
0x43: {  	_ =	shalt  }
0x44: {  	_ =	shalt  }
0x45: {  	_ =	shalt  }
0x46: {  	_ =	shalt  }
0x47: {  	_ =	shalt  }
0x48: {  	_ =	shalt  }
0x49: {  	_ =	shalt  }
0x4a: {  	_ =	shalt  }
0x4b: {  	_ =	shalt  }
0x4c: {  	_ =	shalt  }
0x4d: {  	_ =	shalt  }
0x4e: {  	_ =	shalt  }
0x4f: {  	_ =	shalt  }
0x50: {  	_ =	shalt  }
0x51: {  	_ =	shalt  }
0x52: {  	_ =	shalt  }
0x53: {  	_ =	shalt  }
0x54: {  	_ =	shalt  }
0x55: {  	_ =	shalt  }
0x56: {  	_ =	shalt  }
0x57: {  	_ =	shalt  }
0x58: {  	_ =	shalt  }
0x59: {  	_ =	shalt  }
0x5a: {  	_ =	shalt  }
0x5b: {  	_ =	shalt  }
0x5c: {  	_ =	shalt  }
0x5d: {  	_ =	shalt  }
0x5e: {  	_ =	shalt  }
0x5f: {  	_ =	shalt  }
0x60: {  	_ =	shalt  }
0x61: {  	_ =	shalt  }
0x62: {  	_ =	shalt  }
0x63: {  	_ =	shalt  }
0x64: {  	_ =	shalt  }
0x65: {  	_ =	shalt  }
0x66: {  	_ =	shalt  }
0x67: {  	_ =	shalt  }
0x68: {  	_ =	shalt  }
0x69: {  	_ =	shalt  }
0x6a: {  	_ =	shalt  }
0x6b: {  	_ =	shalt  }
0x6c: {  	_ =	shalt  }
0x6d: {  	_ =	shalt  }
0x6e: {  	_ =	shalt  }
0x6f: {  	_ =	shalt  }
0x70: {  	_ =	shalt  }
0x71: {  	_ =	shalt  }
0x72: {  	_ =	shalt  }
0x73: {  	_ =	shalt  }
0x74: {  	_ =	shalt  }
0x75: {  	_ =	shalt  }
0x76: {  	_ =	shalt  }
0x77: {  	_ =	shalt  }
0x78: {  	_ =	shalt  }
0x79: {  	_ =	shalt  }
0x7a: {  	_ =	shalt  }
0x7b: {  	_ =	shalt  }
0x7c: {  	_ =	shalt  }
0x7d: {  	_ =	shalt  }
0x7e: {  	_ =	shalt  }
0x7f: {  	_ =	shalt  }
0x80: {  	_ =	shalt  }
0x81: {  	_ =	shalt  }
0x82: {  	_ =	shalt  }
0x83: {  	_ =	shalt  }
0x84: {  	_ =	shalt  }
0x85: {  	_ =	shalt  }
0x86: {  	_ =	shalt  }
0x87: {  	_ =	shalt  }
.Lfunc_end0:
.L_simem_size_0:
called_computation_lowered:
.L_overlay_start_0:
0x88: {  	s2 =	sld [smem:$0x3FD9]  }
0x89: {  	s3 =	sld [smem:$0x3FFE];
	_ =	sdelay $0x1  }
0x8a: {  	s1 =	srdreg.scid  }
0x8b: {  	s0 =	sand.u32 $0x1, s1  }
0x8c: {  	s17 =	sshll.u32 s0, $0xA;
	s2 =	sadd.s32 s3, s2  }
0x8d: {  	s2 =	sadd.s32 s2, s17  }
0x8e: {  	[smem:$0x3FB7] =	sst s2  }
0x8f: {  	_ = 	snop  }
0x90: {  	s2 =	sld [smem:$0x3FC7];
	(tm) =	ssettm $0x1  }
0x91: {  	s18 =	sld [smem:$0x3FFB];
	_ =	sdelay $0x3  }
0x92: {  	_ =	strace s18  }
0x93: {  	s3 =	sld [smem:$0x3FFC];
	_ =	sdelay $0x3  }
0x94: {  	_ =	strace s3  }
0x95: {  	s3 =	sld [smem:$0x3FFD];
	_ =	sdelay $0x3  }
0x96: {  	_ =	strace s3  }
0x97: {  	_ =	strace $0x8FFFFFFF  }
0x98: {  	s19 =	sld [smem:$0x3FDB];
	_ =	sdelay $0x1  }
0x99: {  	s4 =	simm.s32 $_scs_section_size  }
0x9a: {  	s5 =	simm.s32 $_size__tile_overlayer_lowered;
	s6 =	simm.s32 $_tile_overlayer_lowered  }
0x9b: {  	s22 =	simm.s32 $0x1BFF;
	s21 =	sshll.u32 s6, $0x1;
	s3 =	sadd.s32 s4, s19  }
0x9c: {  	s7 =	simm.s32 $0x0;
	s20 =	sshll.u32 s5, $0x1;
	s5 =	sadd.s32 s21, s3  }
0x9d: {  	[timem:s7], [sflag:s22] =	dma.local [hbm:s5], s20  }
0x9e: {  	_ =	swait.ge [sflag:s22], s20  }
0x9f: {  	s4 =	ssub.s32 $0x0, s20;
	[sflag:s22] =	ssyncset.done $0x0  }
0xa0: {  	[sflag:s22] =	ssyncadd.s32 s4;
	_ =	sdelay $0x1  }
0xa1: {  	s23 =	simm.s32 $0x1B8B  }
0xa2: {  	_ =	swait.ge [sflag:s23], $0x1  }
0xa3: {  	[sflag:s23] =	ssyncset.done $0x0  }
0xa4: {  	s25 =	simm.s32 $0x1B8E;
	s24 =	sld [smem:$0x3FFE];
	[sflag:s23] =	ssyncadd.s32 $0xFFFFFFFF  }
0xa5: {  	s26 =	simm.s32 $execute0_lowered;
	[smem:$0x3FD2] =	sst s25  }
0xa6: {  	s5 =	sshll.u32 s26, $0x1;
	_ =	strace $0x80000046;
	[dreg:$0x1] =	wrdreg $0xFFFFFFFF  }
0xa7: {  	s28 =	simm.s32 $_size_execute0_lowered;
	s3 =	sadd.s32 s3, s5;
	[dreg:$0x0] =	wrdreg $0x0  }
0xa8: {  	s5 =	sshll.u32 s28, $0x1;
	[dreg:$0x2] =	wrdreg s3  }
0xa9: {  	[dreg:$0x3] =	wrdreg s5  }
0xaa: {  	[dreg:$0x4] =	wrdreg $0xC0  }
0xab: {  	_ =	task [dreg:s7], $0x5FFFF  }
0xac: {  	[dreg:$0x1] =	wrdreg $0xFFFFFFFF  }
0xad: {  	[dreg:$0x0] =	wrdreg $0x60  }
0xae: {  	[dreg:$0x2] =	wrdreg s2  }
0xaf: {  	[dreg:$0x3] =	wrdreg s24  }
0xb0: {  	[dreg:$0x4] =	wrdreg $0x9  }
0xb1: {  	_ =	task.clear_ibuf [dreg:s7], $0x5FFFF;
	_ =	strace $0x90000046  }
0xb2: {  	s29 =	simm.s32 $0x9;
	_ =	strace $0x80000048  }
0xb3: {  	_ =	swait.ge [sflag:s29], $0x1  }
0xb4: {  	[sflag:s29] =	ssyncadd.s32 $0xFFFFFFFF  }
0xb5: {  	_ =	strace $0x90000048  }
0xb6: {  	_ =	sfence  }
0xb7: {  	s30 =	sld [smem:$0x0];
	_ =	sdelay $0x2  }
0xb8: {  	s31 =	sshll.u32 s1, $0xD;
	s1 =	sshrl.u32 s1, $0x2  }
0xb9: {  	s3 =	sand.u32 $0x4000, s31;
	s1 =	sadd.s32 s1, s30  }
0xba: {  	s0 =	sor.u32 s3, s0;
	s1 =	sshll.u32 s1, $0x11  }
0xbb: {  	s0 =	sor.u32 s1, s0  }
0xbc: {  	s0 =	sadd.s32 $0x8F2B, s0  }
0xbd: {  	[sflag:s0] =	ssyncadd.remote.s32 $0x1  }
0xbe: {  	_ =	sfence.sel $0xFFFF  }
0xbf: {  	[dreg:$0x0] =	wrdreg $0xFFFFFFFF;
	(pc) =	sbr.abs _section_cstart, $3  }
0xc0: {  	[dreg:$0x1] =	wrdreg $0xFFFFFFFF  }
0xc1: {  	_ =	task.clear_ibuf [dreg:s7], $0x2FFFF;
	_ =	strace $0x9FFFFFFF  }
0xc2: {  	(tm) =	ssettm $0x7FFFFFFF  }
0xc3: {  	_ =	shalt  }
tec
execute0_lowered:
.L_overlay_start_1:
0x0: {  	(tag) =	ssettag $0x1  }
0x1: {  	s4 =	rddreg [dreg:$0x0];
	s1 =	srdreg.scid  }
0x2: {  	s0 =	stileid.u32;
	s3 =	rddreg [dreg:$0x1];
	s10 =	simm.s32 $0x2  }
0x3: {  	s11 =	simm.s32 $0x80;
	s12 =	simm.s32 $0x400;
	s13 =	simm.s32 $0x3  }
0x4: {  	s14 =	simm.s32 $0x0;
	s5 =	sand.u32 $0x1, s1;
	s2 =	sshll.u32 s0, $0x1  }
0x5: {  	s1 =	rddreg [dreg:$0x2];
	s7 =	sshrl.u32 s0, $0x2;
	s6 =	sor.u32 s5, s2  }
0x6: {  	s2 =	simm.s32 $0x0;
	s7 =	smul.u32 $0x13C00, s7;
	s5 =	ssub.s32 $0x2, s5  }
0x7: {  	s8 =	sshll.u32 s6, $0x7;
	[smem:$0x7FF] =	sst s2;
	s6 =	smul.u32 $0x4E2, s6  }
0x8: {  	s31 =	sshrl.u32 s5, $0x1;
	s8 =	sand.u32 $0x380, s8;
	_ =	strace $0x80000047  }
0x9: {  	s7 =	sor.u32 s7, s8;
	s9 =	sadd.s32 s6, s3;
	s8 =	ssub.s32 s5, s31  }
0xa: {  	s4 =	sadd.s32 s4, s6;
	s7 =	sshrl.u32 s7, $0x3;
	s6 =	smax.u32 s8, $0x1  }
0xb: {  	s8 =	simm.s32 $0x4F00;
	s7 =	sadd.s32 s7, s3;
	s3 =	sadd.s32 $0xE200, s9  }
0xc: {  	v0 =	vimm.f32 $0.0e+00;
	s9 =	simm.s32 $0x1;
	s5 =	sadd.s32 $0x18000, s7;
	s7 =	simm.s32 $0x2780  }
.LBB2_1:
0xd: {  	[tilespmem:s7], [sflag:$0x1] =	stream.linear.gather [hbm4b:s3+s2], $0x2710, $0x38;
	[tilespmem:$0x7680] =	vst v63  }
0xe: {  	s15 =	simm.s32 $0x40  }
0xf: {  	[tilespmem:s8], [sflag:$0x2] =	stream.linear.gather [hbm4b:s4+s2], $0x2710, $0x38;
	[tilespmem:$0x7680] =	vst v63  }
0x10: {  	[tilespmem:s15+$0xFFFFFFC0] =	vst v0  }
0x11: {  	[tilespmem:s15+$0x30] =	vst v0  }
0x12: {  	[tilespmem:s15+$0x20] =	vst v0  }
0x13: {  	[tilespmem:s15+$0x10] =	vst v0  }
0x14: {  	[tilespmem:s15+$0x0] =	vst v0  }
0x15: {  	[tilespmem:s15+$0xFFFFFFF0] =	vst v0  }
0x16: {  	s16 =	simm.s32 $0x0;
	[tilespmem:s15+$0xFFFFFFE0] =	vst v0  }
.LBB2_2:
0x17: {  	s16 =	sadd.s32 $0x8, s16;
	[tilespmem:s15+$0xFFFFFFD0] =	vst v0;
	s15 =	sadd.s32 $0x80, s15  }
0x18: {  	[tilespmem:s15+$0xFFFFFFC0] =	vst v0;
	p0 =	slt.u32 s16, $0x268  }
0x19: {  	[tilespmem:s15+$0x30] =	vst v0  }
.Ltmp0:
0x1a: {  	[tilespmem:s15+$0x20] =	vst v0;
	(pc) =	sbr.rel @p0 .LBB2_2-.Ltmp0, $4  }
0x1b: {  	[tilespmem:s15+$0x10] =	vst v0  }
0x1c: {  	[tilespmem:s15+$0x0] =	vst v0  }
0x1d: {  	[tilespmem:s15+$0xFFFFFFF0] =	vst v0  }
0x1e: {  	[tilespmem:s15+$0xFFFFFFE0] =	vst v0  }
0x1f: {  	[tilespmem:s15+$0xFFFFFFD0] =	vst v0  }
0x20: {  	[tilespmem:$0x2700] =	vst v0  }
0x21: {  	_ =	swait.ge [sflag:s9], $0x2710  }
0x22: {  	[sflag:s9] =	ssyncset.done $0x0  }
0x23: {  	[sflag:s9] =	ssyncadd.s32 $0xFFFFD8F0  }
0x24: {  	_ =	swait.ge [sflag:s10], $0x2710  }
0x25: {  	[sflag:s10] =	ssyncset.done $0x0  }
0x26: {  	s16 =	simm.s32 $0x27C0;
	[sflag:s10] =	ssyncadd.s32 $0xFFFFD8F0  }
0x27: {  	v1 =	vld [tilespmem:s16+$0x30]  }
0x28: {  	v2 =	vld [tilespmem:s16+$0xFFFFFFD0]  }
0x29: {  	s15 =	simm.s32 $0x4F40;
	v3 =	vld [tilespmem:s16+$0xFFFFFFE0]  }
0x2a: {  	v4 =	vld [tilespmem:s15+$0x30]  }
0x2b: {  	v5 =	vld [tilespmem:s16+$0xFFFFFFF0]  }
0x2c: {  	v6 =	vld [tilespmem:s16+$0x0]  }
0x2d: {  	v7 =	vld [tilespmem:s16+$0x10]  }
0x2e: {  	v8 =	vld [tilespmem:s16+$0x20]  }
0x2f: {  	v63 =	vld [tilespmem:s15+$0xFFFFFFC0]  }
0x30: {  	v9 =	vld [tilespmem:s15+$0xFFFFFFD0]  }
0x31: {  	v10 =	vld [tilespmem:s15+$0xFFFFFFE0]  }
0x32: {  	v11 =	vld [tilespmem:s15+$0xFFFFFFF0]  }
0x33: {  	v12 =	vld [tilespmem:s15+$0x0]  }
0x34: {  	v13 =	vld [tilespmem:s15+$0x10]  }
0x35: {  	[tilespmem:v1+s2+$0x0] =	vst.idx.add.f32.msk $0xffff, v4  }
0x36: {  	v1 =	vld [tilespmem:s16+$0xFFFFFFC0]  }
0x37: {  	v14 =	vld [tilespmem:s15+$0x20]  }
0x38: {  	[tilespmem:v2+s2+$0x0] =	vst.idx.add.f32.msk $0xffff, v9  }
0x39: {  	[tilespmem:v3+s2+$0x0] =	vst.idx.add.f32.msk $0xffff, v10  }
0x3a: {  	[tilespmem:v5+s2+$0x0] =	vst.idx.add.f32.msk $0xffff, v11  }
0x3b: {  	[tilespmem:v6+s2+$0x0] =	vst.idx.add.f32.msk $0xffff, v12  }
0x3c: {  	[tilespmem:v7+s2+$0x0] =	vst.idx.add.f32.msk $0xffff, v13  }
0x3d: {  	[tilespmem:v8+s2+$0x0] =	vst.idx.add.f32.msk $0xffff, v14  }
0x3e: {  	s17 =	simm.s32 $0x2840;
	s16 =	simm.s32 $0x0;
	[tilespmem:v1+s2+$0x0] =	vst.idx.add.f32.msk $0xffff, v63  }
.LBB2_4:
0x3f: {  	v1 =	vld [tilespmem:s17+$0x30];
	s16 =	sadd.s32 $0x8, s16  }
0x40: {  	v2 =	vld [tilespmem:s17+$0xFFFFFFD0];
	p0 =	slt.u32 s16, $0x268  }
0x41: {  	s15 =	sadd.s32 $0x80, s15;
	v3 =	vld [tilespmem:s17+$0xFFFFFFE0]  }
0x42: {  	v4 =	vld [tilespmem:s15+$0x30]  }
0x43: {  	v5 =	vld [tilespmem:s17+$0xFFFFFFF0]  }
0x44: {  	v6 =	vld [tilespmem:s17+$0x0]  }
0x45: {  	v7 =	vld [tilespmem:s17+$0x10]  }
0x46: {  	v8 =	vld [tilespmem:s17+$0x20]  }
0x47: {  	[tilespmem:v1+s2+$0x0] =	vst.idx.add.f32.msk $0xffff, v4  }
0x48: {  	v1 =	vld [tilespmem:s17+$0xFFFFFFC0]  }
0x49: {  	v4 =	vld [tilespmem:s15+$0xFFFFFFC0]  }
0x4a: {  	v9 =	vld [tilespmem:s15+$0xFFFFFFD0]  }
0x4b: {  	v10 =	vld [tilespmem:s15+$0xFFFFFFE0]  }
0x4c: {  	v11 =	vld [tilespmem:s15+$0xFFFFFFF0]  }
0x4d: {  	v12 =	vld [tilespmem:s15+$0x0]  }
0x4e: {  	v13 =	vld [tilespmem:s15+$0x10]  }
0x4f: {  	v14 =	vld [tilespmem:s15+$0x20]  }
0x50: {  	[tilespmem:v1+s2+$0x0] =	vst.idx.add.f32.msk $0xffff, v4  }
0x51: {  	[tilespmem:v2+s2+$0x0] =	vst.idx.add.f32.msk $0xffff, v9  }
.Ltmp1:
0x52: {  	[tilespmem:v3+s2+$0x0] =	vst.idx.add.f32.msk $0xffff, v10;
	(pc) =	sbr.rel @p0 .LBB2_4-.Ltmp1, $4  }
0x53: {  	[tilespmem:v5+s2+$0x0] =	vst.idx.add.f32.msk $0xffff, v11  }
0x54: {  	[tilespmem:v6+s2+$0x0] =	vst.idx.add.f32.msk $0xffff, v12  }
0x55: {  	[tilespmem:v7+s2+$0x0] =	vst.idx.add.f32.msk $0xffff, v13  }
0x56: {  	s17 =	sadd.s32 $0x80, s17;
	[tilespmem:v8+s2+$0x0] =	vst.idx.add.f32.msk $0xffff, v14  }
0x57: {  	v1 =	vld [tilespmem:$0x4E80];
	_ =	sdelay $0x2  }
0x58: {  	v2 =	vld [tilespmem:$0x7600];
	_ =	sdelay $0x2  }
0x59: {  	s14 =	sadd.s32 $0x1, s14  }
0x5a: {  	p0 =	sne.s32 s14, s6  }
.Ltmp2:
0x5b: {  	[tilespmem:v1+s2+$0x0] =	vst.idx.add.f32.msk $0xffff, v2;
	(pc) =	sbr.rel @p0 .LBB2_1-.Ltmp2, $4  }
0x5c: {  	[hbm4b:s5+s11] =	stream.strided.scatter [tilespmem:s2], [sflag:$0x3], $0x2780, s12, s11, $0x38;
	[tilespmem:$0x7680] =	vst v63  }
0x5d: {  	_ =	swait.ge [sflag:s13], $0x2780  }
0x5e: {  	[sflag:s13] =	ssyncset.done $0x0  }
0x5f: {  	[sflag:s13] =	ssyncadd.s32 $0xFFFFD880  }
0x60: {  	_ =	sfence.sel $0x180000  }
0x61: {  	[bflag:$0x0] =	sbarrier.arrive $0xFFFF  }
0x62: {  	p0 =	sne.s32 s0, $0x0;
	_ =	strace $0x90000047  }
0x63: {  	s0 =	sadd.s32 @!p0 $0x100000, s1;
	[bflag:$0x2] =	sbarrier.arrive $0xFFFF  }
0x64: {  	[sflag:s0] =	ssyncadd.tile.s32 @!p0 $0x1;
	_ =	shalt  }
.Lfunc_end2:
_tile_overlayer_lowered:
.L_overlay_start_2:
0x65: {  	(tag) =	ssettag $0x2  }
0x66: {  	s0 =	rddreg [dreg:$0x0];
	s2 =	stileid.u32  }
0x67: {  	s1 =	rddreg [dreg:$0x1];
	p0 =	sne.s32 s2, $0x0  }
0x68: {  	s3 =	rddreg [dreg:$0x2];
	[bflag:$0x3] =	sbarrier.arrive $0xFFFF;
	s2 =	simm.s32 @!p0 $0x1C03  }
0x69: {  	[timem:s3], [sflag:s2] =	dma.local @!p0 [hbm:s0], s1  }
0x6a: {  	s0 =	simm.s32 @!p0 $0x3  }
0x6b: {  	_ =	swait.ge @!p0 [sflag:s0], s1  }
0x6c: {  	s1 =	ssub.s32 @!p0 $0x0, s1;
	[sflag:s0] =	ssyncset.done @!p0 $0x0  }
0x6d: {  	[sflag:s0] =	ssyncadd.s32 @!p0 s1  }
0x6e: {  	[bflag:$0x3] =	sbarrier.arrive $0xFFFF  }
0x6f: {  	_ =	shalt  }

</sc_bundles>
